<compile_context>
chip_gen: v7x
topology: tpu7x:2x2x1
jax: 0.10.2.dev20260603
libtpu: 0.0.44.dev20260713+nightly
codegen_flags: <defaults>
</compile_context>

<pallas_src>
import functools

import jax
import jax.numpy as jnp
from jax import lax
from jax.experimental import pallas as pl
from jax.experimental.pallas import tpu as pltpu
from jax.experimental.pallas import tpu_sc as plsc

N = 10000
D = 128
E = 320000

NC = 2
NS = 16
NW = NC * NS
EPT = E // NW
K = 40
CH = EPT // K
NP = 10240
RPT = NP // NS
ZR = 32
AR = NP // D


def _pre_body(x_ref, wt_ref, wa_ref, u_ref):
    x = x_ref[...]
    t = jnp.dot(x, wt_ref[...], preferred_element_type=jnp.float32)
    u_ref[...] = jnp.concatenate([t * wa_ref[...], x], axis=1)


def _sc_body(u_hbm, x_hbm, src_hbm, dst_hbm, out_feat, out_att,
             srcv, dstv, uv, xv, mv, zv, av2, attv, ididx, sem1, sem2,
             acc_sh, att_sh):
    c = lax.axis_index("c")
    s = lax.axis_index("s")
    wid = c * NS + s

    def zrow(i, _):
        for j in range(D // 16):
            zv[i, pl.ds(j * 16, 16)] = jnp.zeros((16,), jnp.float32)
        return 0
    lax.fori_loop(0, ZR, zrow, 0)

    def zatt(i, _):
        for j in range(D // 16):
            attv[i, pl.ds(j * 16, 16)] = jnp.zeros((16,), jnp.float32)
        return 0
    lax.fori_loop(0, AR, zatt, 0)

    for j in range(AR // 16):
        ididx[pl.ds(j * 16, 16)] = lax.iota(jnp.int32, 16) + j * 16

    for t in range(RPT // ZR):
        pltpu.sync_copy(zv, acc_sh.at[pl.ds(s * RPT + t * ZR, ZR)])

    @pl.when(s < AR // 8)
    def _():
        pltpu.sync_copy(zv.at[pl.ds(0, 8)], att_sh.at[pl.ds(s * 8, 8)])

    plsc.subcore_barrier()

    def chunk(ch, _):
        base = wid * EPT + ch * K
        pltpu.sync_copy(src_hbm.at[pl.ds(base, K)], srcv)
        pltpu.sync_copy(dst_hbm.at[pl.ds(base, K)], dstv)
        cp1 = pltpu.async_copy(u_hbm.at[srcv], uv, sem1)
        cp2 = pltpu.async_copy(x_hbm.at[dstv], xv, sem2)
        cp1.wait()
        cp2.wait()

        def edge(k, _):
            dot = uv[k, pl.ds(0, 16)] * xv[k, pl.ds(0, 16)]
            for j in range(1, D // 16):
                dot += uv[k, pl.ds(j * 16, 16)] * xv[k, pl.ds(j * 16, 16)]
            tot = jnp.sum(dot)
            a = jnp.exp(jnp.broadcast_to(tot, (16,)))
            for j in range(D // 16):
                mv[k, pl.ds(j * 16, 16)] = a * uv[k, pl.ds(D + j * 16, 16)]
            av2[k, pl.ds(0, 16)] = a
            return 0
        lax.fori_loop(0, K, edge, 0)

        for g in range(K // 16):
            ei = lax.iota(jnp.int32, 16) + g * 16
            vals = plsc.load_gather(av2, [ei, jnp.zeros((16,), jnp.int32)])
            d16 = dstv[pl.ds(g * 16, 16)]
            plsc.addupdate_scatter(attv, [d16 // D, d16 % D], vals)

        pltpu.sync_copy(mv, acc_sh.at[dstv], add=True)
        return 0
    lax.fori_loop(0, CH, chunk, 0)

    pltpu.sync_copy(attv, att_sh.at[ididx], add=True)
    plsc.subcore_barrier()

    for t in range(RPT // ZR):
        pltpu.sync_copy(acc_sh.at[pl.ds(s * RPT + t * ZR, ZR)], zv)
        pltpu.sync_copy(zv, out_feat.at[pl.ds(c * NP + s * RPT + t * ZR, ZR)])

    @pl.when(s < AR // 8)
    def _():
        pltpu.sync_copy(att_sh.at[pl.ds(s * 8, 8)],
                        out_att.at[pl.ds(c * AR + s * 8, 8)])


def _post_body(p0_ref, p1_ref, a0_ref, a1_ref, g_ref, b_ref, o_ref):
    acc = p0_ref[...] + p1_ref[...]
    ssum = a0_ref[...] + a1_ref[...]
    ssum = jnp.where(ssum > 0.0, ssum, 1.0)
    h = jnp.maximum(acc / ssum, 0.0)
    mu = jnp.mean(h, axis=1, keepdims=True)
    var = jnp.mean((h - mu) * (h - mu), axis=1, keepdims=True)
    o_ref[...] = (h - mu) * lax.rsqrt(var + 1e-5) * g_ref[...] + b_ref[...]


def kernel(x, edge_index, W_T, W_A, ln_gamma, ln_beta):
    wa_row = W_A.reshape(1, D)

    rb = 1000
    u_full = pl.pallas_call(
        _pre_body,
        grid=(N // rb,),
        in_specs=[
            pl.BlockSpec((rb, D), lambda i: (i, 0)),
            pl.BlockSpec((D, D), lambda i: (0, 0)),
            pl.BlockSpec((1, D), lambda i: (0, 0)),
        ],
        out_specs=pl.BlockSpec((rb, 2 * D), lambda i: (i, 0)),
        out_shape=jax.ShapeDtypeStruct((N, 2 * D), jnp.float32),
    )(x, W_T, wa_row)

    src = edge_index[0]
    dst = edge_index[1]

    mesh = plsc.VectorSubcoreMesh(
        core_axis_name="c", subcore_axis_name="s",
        num_cores=NC, num_subcores=NS)
    sc_call = functools.partial(
        pl.kernel,
        out_type=(jax.ShapeDtypeStruct((NC * NP, D), jnp.float32),
                  jax.ShapeDtypeStruct((NC * AR, D), jnp.float32)),
        mesh=mesh,
        compiler_params=pltpu.CompilerParams(needs_layout_passes=False),
        scratch_types=[
            pltpu.VMEM((K,), jnp.int32),
            pltpu.VMEM((K,), jnp.int32),
            pltpu.VMEM((K, 2 * D), jnp.float32),
            pltpu.VMEM((K, D), jnp.float32),
            pltpu.VMEM((K, D), jnp.float32),
            pltpu.VMEM((ZR, D), jnp.float32),
            pltpu.VMEM((K, 16), jnp.float32),
            pltpu.VMEM((AR, D), jnp.float32),
            pltpu.VMEM((AR,), jnp.int32),
            pltpu.SemaphoreType.DMA,
            pltpu.SemaphoreType.DMA,
            pltpu.VMEM_SHARED((NP, D), jnp.float32),
            pltpu.VMEM_SHARED((AR, D), jnp.float32),
        ],
    )(_sc_body)
    feats, atts = sc_call(u_full, x, src, dst)

    att0 = atts[:AR].reshape(-1)[:N].reshape(N, 1)
    att1 = atts[AR:].reshape(-1)[:N].reshape(N, 1)

    gam = ln_gamma.reshape(1, D)
    bet = ln_beta.reshape(1, D)
    h = pl.pallas_call(
        _post_body,
        grid=(N // rb,),
        in_specs=[
            pl.BlockSpec((rb, D), lambda i: (i, 0)),
            pl.BlockSpec((rb, D), lambda i: (i, 0)),
            pl.BlockSpec((rb, 1), lambda i: (i, 0)),
            pl.BlockSpec((rb, 1), lambda i: (i, 0)),
            pl.BlockSpec((1, D), lambda i: (0, 0)),
            pl.BlockSpec((1, D), lambda i: (0, 0)),
        ],
        out_specs=pl.BlockSpec((rb, D), lambda i: (i, 0)),
        out_shape=jax.ShapeDtypeStruct((N, D), jnp.float32),
    )(feats[:N], feats[NP:NP + N], att0, att1, gam, bet)
    return h

# --- scband reference (transcript-rebuilt; emitter-appended) ---
"""Pipeline reference for scband-model-81063212744926 (READ-ONLY COPY).

The authoritative reference and input builder live on the scoring server;
editing this copy changes nothing except your own understanding.
"""

import jax, jax.numpy as jnp
import numpy as np

N = 10000
E = 320000
D = 128

def setup_inputs(seed: int = 0) -> dict:
    key = jax.random.key(seed)
    k1, k2, k3, k4 = jax.random.split(key, 4)
    x = jax.random.normal(k1, (N, D), dtype=jnp.float32)
    edge_index = jax.random.randint(k2, (2, E), 0, N, dtype=jnp.int32)
    W_T = jax.random.normal(k3, (D, D), dtype=jnp.float32) / np.sqrt(D)
    W_A = jax.random.normal(k4, (D, 1), dtype=jnp.float32) * 0.01
    ln_gamma = jnp.ones((D,), dtype=jnp.float32)
    ln_beta = jnp.zeros((D,), dtype=jnp.float32)
    return {"x": x, "edge_index": edge_index, "W_T": W_T, "W_A": W_A, "ln_gamma": ln_gamma, "ln_beta": ln_beta}

def reference(x, edge_index, W_T, W_A, ln_gamma, ln_beta):
    # Faithful translation of RelationalAGG for a single (homogeneous) edge type.
    src = edge_index[0]
    dst = edge_index[1]
    n = x.shape[0]
    # t_h = W_T(feat_src)
    t_h = x @ W_T
    # apply_edges u_mul_v('t_h','h','x'): elementwise src-transformed * dst feature
    e_x = t_h[src] * x[dst]
    # attention logits: exp(W_A(edge_x)) -> positive edge weights
    a = jnp.exp(e_x @ W_A)  # [E, 1]
    # copy_e + sum into dst: attention normalizer per dst node
    att_sum = jax.ops.segment_sum(a, dst, num_segments=n)  # [N, 1]
    # e_div_v: normalized per-edge attention
    att = a / att_sum[dst]
    # u_mul_e('h','att','m') + sum('m','h'): weighted aggregation of src features
    m = x[src] * att
    h = jax.ops.segment_sum(m, dst, num_segments=n)  # [N, D]
    # relu -> layernorm (dropout is identity in eval)
    h = jax.nn.relu(h)
    mu = jnp.mean(h, axis=-1, keepdims=True)
    var = jnp.var(h, axis=-1, keepdims=True)
    h = (h - mu) / jnp.sqrt(var + 1e-5) * ln_gamma + ln_beta
    return h

if __name__ == "__main__":
    import jax
    _d = setup_inputs()
    print(jax.jit(kernel)(*tuple(_d.values())))

</pallas_src>

<mosaic_0001>
#map = affine_map<(d0, d1) -> (0, 0)>
#map1 = affine_map<(d0, d1) -> (0)>
module attributes {stable_mosaic.version = 14 : i64} {
  func.func @_sc_body(%arg0: i32, %arg1: i32, %arg2: memref<10000x256xf32, #tpu.memory_space<hbm>>, %arg3: memref<10000x128xf32, #tpu.memory_space<hbm>>, %arg4: memref<320000xi32, #tpu.memory_space<hbm>>, %arg5: memref<320000xi32, #tpu.memory_space<hbm>>, %arg6: memref<20480x128xf32, #tpu.memory_space<hbm>>, %arg7: memref<160x128xf32, #tpu.memory_space<hbm>>, %arg8: memref<40xi32, #tpu.memory_space<vmem>>, %arg9: memref<40xi32, #tpu.memory_space<vmem>>, %arg10: memref<40x256xf32, #tpu.memory_space<vmem>>, %arg11: memref<40x128xf32, #tpu.memory_space<vmem>>, %arg12: memref<40x128xf32, #tpu.memory_space<vmem>>, %arg13: memref<32x128xf32, #tpu.memory_space<vmem>>, %arg14: memref<40x16xf32, #tpu.memory_space<vmem>>, %arg15: memref<80x128xf32, #tpu.memory_space<vmem>>, %arg16: memref<80xi32, #tpu.memory_space<vmem>>, %arg17: memref<!tpu.dma_semaphore, #tpu.memory_space<semaphore_mem>>, %arg18: memref<!tpu.dma_semaphore, #tpu.memory_space<semaphore_mem>>, %arg19: memref<10240x128xf32, #tpu.memory_space<vmem_shared>>, %arg20: memref<80x128xf32, #tpu.memory_space<vmem_shared>>) attributes {dimension_semantics = [#tpu.dimension_semantics<core_parallel>, #tpu.dimension_semantics<subcore_parallel>], iteration_bounds = array<i64: 2, 16>, scalar_prefetch = 0 : i64, scratch_operands = 13 : i64, tpu.core_type = #tpu.core_type<sc_vector_subcore>, window_params = [{transform_indices = #map}, {transform_indices = #map}, {transform_indices = #map1}, {transform_indices = #map1}, {transform_indices = #map}, {transform_indices = #map}]} {
    %mul3A = arith.constant 16 : i32
    %mul3A_0 = arith.muli %arg0, %mul3A : i32
    %add3A = arith.addi %mul3A_0, %arg1 : i32
    %scan3A = arith.constant 0 : i32
    %scan3A_1 = arith.constant 0 : i32
    %scan3A_2 = arith.constant 32 : i32
    %scan3A_3 = arith.addi %scan3A_1, %scan3A_2 : i32
    %scan3A_4 = arith.constant 1 : i32
    %scan3A_5 = scf.for %scan3A_357 = %scan3A_1 to %scan3A_3 step %scan3A_4 iter_args(%scan3A_358 = %scan3A) -> (i32)  : i32 {
      %broadcast_in_dim3A = arith.constant 0.000000e+00 : f32
      %broadcast_in_dim3A_359 = vector.broadcast %broadcast_in_dim3A : f32 to vector<16xf32>
      %swap3A_360 = arith.index_cast %scan3A_357 : i32 to index
      %swap3A_361 = arith.constant 0 : index
      %swap3A_362 = tpu.vector_load %arg13[%swap3A_360, %swap3A_361] {strides = array<i32>} : memref<32x128xf32, #tpu.memory_space<vmem>>, vector<16xf32>,
      tpu.vector_store %arg13[%swap3A_360, %swap3A_361], %broadcast_in_dim3A_359 {strides = array<i32>} : memref<32x128xf32, #tpu.memory_space<vmem>>, vector<16xf32>,
      %broadcast_in_dim3A_363 = arith.constant 0.000000e+00 : f32
      %broadcast_in_dim3A_364 = vector.broadcast %broadcast_in_dim3A_363 : f32 to vector<16xf32>
      %swap3A_365 = arith.index_cast %scan3A_357 : i32 to index
      %swap3A_366 = arith.constant 16 : index
      %swap3A_367 = tpu.vector_load %arg13[%swap3A_365, %swap3A_366] {strides = array<i32>} : memref<32x128xf32, #tpu.memory_space<vmem>>, vector<16xf32>,
      tpu.vector_store %arg13[%swap3A_365, %swap3A_366], %broadcast_in_dim3A_364 {strides = array<i32>} : memref<32x128xf32, #tpu.memory_space<vmem>>, vector<16xf32>,
      %broadcast_in_dim3A_368 = arith.constant 0.000000e+00 : f32
      %broadcast_in_dim3A_369 = vector.broadcast %broadcast_in_dim3A_368 : f32 to vector<16xf32>
      %swap3A_370 = arith.index_cast %scan3A_357 : i32 to index
      %swap3A_371 = arith.constant 32 : index
      %swap3A_372 = tpu.vector_load %arg13[%swap3A_370, %swap3A_371] {strides = array<i32>} : memref<32x128xf32, #tpu.memory_space<vmem>>, vector<16xf32>,
      tpu.vector_store %arg13[%swap3A_370, %swap3A_371], %broadcast_in_dim3A_369 {strides = array<i32>} : memref<32x128xf32, #tpu.memory_space<vmem>>, vector<16xf32>,
      %broadcast_in_dim3A_373 = arith.constant 0.000000e+00 : f32
      %broadcast_in_dim3A_374 = vector.broadcast %broadcast_in_dim3A_373 : f32 to vector<16xf32>
      %swap3A_375 = arith.index_cast %scan3A_357 : i32 to index
      %swap3A_376 = arith.constant 48 : index
      %swap3A_377 = tpu.vector_load %arg13[%swap3A_375, %swap3A_376] {strides = array<i32>} : memref<32x128xf32, #tpu.memory_space<vmem>>, vector<16xf32>,
      tpu.vector_store %arg13[%swap3A_375, %swap3A_376], %broadcast_in_dim3A_374 {strides = array<i32>} : memref<32x128xf32, #tpu.memory_space<vmem>>, vector<16xf32>,
      %broadcast_in_dim3A_378 = arith.constant 0.000000e+00 : f32
      %broadcast_in_dim3A_379 = vector.broadcast %broadcast_in_dim3A_378 : f32 to vector<16xf32>
      %swap3A_380 = arith.index_cast %scan3A_357 : i32 to index
      %swap3A_381 = arith.constant 64 : index
      %swap3A_382 = tpu.vector_load %arg13[%swap3A_380, %swap3A_381] {strides = array<i32>} : memref<32x128xf32, #tpu.memory_space<vmem>>, vector<16xf32>,
      tpu.vector_store %arg13[%swap3A_380, %swap3A_381], %broadcast_in_dim3A_379 {strides = array<i32>} : memref<32x128xf32, #tpu.memory_space<vmem>>, vector<16xf32>,
      %broadcast_in_dim3A_383 = arith.constant 0.000000e+00 : f32
      %broadcast_in_dim3A_384 = vector.broadcast %broadcast_in_dim3A_383 : f32 to vector<16xf32>
      %swap3A_385 = arith.index_cast %scan3A_357 : i32 to index
      %swap3A_386 = arith.constant 80 : index
      %swap3A_387 = tpu.vector_load %arg13[%swap3A_385, %swap3A_386] {strides = array<i32>} : memref<32x128xf32, #tpu.memory_space<vmem>>, vector<16xf32>,
      tpu.vector_store %arg13[%swap3A_385, %swap3A_386], %broadcast_in_dim3A_384 {strides = array<i32>} : memref<32x128xf32, #tpu.memory_space<vmem>>, vector<16xf32>,
      %broadcast_in_dim3A_388 = arith.constant 0.000000e+00 : f32
      %broadcast_in_dim3A_389 = vector.broadcast %broadcast_in_dim3A_388 : f32 to vector<16xf32>
      %swap3A_390 = arith.index_cast %scan3A_357 : i32 to index
      %swap3A_391 = arith.constant 96 : index
      %swap3A_392 = tpu.vector_load %arg13[%swap3A_390, %swap3A_391] {strides = array<i32>} : memref<32x128xf32, #tpu.memory_space<vmem>>, vector<16xf32>,
      tpu.vector_store %arg13[%swap3A_390, %swap3A_391], %broadcast_in_dim3A_389 {strides = array<i32>} : memref<32x128xf32, #tpu.memory_space<vmem>>, vector<16xf32>,
      %broadcast_in_dim3A_393 = arith.constant 0.000000e+00 : f32
      %broadcast_in_dim3A_394 = vector.broadcast %broadcast_in_dim3A_393 : f32 to vector<16xf32>
      %swap3A_395 = arith.index_cast %scan3A_357 : i32 to index
      %swap3A_396 = arith.constant 112 : index
      %swap3A_397 = tpu.vector_load %arg13[%swap3A_395, %swap3A_396] {strides = array<i32>} : memref<32x128xf32, #tpu.memory_space<vmem>>, vector<16xf32>,
      tpu.vector_store %arg13[%swap3A_395, %swap3A_396], %broadcast_in_dim3A_394 {strides = array<i32>} : memref<32x128xf32, #tpu.memory_space<vmem>>, vector<16xf32>,
      %scan3A_398 = arith.constant 0 : i32
      scf.yield %scan3A_398 : i32
    }
    %scan3A_6 = arith.constant 32 : i32
    %scan3A_7 = arith.constant 0 : i32
    %scan3A_8 = arith.constant 0 : i32
    %scan3A_9 = arith.constant 80 : i32
    %scan3A_10 = arith.addi %scan3A_8, %scan3A_9 : i32
    %scan3A_11 = arith.constant 1 : i32
    %scan3A_12 = scf.for %scan3A_357 = %scan3A_8 to %scan3A_10 step %scan3A_11 iter_args(%scan3A_358 = %scan3A_7) -> (i32)  : i32 {
      %broadcast_in_dim3A = arith.constant 0.000000e+00 : f32
      %broadcast_in_dim3A_359 = vector.broadcast %broadcast_in_dim3A : f32 to vector<16xf32>
      %swap3A_360 = arith.index_cast %scan3A_357 : i32 to index
      %swap3A_361 = arith.constant 0 : index
      %swap3A_362 = tpu.vector_load %arg15[%swap3A_360, %swap3A_361] {strides = array<i32>} : memref<80x128xf32, #tpu.memory_space<vmem>>, vector<16xf32>,
      tpu.vector_store %arg15[%swap3A_360, %swap3A_361], %broadcast_in_dim3A_359 {strides = array<i32>} : memref<80x128xf32, #tpu.memory_space<vmem>>, vector<16xf32>,
      %broadcast_in_dim3A_363 = arith.constant 0.000000e+00 : f32
      %broadcast_in_dim3A_364 = vector.broadcast %broadcast_in_dim3A_363 : f32 to vector<16xf32>
      %swap3A_365 = arith.index_cast %scan3A_357 : i32 to index
      %swap3A_366 = arith.constant 16 : index
      %swap3A_367 = tpu.vector_load %arg15[%swap3A_365, %swap3A_366] {strides = array<i32>} : memref<80x128xf32, #tpu.memory_space<vmem>>, vector<16xf32>,
      tpu.vector_store %arg15[%swap3A_365, %swap3A_366], %broadcast_in_dim3A_364 {strides = array<i32>} : memref<80x128xf32, #tpu.memory_space<vmem>>, vector<16xf32>,
      %broadcast_in_dim3A_368 = arith.constant 0.000000e+00 : f32
      %broadcast_in_dim3A_369 = vector.broadcast %broadcast_in_dim3A_368 : f32 to vector<16xf32>
      %swap3A_370 = arith.index_cast %scan3A_357 : i32 to index
      %swap3A_371 = arith.constant 32 : index
      %swap3A_372 = tpu.vector_load %arg15[%swap3A_370, %swap3A_371] {strides = array<i32>} : memref<80x128xf32, #tpu.memory_space<vmem>>, vector<16xf32>,
      tpu.vector_store %arg15[%swap3A_370, %swap3A_371], %broadcast_in_dim3A_369 {strides = array<i32>} : memref<80x128xf32, #tpu.memory_space<vmem>>, vector<16xf32>,
      %broadcast_in_dim3A_373 = arith.constant 0.000000e+00 : f32
      %broadcast_in_dim3A_374 = vector.broadcast %broadcast_in_dim3A_373 : f32 to vector<16xf32>
      %swap3A_375 = arith.index_cast %scan3A_357 : i32 to index
      %swap3A_376 = arith.constant 48 : index
      %swap3A_377 = tpu.vector_load %arg15[%swap3A_375, %swap3A_376] {strides = array<i32>} : memref<80x128xf32, #tpu.memory_space<vmem>>, vector<16xf32>,
      tpu.vector_store %arg15[%swap3A_375, %swap3A_376], %broadcast_in_dim3A_374 {strides = array<i32>} : memref<80x128xf32, #tpu.memory_space<vmem>>, vector<16xf32>,
      %broadcast_in_dim3A_378 = arith.constant 0.000000e+00 : f32
      %broadcast_in_dim3A_379 = vector.broadcast %broadcast_in_dim3A_378 : f32 to vector<16xf32>
      %swap3A_380 = arith.index_cast %scan3A_357 : i32 to index
      %swap3A_381 = arith.constant 64 : index
      %swap3A_382 = tpu.vector_load %arg15[%swap3A_380, %swap3A_381] {strides = array<i32>} : memref<80x128xf32, #tpu.memory_space<vmem>>, vector<16xf32>,
      tpu.vector_store %arg15[%swap3A_380, %swap3A_381], %broadcast_in_dim3A_379 {strides = array<i32>} : memref<80x128xf32, #tpu.memory_space<vmem>>, vector<16xf32>,
      %broadcast_in_dim3A_383 = arith.constant 0.000000e+00 : f32
      %broadcast_in_dim3A_384 = vector.broadcast %broadcast_in_dim3A_383 : f32 to vector<16xf32>
      %swap3A_385 = arith.index_cast %scan3A_357 : i32 to index
      %swap3A_386 = arith.constant 80 : index
      %swap3A_387 = tpu.vector_load %arg15[%swap3A_385, %swap3A_386] {strides = array<i32>} : memref<80x128xf32, #tpu.memory_space<vmem>>, vector<16xf32>,
      tpu.vector_store %arg15[%swap3A_385, %swap3A_386], %broadcast_in_dim3A_384 {strides = array<i32>} : memref<80x128xf32, #tpu.memory_space<vmem>>, vector<16xf32>,
      %broadcast_in_dim3A_388 = arith.constant 0.000000e+00 : f32
      %broadcast_in_dim3A_389 = vector.broadcast %broadcast_in_dim3A_388 : f32 to vector<16xf32>
      %swap3A_390 = arith.index_cast %scan3A_357 : i32 to index
      %swap3A_391 = arith.constant 96 : index
      %swap3A_392 = tpu.vector_load %arg15[%swap3A_390, %swap3A_391] {strides = array<i32>} : memref<80x128xf32, #tpu.memory_space<vmem>>, vector<16xf32>,
      tpu.vector_store %arg15[%swap3A_390, %swap3A_391], %broadcast_in_dim3A_389 {strides = array<i32>} : memref<80x128xf32, #tpu.memory_space<vmem>>, vector<16xf32>,
      %broadcast_in_dim3A_393 = arith.constant 0.000000e+00 : f32
      %broadcast_in_dim3A_394 = vector.broadcast %broadcast_in_dim3A_393 : f32 to vector<16xf32>
      %swap3A_395 = arith.index_cast %scan3A_357 : i32 to index
      %swap3A_396 = arith.constant 112 : index
      %swap3A_397 = tpu.vector_load %arg15[%swap3A_395, %swap3A_396] {strides = array<i32>} : memref<80x128xf32, #tpu.memory_space<vmem>>, vector<16xf32>,
      tpu.vector_store %arg15[%swap3A_395, %swap3A_396], %broadcast_in_dim3A_394 {strides = array<i32>} : memref<80x128xf32, #tpu.memory_space<vmem>>, vector<16xf32>,
      %scan3A_398 = arith.constant 0 : i32
      scf.yield %scan3A_398 : i32
    }
    %scan3A_13 = arith.constant 80 : i32
    %iota3A = tpu.iota {dimensions = array<i32: 0>} : vector<16xi32>
    %add3A_14 = arith.constant 0 : i32
    %add3A_15 = vector.broadcast %add3A_14 : i32 to vector<16xi32>
    %add3A_16 = arith.addi %iota3A, %add3A_15 : vector<16xi32>
    %swap3A = arith.constant 0 : index
    %swap3A_17 = tpu.vector_load %arg16[%swap3A] {strides = array<i32>} : memref<80xi32, #tpu.memory_space<vmem>>, vector<16xi32>,
    tpu.vector_store %arg16[%swap3A], %add3A_16 {strides = array<i32>} : memref<80xi32, #tpu.memory_space<vmem>>, vector<16xi32>,
    %iota3A_18 = tpu.iota {dimensions = array<i32: 0>} : vector<16xi32>
    %add3A_19 = arith.constant 16 : i32
    %add3A_20 = vector.broadcast %add3A_19 : i32 to vector<16xi32>
    %add3A_21 = arith.addi %iota3A_18, %add3A_20 : vector<16xi32>
    %swap3A_22 = arith.constant 16 : index
    %swap3A_23 = tpu.vector_load %arg16[%swap3A_22] {strides = array<i32>} : memref<80xi32, #tpu.memory_space<vmem>>, vector<16xi32>,
    tpu.vector_store %arg16[%swap3A_22], %add3A_21 {strides = array<i32>} : memref<80xi32, #tpu.memory_space<vmem>>, vector<16xi32>,
    %iota3A_24 = tpu.iota {dimensions = array<i32: 0>} : vector<16xi32>
    %add3A_25 = arith.constant 32 : i32
    %add3A_26 = vector.broadcast %add3A_25 : i32 to vector<16xi32>
    %add3A_27 = arith.addi %iota3A_24, %add3A_26 : vector<16xi32>
    %swap3A_28 = arith.constant 32 : index
    %swap3A_29 = tpu.vector_load %arg16[%swap3A_28] {strides = array<i32>} : memref<80xi32, #tpu.memory_space<vmem>>, vector<16xi32>,
    tpu.vector_store %arg16[%swap3A_28], %add3A_27 {strides = array<i32>} : memref<80xi32, #tpu.memory_space<vmem>>, vector<16xi32>,
    %iota3A_30 = tpu.iota {dimensions = array<i32: 0>} : vector<16xi32>
    %add3A_31 = arith.constant 48 : i32
    %add3A_32 = vector.broadcast %add3A_31 : i32 to vector<16xi32>
    %add3A_33 = arith.addi %iota3A_30, %add3A_32 : vector<16xi32>
    %swap3A_34 = arith.constant 48 : index
    %swap3A_35 = tpu.vector_load %arg16[%swap3A_34] {strides = array<i32>} : memref<80xi32, #tpu.memory_space<vmem>>, vector<16xi32>,
    tpu.vector_store %arg16[%swap3A_34], %add3A_33 {strides = array<i32>} : memref<80xi32, #tpu.memory_space<vmem>>, vector<16xi32>,
    %iota3A_36 = tpu.iota {dimensions = array<i32: 0>} : vector<16xi32>
    %add3A_37 = arith.constant 64 : i32
    %add3A_38 = vector.broadcast %add3A_37 : i32 to vector<16xi32>
    %add3A_39 = arith.addi %iota3A_36, %add3A_38 : vector<16xi32>
    %swap3A_40 = arith.constant 64 : index
    %swap3A_41 = tpu.vector_load %arg16[%swap3A_40] {strides = array<i32>} : memref<80xi32, #tpu.memory_space<vmem>>, vector<16xi32>,
    tpu.vector_store %arg16[%swap3A_40], %add3A_39 {strides = array<i32>} : memref<80xi32, #tpu.memory_space<vmem>>, vector<16xi32>,
    %mul3A_42 = arith.constant 640 : i32
    %mul3A_43 = arith.muli %arg1, %mul3A_42 : i32
    %add3A_44 = arith.constant 0 : i32
    %add3A_45 = arith.addi %mul3A_43, %add3A_44 : i32
    "tpu.region"() ({
      %run_scoped3A = tpu.sem_alloc : memref<!tpu.dma_semaphore, #tpu.memory_space<semaphore_mem>>
      %dma_start3A = arith.constant 0 : i32
      %dma_start3A_357 = tpu.memref_slice %arg19[%add3A_45, %dma_start3A] : memref<10240x128xf32, #tpu.memory_space<vmem_shared>> -> memref<32x128xf32, #tpu.memory_space<vmem_shared>>
      %dma_start3A_358 = arith.constant 0 : i32
      %dma_start3A_359 = tpu.memref_slice %arg19[%add3A_45, %dma_start3A_358] : memref<10240x128xf32, #tpu.memory_space<vmem_shared>> -> memref<32x128xf32, #tpu.memory_space<vmem_shared>>
      tpu.enqueue_dma source(%arg13 : memref<32x128xf32, #tpu.memory_space<vmem>>) target(%dma_start3A_359 : memref<32x128xf32, #tpu.memory_space<vmem_shared>>) target_semaphore(%run_scoped3A : memref<!tpu.dma_semaphore, #tpu.memory_space<semaphore_mem>>)
      %dma_wait3A = arith.constant 0 : i32
      %dma_wait3A_360 = tpu.memref_slice %arg19[%add3A_45, %dma_wait3A] : memref<10240x128xf32, #tpu.memory_space<vmem_shared>> -> memref<32x128xf32, #tpu.memory_space<vmem_shared>>
      %dma_wait3A_361 = arith.constant 0 : i32
      %dma_wait3A_362 = tpu.memref_slice %arg19[%add3A_45, %dma_wait3A_361] : memref<10240x128xf32, #tpu.memory_space<vmem_shared>> -> memref<32x128xf32, #tpu.memory_space<vmem_shared>>
      tpu.wait_dma2 semaphore(%run_scoped3A : memref<!tpu.dma_semaphore, #tpu.memory_space<semaphore_mem>>) src(%arg13 : memref<32x128xf32, #tpu.memory_space<vmem>>) dst(%dma_wait3A_362 : memref<32x128xf32, #tpu.memory_space<vmem_shared>>)
      tpu.yield
    }) : () -> ()
    %mul3A_46 = arith.constant 640 : i32
    %mul3A_47 = arith.muli %arg1, %mul3A_46 : i32
    %add3A_48 = arith.constant 32 : i32
    %add3A_49 = arith.addi %mul3A_47, %add3A_48 : i32
    "tpu.region"() ({
      %run_scoped3A = tpu.sem_alloc : memref<!tpu.dma_semaphore, #tpu.memory_space<semaphore_mem>>
      %dma_start3A = arith.constant 0 : i32
      %dma_start3A_357 = tpu.memref_slice %arg19[%add3A_49, %dma_start3A] : memref<10240x128xf32, #tpu.memory_space<vmem_shared>> -> memref<32x128xf32, #tpu.memory_space<vmem_shared>>
      %dma_start3A_358 = arith.constant 0 : i32
      %dma_start3A_359 = tpu.memref_slice %arg19[%add3A_49, %dma_start3A_358] : memref<10240x128xf32, #tpu.memory_space<vmem_shared>> -> memref<32x128xf32, #tpu.memory_space<vmem_shared>>
      tpu.enqueue_dma source(%arg13 : memref<32x128xf32, #tpu.memory_space<vmem>>) target(%dma_start3A_359 : memref<32x128xf32, #tpu.memory_space<vmem_shared>>) target_semaphore(%run_scoped3A : memref<!tpu.dma_semaphore, #tpu.memory_space<semaphore_mem>>)
      %dma_wait3A = arith.constant 0 : i32
      %dma_wait3A_360 = tpu.memref_slice %arg19[%add3A_49, %dma_wait3A] : memref<10240x128xf32, #tpu.memory_space<vmem_shared>> -> memref<32x128xf32, #tpu.memory_space<vmem_shared>>
      %dma_wait3A_361 = arith.constant 0 : i32
      %dma_wait3A_362 = tpu.memref_slice %arg19[%add3A_49, %dma_wait3A_361] : memref<10240x128xf32, #tpu.memory_space<vmem_shared>> -> memref<32x128xf32, #tpu.memory_space<vmem_shared>>
      tpu.wait_dma2 semaphore(%run_scoped3A : memref<!tpu.dma_semaphore, #tpu.memory_space<semaphore_mem>>) src(%arg13 : memref<32x128xf32, #tpu.memory_space<vmem>>) dst(%dma_wait3A_362 : memref<32x128xf32, #tpu.memory_space<vmem_shared>>)
      tpu.yield
    }) : () -> ()
    %mul3A_50 = arith.constant 640 : i32
    %mul3A_51 = arith.muli %arg1, %mul3A_50 : i32
    %add3A_52 = arith.constant 64 : i32
    %add3A_53 = arith.addi %mul3A_51, %add3A_52 : i32
    "tpu.region"() ({
      %run_scoped3A = tpu.sem_alloc : memref<!tpu.dma_semaphore, #tpu.memory_space<semaphore_mem>>
      %dma_start3A = arith.constant 0 : i32
      %dma_start3A_357 = tpu.memref_slice %arg19[%add3A_53, %dma_start3A] : memref<10240x128xf32, #tpu.memory_space<vmem_shared>> -> memref<32x128xf32, #tpu.memory_space<vmem_shared>>
      %dma_start3A_358 = arith.constant 0 : i32
      %dma_start3A_359 = tpu.memref_slice %arg19[%add3A_53, %dma_start3A_358] : memref<10240x128xf32, #tpu.memory_space<vmem_shared>> -> memref<32x128xf32, #tpu.memory_space<vmem_shared>>
      tpu.enqueue_dma source(%arg13 : memref<32x128xf32, #tpu.memory_space<vmem>>) target(%dma_start3A_359 : memref<32x128xf32, #tpu.memory_space<vmem_shared>>) target_semaphore(%run_scoped3A : memref<!tpu.dma_semaphore, #tpu.memory_space<semaphore_mem>>)
      %dma_wait3A = arith.constant 0 : i32
      %dma_wait3A_360 = tpu.memref_slice %arg19[%add3A_53, %dma_wait3A] : memref<10240x128xf32, #tpu.memory_space<vmem_shared>> -> memref<32x128xf32, #tpu.memory_space<vmem_shared>>
      %dma_wait3A_361 = arith.constant 0 : i32
      %dma_wait3A_362 = tpu.memref_slice %arg19[%add3A_53, %dma_wait3A_361] : memref<10240x128xf32, #tpu.memory_space<vmem_shared>> -> memref<32x128xf32, #tpu.memory_space<vmem_shared>>
      tpu.wait_dma2 semaphore(%run_scoped3A : memref<!tpu.dma_semaphore, #tpu.memory_space<semaphore_mem>>) src(%arg13 : memref<32x128xf32, #tpu.memory_space<vmem>>) dst(%dma_wait3A_362 : memref<32x128xf32, #tpu.memory_space<vmem_shared>>)
      tpu.yield
    }) : () -> ()
    %mul3A_54 = arith.constant 640 : i32
    %mul3A_55 = arith.muli %arg1, %mul3A_54 : i32
    %add3A_56 = arith.constant 96 : i32
    %add3A_57 = arith.addi %mul3A_55, %add3A_56 : i32
    "tpu.region"() ({
      %run_scoped3A = tpu.sem_alloc : memref<!tpu.dma_semaphore, #tpu.memory_space<semaphore_mem>>
      %dma_start3A = arith.constant 0 : i32
      %dma_start3A_357 = tpu.memref_slice %arg19[%add3A_57, %dma_start3A] : memref<10240x128xf32, #tpu.memory_space<vmem_shared>> -> memref<32x128xf32, #tpu.memory_space<vmem_shared>>
      %dma_start3A_358 = arith.constant 0 : i32
      %dma_start3A_359 = tpu.memref_slice %arg19[%add3A_57, %dma_start3A_358] : memref<10240x128xf32, #tpu.memory_space<vmem_shared>> -> memref<32x128xf32, #tpu.memory_space<vmem_shared>>
      tpu.enqueue_dma source(%arg13 : memref<32x128xf32, #tpu.memory_space<vmem>>) target(%dma_start3A_359 : memref<32x128xf32, #tpu.memory_space<vmem_shared>>) target_semaphore(%run_scoped3A : memref<!tpu.dma_semaphore, #tpu.memory_space<semaphore_mem>>)
      %dma_wait3A = arith.constant 0 : i32
      %dma_wait3A_360 = tpu.memref_slice %arg19[%add3A_57, %dma_wait3A] : memref<10240x128xf32, #tpu.memory_space<vmem_shared>> -> memref<32x128xf32, #tpu.memory_space<vmem_shared>>
      %dma_wait3A_361 = arith.constant 0 : i32
      %dma_wait3A_362 = tpu.memref_slice %arg19[%add3A_57, %dma_wait3A_361] : memref<10240x128xf32, #tpu.memory_space<vmem_shared>> -> memref<32x128xf32, #tpu.memory_space<vmem_shared>>
      tpu.wait_dma2 semaphore(%run_scoped3A : memref<!tpu.dma_semaphore, #tpu.memory_space<semaphore_mem>>) src(%arg13 : memref<32x128xf32, #tpu.memory_space<vmem>>) dst(%dma_wait3A_362 : memref<32x128xf32, #tpu.memory_space<vmem_shared>>)
      tpu.yield
    }) : () -> ()
    %mul3A_58 = arith.constant 640 : i32
    %mul3A_59 = arith.muli %arg1, %mul3A_58 : i32
    %add3A_60 = arith.constant 128 : i32
    %add3A_61 = arith.addi %mul3A_59, %add3A_60 : i32
    "tpu.region"() ({
      %run_scoped3A = tpu.sem_alloc : memref<!tpu.dma_semaphore, #tpu.memory_space<semaphore_mem>>
      %dma_start3A = arith.constant 0 : i32
      %dma_start3A_357 = tpu.memref_slice %arg19[%add3A_61, %dma_start3A] : memref<10240x128xf32, #tpu.memory_space<vmem_shared>> -> memref<32x128xf32, #tpu.memory_space<vmem_shared>>
      %dma_start3A_358 = arith.constant 0 : i32
      %dma_start3A_359 = tpu.memref_slice %arg19[%add3A_61, %dma_start3A_358] : memref<10240x128xf32, #tpu.memory_space<vmem_shared>> -> memref<32x128xf32, #tpu.memory_space<vmem_shared>>
      tpu.enqueue_dma source(%arg13 : memref<32x128xf32, #tpu.memory_space<vmem>>) target(%dma_start3A_359 : memref<32x128xf32, #tpu.memory_space<vmem_shared>>) target_semaphore(%run_scoped3A : memref<!tpu.dma_semaphore, #tpu.memory_space<semaphore_mem>>)
      %dma_wait3A = arith.constant 0 : i32
      %dma_wait3A_360 = tpu.memref_slice %arg19[%add3A_61, %dma_wait3A] : memref<10240x128xf32, #tpu.memory_space<vmem_shared>> -> memref<32x128xf32, #tpu.memory_space<vmem_shared>>
      %dma_wait3A_361 = arith.constant 0 : i32
      %dma_wait3A_362 = tpu.memref_slice %arg19[%add3A_61, %dma_wait3A_361] : memref<10240x128xf32, #tpu.memory_space<vmem_shared>> -> memref<32x128xf32, #tpu.memory_space<vmem_shared>>
      tpu.wait_dma2 semaphore(%run_scoped3A : memref<!tpu.dma_semaphore, #tpu.memory_space<semaphore_mem>>) src(%arg13 : memref<32x128xf32, #tpu.memory_space<vmem>>) dst(%dma_wait3A_362 : memref<32x128xf32, #tpu.memory_space<vmem_shared>>)
      tpu.yield
    }) : () -> ()
    %mul3A_62 = arith.constant 640 : i32
    %mul3A_63 = arith.muli %arg1, %mul3A_62 : i32
    %add3A_64 = arith.constant 160 : i32
    %add3A_65 = arith.addi %mul3A_63, %add3A_64 : i32
    "tpu.region"() ({
      %run_scoped3A = tpu.sem_alloc : memref<!tpu.dma_semaphore, #tpu.memory_space<semaphore_mem>>
      %dma_start3A = arith.constant 0 : i32
      %dma_start3A_357 = tpu.memref_slice %arg19[%add3A_65, %dma_start3A] : memref<10240x128xf32, #tpu.memory_space<vmem_shared>> -> memref<32x128xf32, #tpu.memory_space<vmem_shared>>
      %dma_start3A_358 = arith.constant 0 : i32
      %dma_start3A_359 = tpu.memref_slice %arg19[%add3A_65, %dma_start3A_358] : memref<10240x128xf32, #tpu.memory_space<vmem_shared>> -> memref<32x128xf32, #tpu.memory_space<vmem_shared>>
      tpu.enqueue_dma source(%arg13 : memref<32x128xf32, #tpu.memory_space<vmem>>) target(%dma_start3A_359 : memref<32x128xf32, #tpu.memory_space<vmem_shared>>) target_semaphore(%run_scoped3A : memref<!tpu.dma_semaphore, #tpu.memory_space<semaphore_mem>>)
      %dma_wait3A = arith.constant 0 : i32
      %dma_wait3A_360 = tpu.memref_slice %arg19[%add3A_65, %dma_wait3A] : memref<10240x128xf32, #tpu.memory_space<vmem_shared>> -> memref<32x128xf32, #tpu.memory_space<vmem_shared>>
      %dma_wait3A_361 = arith.constant 0 : i32
      %dma_wait3A_362 = tpu.memref_slice %arg19[%add3A_65, %dma_wait3A_361] : memref<10240x128xf32, #tpu.memory_space<vmem_shared>> -> memref<32x128xf32, #tpu.memory_space<vmem_shared>>
      tpu.wait_dma2 semaphore(%run_scoped3A : memref<!tpu.dma_semaphore, #tpu.memory_space<semaphore_mem>>) src(%arg13 : memref<32x128xf32, #tpu.memory_space<vmem>>) dst(%dma_wait3A_362 : memref<32x128xf32, #tpu.memory_space<vmem_shared>>)
      tpu.yield
    }) : () -> ()
    %mul3A_66 = arith.constant 640 : i32
    %mul3A_67 = arith.muli %arg1, %mul3A_66 : i32
    %add3A_68 = arith.constant 192 : i32
    %add3A_69 = arith.addi %mul3A_67, %add3A_68 : i32
    "tpu.region"() ({
      %run_scoped3A = tpu.sem_alloc : memref<!tpu.dma_semaphore, #tpu.memory_space<semaphore_mem>>
      %dma_start3A = arith.constant 0 : i32
      %dma_start3A_357 = tpu.memref_slice %arg19[%add3A_69, %dma_start3A] : memref<10240x128xf32, #tpu.memory_space<vmem_shared>> -> memref<32x128xf32, #tpu.memory_space<vmem_shared>>
      %dma_start3A_358 = arith.constant 0 : i32
      %dma_start3A_359 = tpu.memref_slice %arg19[%add3A_69, %dma_start3A_358] : memref<10240x128xf32, #tpu.memory_space<vmem_shared>> -> memref<32x128xf32, #tpu.memory_space<vmem_shared>>
      tpu.enqueue_dma source(%arg13 : memref<32x128xf32, #tpu.memory_space<vmem>>) target(%dma_start3A_359 : memref<32x128xf32, #tpu.memory_space<vmem_shared>>) target_semaphore(%run_scoped3A : memref<!tpu.dma_semaphore, #tpu.memory_space<semaphore_mem>>)
      %dma_wait3A = arith.constant 0 : i32
      %dma_wait3A_360 = tpu.memref_slice %arg19[%add3A_69, %dma_wait3A] : memref<10240x128xf32, #tpu.memory_space<vmem_shared>> -> memref<32x128xf32, #tpu.memory_space<vmem_shared>>
      %dma_wait3A_361 = arith.constant 0 : i32
      %dma_wait3A_362 = tpu.memref_slice %arg19[%add3A_69, %dma_wait3A_361] : memref<10240x128xf32, #tpu.memory_space<vmem_shared>> -> memref<32x128xf32, #tpu.memory_space<vmem_shared>>
      tpu.wait_dma2 semaphore(%run_scoped3A : memref<!tpu.dma_semaphore, #tpu.memory_space<semaphore_mem>>) src(%arg13 : memref<32x128xf32, #tpu.memory_space<vmem>>) dst(%dma_wait3A_362 : memref<32x128xf32, #tpu.memory_space<vmem_shared>>)
      tpu.yield
    }) : () -> ()
    %mul3A_70 = arith.constant 640 : i32
    %mul3A_71 = arith.muli %arg1, %mul3A_70 : i32
    %add3A_72 = arith.constant 224 : i32
    %add3A_73 = arith.addi %mul3A_71, %add3A_72 : i32
    "tpu.region"() ({
      %run_scoped3A = tpu.sem_alloc : memref<!tpu.dma_semaphore, #tpu.memory_space<semaphore_mem>>
      %dma_start3A = arith.constant 0 : i32
      %dma_start3A_357 = tpu.memref_slice %arg19[%add3A_73, %dma_start3A] : memref<10240x128xf32, #tpu.memory_space<vmem_shared>> -> memref<32x128xf32, #tpu.memory_space<vmem_shared>>
      %dma_start3A_358 = arith.constant 0 : i32
      %dma_start3A_359 = tpu.memref_slice %arg19[%add3A_73, %dma_start3A_358] : memref<10240x128xf32, #tpu.memory_space<vmem_shared>> -> memref<32x128xf32, #tpu.memory_space<vmem_shared>>
      tpu.enqueue_dma source(%arg13 : memref<32x128xf32, #tpu.memory_space<vmem>>) target(%dma_start3A_359 : memref<32x128xf32, #tpu.memory_space<vmem_shared>>) target_semaphore(%run_scoped3A : memref<!tpu.dma_semaphore, #tpu.memory_space<semaphore_mem>>)
      %dma_wait3A = arith.constant 0 : i32
      %dma_wait3A_360 = tpu.memref_slice %arg19[%add3A_73, %dma_wait3A] : memref<10240x128xf32, #tpu.memory_space<vmem_shared>> -> memref<32x128xf32, #tpu.memory_space<vmem_shared>>
      %dma_wait3A_361 = arith.constant 0 : i32
      %dma_wait3A_362 = tpu.memref_slice %arg19[%add3A_73, %dma_wait3A_361] : memref<10240x128xf32, #tpu.memory_space<vmem_shared>> -> memref<32x128xf32, #tpu.memory_space<vmem_shared>>
      tpu.wait_dma2 semaphore(%run_scoped3A : memref<!tpu.dma_semaphore, #tpu.memory_space<semaphore_mem>>) src(%arg13 : memref<32x128xf32, #tpu.memory_space<vmem>>) dst(%dma_wait3A_362 : memref<32x128xf32, #tpu.memory_space<vmem_shared>>)
      tpu.yield
    }) : () -> ()
    %mul3A_74 = arith.constant 640 : i32
    %mul3A_75 = arith.muli %arg1, %mul3A_74 : i32
    %add3A_76 = arith.constant 256 : i32
    %add3A_77 = arith.addi %mul3A_75, %add3A_76 : i32
    "tpu.region"() ({
      %run_scoped3A = tpu.sem_alloc : memref<!tpu.dma_semaphore, #tpu.memory_space<semaphore_mem>>
      %dma_start3A = arith.constant 0 : i32
      %dma_start3A_357 = tpu.memref_slice %arg19[%add3A_77, %dma_start3A] : memref<10240x128xf32, #tpu.memory_space<vmem_shared>> -> memref<32x128xf32, #tpu.memory_space<vmem_shared>>
      %dma_start3A_358 = arith.constant 0 : i32
      %dma_start3A_359 = tpu.memref_slice %arg19[%add3A_77, %dma_start3A_358] : memref<10240x128xf32, #tpu.memory_space<vmem_shared>> -> memref<32x128xf32, #tpu.memory_space<vmem_shared>>
      tpu.enqueue_dma source(%arg13 : memref<32x128xf32, #tpu.memory_space<vmem>>) target(%dma_start3A_359 : memref<32x128xf32, #tpu.memory_space<vmem_shared>>) target_semaphore(%run_scoped3A : memref<!tpu.dma_semaphore, #tpu.memory_space<semaphore_mem>>)
      %dma_wait3A = arith.constant 0 : i32
      %dma_wait3A_360 = tpu.memref_slice %arg19[%add3A_77, %dma_wait3A] : memref<10240x128xf32, #tpu.memory_space<vmem_shared>> -> memref<32x128xf32, #tpu.memory_space<vmem_shared>>
      %dma_wait3A_361 = arith.constant 0 : i32
      %dma_wait3A_362 = tpu.memref_slice %arg19[%add3A_77, %dma_wait3A_361] : memref<10240x128xf32, #tpu.memory_space<vmem_shared>> -> memref<32x128xf32, #tpu.memory_space<vmem_shared>>
      tpu.wait_dma2 semaphore(%run_scoped3A : memref<!tpu.dma_semaphore, #tpu.memory_space<semaphore_mem>>) src(%arg13 : memref<32x128xf32, #tpu.memory_space<vmem>>) dst(%dma_wait3A_362 : memref<32x128xf32, #tpu.memory_space<vmem_shared>>)
      tpu.yield
    }) : () -> ()
    %mul3A_78 = arith.constant 640 : i32
    %mul3A_79 = arith.muli %arg1, %mul3A_78 : i32
    %add3A_80 = arith.constant 288 : i32
    %add3A_81 = arith.addi %mul3A_79, %add3A_80 : i32
    "tpu.region"() ({
      %run_scoped3A = tpu.sem_alloc : memref<!tpu.dma_semaphore, #tpu.memory_space<semaphore_mem>>
      %dma_start3A = arith.constant 0 : i32
      %dma_start3A_357 = tpu.memref_slice %arg19[%add3A_81, %dma_start3A] : memref<10240x128xf32, #tpu.memory_space<vmem_shared>> -> memref<32x128xf32, #tpu.memory_space<vmem_shared>>
      %dma_start3A_358 = arith.constant 0 : i32
      %dma_start3A_359 = tpu.memref_slice %arg19[%add3A_81, %dma_start3A_358] : memref<10240x128xf32, #tpu.memory_space<vmem_shared>> -> memref<32x128xf32, #tpu.memory_space<vmem_shared>>
      tpu.enqueue_dma source(%arg13 : memref<32x128xf32, #tpu.memory_space<vmem>>) target(%dma_start3A_359 : memref<32x128xf32, #tpu.memory_space<vmem_shared>>) target_semaphore(%run_scoped3A : memref<!tpu.dma_semaphore, #tpu.memory_space<semaphore_mem>>)
      %dma_wait3A = arith.constant 0 : i32
      %dma_wait3A_360 = tpu.memref_slice %arg19[%add3A_81, %dma_wait3A] : memref<10240x128xf32, #tpu.memory_space<vmem_shared>> -> memref<32x128xf32, #tpu.memory_space<vmem_shared>>
      %dma_wait3A_361 = arith.constant 0 : i32
      %dma_wait3A_362 = tpu.memref_slice %arg19[%add3A_81, %dma_wait3A_361] : memref<10240x128xf32, #tpu.memory_space<vmem_shared>> -> memref<32x128xf32, #tpu.memory_space<vmem_shared>>
      tpu.wait_dma2 semaphore(%run_scoped3A : memref<!tpu.dma_semaphore, #tpu.memory_space<semaphore_mem>>) src(%arg13 : memref<32x128xf32, #tpu.memory_space<vmem>>) dst(%dma_wait3A_362 : memref<32x128xf32, #tpu.memory_space<vmem_shared>>)
      tpu.yield
    }) : () -> ()
    %mul3A_82 = arith.constant 640 : i32
    %mul3A_83 = arith.muli %arg1, %mul3A_82 : i32
    %add3A_84 = arith.constant 320 : i32
    %add3A_85 = arith.addi %mul3A_83, %add3A_84 : i32
    "tpu.region"() ({
      %run_scoped3A = tpu.sem_alloc : memref<!tpu.dma_semaphore, #tpu.memory_space<semaphore_mem>>
      %dma_start3A = arith.constant 0 : i32
      %dma_start3A_357 = tpu.memref_slice %arg19[%add3A_85, %dma_start3A] : memref<10240x128xf32, #tpu.memory_space<vmem_shared>> -> memref<32x128xf32, #tpu.memory_space<vmem_shared>>
      %dma_start3A_358 = arith.constant 0 : i32
      %dma_start3A_359 = tpu.memref_slice %arg19[%add3A_85, %dma_start3A_358] : memref<10240x128xf32, #tpu.memory_space<vmem_shared>> -> memref<32x128xf32, #tpu.memory_space<vmem_shared>>
      tpu.enqueue_dma source(%arg13 : memref<32x128xf32, #tpu.memory_space<vmem>>) target(%dma_start3A_359 : memref<32x128xf32, #tpu.memory_space<vmem_shared>>) target_semaphore(%run_scoped3A : memref<!tpu.dma_semaphore, #tpu.memory_space<semaphore_mem>>)
      %dma_wait3A = arith.constant 0 : i32
      %dma_wait3A_360 = tpu.memref_slice %arg19[%add3A_85, %dma_wait3A] : memref<10240x128xf32, #tpu.memory_space<vmem_shared>> -> memref<32x128xf32, #tpu.memory_space<vmem_shared>>
      %dma_wait3A_361 = arith.constant 0 : i32
      %dma_wait3A_362 = tpu.memref_slice %arg19[%add3A_85, %dma_wait3A_361] : memref<10240x128xf32, #tpu.memory_space<vmem_shared>> -> memref<32x128xf32, #tpu.memory_space<vmem_shared>>
      tpu.wait_dma2 semaphore(%run_scoped3A : memref<!tpu.dma_semaphore, #tpu.memory_space<semaphore_mem>>) src(%arg13 : memref<32x128xf32, #tpu.memory_space<vmem>>) dst(%dma_wait3A_362 : memref<32x128xf32, #tpu.memory_space<vmem_shared>>)
      tpu.yield
    }) : () -> ()
    %mul3A_86 = arith.constant 640 : i32
    %mul3A_87 = arith.muli %arg1, %mul3A_86 : i32
    %add3A_88 = arith.constant 352 : i32
    %add3A_89 = arith.addi %mul3A_87, %add3A_88 : i32
    "tpu.region"() ({
      %run_scoped3A = tpu.sem_alloc : memref<!tpu.dma_semaphore, #tpu.memory_space<semaphore_mem>>
      %dma_start3A = arith.constant 0 : i32
      %dma_start3A_357 = tpu.memref_slice %arg19[%add3A_89, %dma_start3A] : memref<10240x128xf32, #tpu.memory_space<vmem_shared>> -> memref<32x128xf32, #tpu.memory_space<vmem_shared>>
      %dma_start3A_358 = arith.constant 0 : i32
      %dma_start3A_359 = tpu.memref_slice %arg19[%add3A_89, %dma_start3A_358] : memref<10240x128xf32, #tpu.memory_space<vmem_shared>> -> memref<32x128xf32, #tpu.memory_space<vmem_shared>>
      tpu.enqueue_dma source(%arg13 : memref<32x128xf32, #tpu.memory_space<vmem>>) target(%dma_start3A_359 : memref<32x128xf32, #tpu.memory_space<vmem_shared>>) target_semaphore(%run_scoped3A : memref<!tpu.dma_semaphore, #tpu.memory_space<semaphore_mem>>)
      %dma_wait3A = arith.constant 0 : i32
      %dma_wait3A_360 = tpu.memref_slice %arg19[%add3A_89, %dma_wait3A] : memref<10240x128xf32, #tpu.memory_space<vmem_shared>> -> memref<32x128xf32, #tpu.memory_space<vmem_shared>>
      %dma_wait3A_361 = arith.constant 0 : i32
      %dma_wait3A_362 = tpu.memref_slice %arg19[%add3A_89, %dma_wait3A_361] : memref<10240x128xf32, #tpu.memory_space<vmem_shared>> -> memref<32x128xf32, #tpu.memory_space<vmem_shared>>
      tpu.wait_dma2 semaphore(%run_scoped3A : memref<!tpu.dma_semaphore, #tpu.memory_space<semaphore_mem>>) src(%arg13 : memref<32x128xf32, #tpu.memory_space<vmem>>) dst(%dma_wait3A_362 : memref<32x128xf32, #tpu.memory_space<vmem_shared>>)
      tpu.yield
    }) : () -> ()
    %mul3A_90 = arith.constant 640 : i32
    %mul3A_91 = arith.muli %arg1, %mul3A_90 : i32
    %add3A_92 = arith.constant 384 : i32
    %add3A_93 = arith.addi %mul3A_91, %add3A_92 : i32
    "tpu.region"() ({
      %run_scoped3A = tpu.sem_alloc : memref<!tpu.dma_semaphore, #tpu.memory_space<semaphore_mem>>
      %dma_start3A = arith.constant 0 : i32
      %dma_start3A_357 = tpu.memref_slice %arg19[%add3A_93, %dma_start3A] : memref<10240x128xf32, #tpu.memory_space<vmem_shared>> -> memref<32x128xf32, #tpu.memory_space<vmem_shared>>
      %dma_start3A_358 = arith.constant 0 : i32
      %dma_start3A_359 = tpu.memref_slice %arg19[%add3A_93, %dma_start3A_358] : memref<10240x128xf32, #tpu.memory_space<vmem_shared>> -> memref<32x128xf32, #tpu.memory_space<vmem_shared>>
      tpu.enqueue_dma source(%arg13 : memref<32x128xf32, #tpu.memory_space<vmem>>) target(%dma_start3A_359 : memref<32x128xf32, #tpu.memory_space<vmem_shared>>) target_semaphore(%run_scoped3A : memref<!tpu.dma_semaphore, #tpu.memory_space<semaphore_mem>>)
      %dma_wait3A = arith.constant 0 : i32
      %dma_wait3A_360 = tpu.memref_slice %arg19[%add3A_93, %dma_wait3A] : memref<10240x128xf32, #tpu.memory_space<vmem_shared>> -> memref<32x128xf32, #tpu.memory_space<vmem_shared>>
      %dma_wait3A_361 = arith.constant 0 : i32
      %dma_wait3A_362 = tpu.memref_slice %arg19[%add3A_93, %dma_wait3A_361] : memref<10240x128xf32, #tpu.memory_space<vmem_shared>> -> memref<32x128xf32, #tpu.memory_space<vmem_shared>>
      tpu.wait_dma2 semaphore(%run_scoped3A : memref<!tpu.dma_semaphore, #tpu.memory_space<semaphore_mem>>) src(%arg13 : memref<32x128xf32, #tpu.memory_space<vmem>>) dst(%dma_wait3A_362 : memref<32x128xf32, #tpu.memory_space<vmem_shared>>)
      tpu.yield
    }) : () -> ()
    %mul3A_94 = arith.constant 640 : i32
    %mul3A_95 = arith.muli %arg1, %mul3A_94 : i32
    %add3A_96 = arith.constant 416 : i32
    %add3A_97 = arith.addi %mul3A_95, %add3A_96 : i32
    "tpu.region"() ({
      %run_scoped3A = tpu.sem_alloc : memref<!tpu.dma_semaphore, #tpu.memory_space<semaphore_mem>>
      %dma_start3A = arith.constant 0 : i32
      %dma_start3A_357 = tpu.memref_slice %arg19[%add3A_97, %dma_start3A] : memref<10240x128xf32, #tpu.memory_space<vmem_shared>> -> memref<32x128xf32, #tpu.memory_space<vmem_shared>>
      %dma_start3A_358 = arith.constant 0 : i32
      %dma_start3A_359 = tpu.memref_slice %arg19[%add3A_97, %dma_start3A_358] : memref<10240x128xf32, #tpu.memory_space<vmem_shared>> -> memref<32x128xf32, #tpu.memory_space<vmem_shared>>
      tpu.enqueue_dma source(%arg13 : memref<32x128xf32, #tpu.memory_space<vmem>>) target(%dma_start3A_359 : memref<32x128xf32, #tpu.memory_space<vmem_shared>>) target_semaphore(%run_scoped3A : memref<!tpu.dma_semaphore, #tpu.memory_space<semaphore_mem>>)
      %dma_wait3A = arith.constant 0 : i32
      %dma_wait3A_360 = tpu.memref_slice %arg19[%add3A_97, %dma_wait3A] : memref<10240x128xf32, #tpu.memory_space<vmem_shared>> -> memref<32x128xf32, #tpu.memory_space<vmem_shared>>
      %dma_wait3A_361 = arith.constant 0 : i32
      %dma_wait3A_362 = tpu.memref_slice %arg19[%add3A_97, %dma_wait3A_361] : memref<10240x128xf32, #tpu.memory_space<vmem_shared>> -> memref<32x128xf32, #tpu.memory_space<vmem_shared>>
      tpu.wait_dma2 semaphore(%run_scoped3A : memref<!tpu.dma_semaphore, #tpu.memory_space<semaphore_mem>>) src(%arg13 : memref<32x128xf32, #tpu.memory_space<vmem>>) dst(%dma_wait3A_362 : memref<32x128xf32, #tpu.memory_space<vmem_shared>>)
      tpu.yield
    }) : () -> ()
    %mul3A_98 = arith.constant 640 : i32
    %mul3A_99 = arith.muli %arg1, %mul3A_98 : i32
    %add3A_100 = arith.constant 448 : i32
    %add3A_101 = arith.addi %mul3A_99, %add3A_100 : i32
    "tpu.region"() ({
      %run_scoped3A = tpu.sem_alloc : memref<!tpu.dma_semaphore, #tpu.memory_space<semaphore_mem>>
      %dma_start3A = arith.constant 0 : i32
      %dma_start3A_357 = tpu.memref_slice %arg19[%add3A_101, %dma_start3A] : memref<10240x128xf32, #tpu.memory_space<vmem_shared>> -> memref<32x128xf32, #tpu.memory_space<vmem_shared>>
      %dma_start3A_358 = arith.constant 0 : i32
      %dma_start3A_359 = tpu.memref_slice %arg19[%add3A_101, %dma_start3A_358] : memref<10240x128xf32, #tpu.memory_space<vmem_shared>> -> memref<32x128xf32, #tpu.memory_space<vmem_shared>>
      tpu.enqueue_dma source(%arg13 : memref<32x128xf32, #tpu.memory_space<vmem>>) target(%dma_start3A_359 : memref<32x128xf32, #tpu.memory_space<vmem_shared>>) target_semaphore(%run_scoped3A : memref<!tpu.dma_semaphore, #tpu.memory_space<semaphore_mem>>)
      %dma_wait3A = arith.constant 0 : i32
      %dma_wait3A_360 = tpu.memref_slice %arg19[%add3A_101, %dma_wait3A] : memref<10240x128xf32, #tpu.memory_space<vmem_shared>> -> memref<32x128xf32, #tpu.memory_space<vmem_shared>>
      %dma_wait3A_361 = arith.constant 0 : i32
      %dma_wait3A_362 = tpu.memref_slice %arg19[%add3A_101, %dma_wait3A_361] : memref<10240x128xf32, #tpu.memory_space<vmem_shared>> -> memref<32x128xf32, #tpu.memory_space<vmem_shared>>
      tpu.wait_dma2 semaphore(%run_scoped3A : memref<!tpu.dma_semaphore, #tpu.memory_space<semaphore_mem>>) src(%arg13 : memref<32x128xf32, #tpu.memory_space<vmem>>) dst(%dma_wait3A_362 : memref<32x128xf32, #tpu.memory_space<vmem_shared>>)
      tpu.yield
    }) : () -> ()
    %mul3A_102 = arith.constant 640 : i32
    %mul3A_103 = arith.muli %arg1, %mul3A_102 : i32
    %add3A_104 = arith.constant 480 : i32
    %add3A_105 = arith.addi %mul3A_103, %add3A_104 : i32
    "tpu.region"() ({
      %run_scoped3A = tpu.sem_alloc : memref<!tpu.dma_semaphore, #tpu.memory_space<semaphore_mem>>
      %dma_start3A = arith.constant 0 : i32
      %dma_start3A_357 = tpu.memref_slice %arg19[%add3A_105, %dma_start3A] : memref<10240x128xf32, #tpu.memory_space<vmem_shared>> -> memref<32x128xf32, #tpu.memory_space<vmem_shared>>
      %dma_start3A_358 = arith.constant 0 : i32
      %dma_start3A_359 = tpu.memref_slice %arg19[%add3A_105, %dma_start3A_358] : memref<10240x128xf32, #tpu.memory_space<vmem_shared>> -> memref<32x128xf32, #tpu.memory_space<vmem_shared>>
      tpu.enqueue_dma source(%arg13 : memref<32x128xf32, #tpu.memory_space<vmem>>) target(%dma_start3A_359 : memref<32x128xf32, #tpu.memory_space<vmem_shared>>) target_semaphore(%run_scoped3A : memref<!tpu.dma_semaphore, #tpu.memory_space<semaphore_mem>>)
      %dma_wait3A = arith.constant 0 : i32
      %dma_wait3A_360 = tpu.memref_slice %arg19[%add3A_105, %dma_wait3A] : memref<10240x128xf32, #tpu.memory_space<vmem_shared>> -> memref<32x128xf32, #tpu.memory_space<vmem_shared>>
      %dma_wait3A_361 = arith.constant 0 : i32
      %dma_wait3A_362 = tpu.memref_slice %arg19[%add3A_105, %dma_wait3A_361] : memref<10240x128xf32, #tpu.memory_space<vmem_shared>> -> memref<32x128xf32, #tpu.memory_space<vmem_shared>>
      tpu.wait_dma2 semaphore(%run_scoped3A : memref<!tpu.dma_semaphore, #tpu.memory_space<semaphore_mem>>) src(%arg13 : memref<32x128xf32, #tpu.memory_space<vmem>>) dst(%dma_wait3A_362 : memref<32x128xf32, #tpu.memory_space<vmem_shared>>)
      tpu.yield
    }) : () -> ()
    %mul3A_106 = arith.constant 640 : i32
    %mul3A_107 = arith.muli %arg1, %mul3A_106 : i32
    %add3A_108 = arith.constant 512 : i32
    %add3A_109 = arith.addi %mul3A_107, %add3A_108 : i32
    "tpu.region"() ({
      %run_scoped3A = tpu.sem_alloc : memref<!tpu.dma_semaphore, #tpu.memory_space<semaphore_mem>>
      %dma_start3A = arith.constant 0 : i32
      %dma_start3A_357 = tpu.memref_slice %arg19[%add3A_109, %dma_start3A] : memref<10240x128xf32, #tpu.memory_space<vmem_shared>> -> memref<32x128xf32, #tpu.memory_space<vmem_shared>>
      %dma_start3A_358 = arith.constant 0 : i32
      %dma_start3A_359 = tpu.memref_slice %arg19[%add3A_109, %dma_start3A_358] : memref<10240x128xf32, #tpu.memory_space<vmem_shared>> -> memref<32x128xf32, #tpu.memory_space<vmem_shared>>
      tpu.enqueue_dma source(%arg13 : memref<32x128xf32, #tpu.memory_space<vmem>>) target(%dma_start3A_359 : memref<32x128xf32, #tpu.memory_space<vmem_shared>>) target_semaphore(%run_scoped3A : memref<!tpu.dma_semaphore, #tpu.memory_space<semaphore_mem>>)
      %dma_wait3A = arith.constant 0 : i32
      %dma_wait3A_360 = tpu.memref_slice %arg19[%add3A_109, %dma_wait3A] : memref<10240x128xf32, #tpu.memory_space<vmem_shared>> -> memref<32x128xf32, #tpu.memory_space<vmem_shared>>
      %dma_wait3A_361 = arith.constant 0 : i32
      %dma_wait3A_362 = tpu.memref_slice %arg19[%add3A_109, %dma_wait3A_361] : memref<10240x128xf32, #tpu.memory_space<vmem_shared>> -> memref<32x128xf32, #tpu.memory_space<vmem_shared>>
      tpu.wait_dma2 semaphore(%run_scoped3A : memref<!tpu.dma_semaphore, #tpu.memory_space<semaphore_mem>>) src(%arg13 : memref<32x128xf32, #tpu.memory_space<vmem>>) dst(%dma_wait3A_362 : memref<32x128xf32, #tpu.memory_space<vmem_shared>>)
      tpu.yield
    }) : () -> ()
    %mul3A_110 = arith.constant 640 : i32
    %mul3A_111 = arith.muli %arg1, %mul3A_110 : i32
    %add3A_112 = arith.constant 544 : i32
    %add3A_113 = arith.addi %mul3A_111, %add3A_112 : i32
    "tpu.region"() ({
      %run_scoped3A = tpu.sem_alloc : memref<!tpu.dma_semaphore, #tpu.memory_space<semaphore_mem>>
      %dma_start3A = arith.constant 0 : i32
      %dma_start3A_357 = tpu.memref_slice %arg19[%add3A_113, %dma_start3A] : memref<10240x128xf32, #tpu.memory_space<vmem_shared>> -> memref<32x128xf32, #tpu.memory_space<vmem_shared>>
      %dma_start3A_358 = arith.constant 0 : i32
      %dma_start3A_359 = tpu.memref_slice %arg19[%add3A_113, %dma_start3A_358] : memref<10240x128xf32, #tpu.memory_space<vmem_shared>> -> memref<32x128xf32, #tpu.memory_space<vmem_shared>>
      tpu.enqueue_dma source(%arg13 : memref<32x128xf32, #tpu.memory_space<vmem>>) target(%dma_start3A_359 : memref<32x128xf32, #tpu.memory_space<vmem_shared>>) target_semaphore(%run_scoped3A : memref<!tpu.dma_semaphore, #tpu.memory_space<semaphore_mem>>)
      %dma_wait3A = arith.constant 0 : i32
      %dma_wait3A_360 = tpu.memref_slice %arg19[%add3A_113, %dma_wait3A] : memref<10240x128xf32, #tpu.memory_space<vmem_shared>> -> memref<32x128xf32, #tpu.memory_space<vmem_shared>>
      %dma_wait3A_361 = arith.constant 0 : i32
      %dma_wait3A_362 = tpu.memref_slice %arg19[%add3A_113, %dma_wait3A_361] : memref<10240x128xf32, #tpu.memory_space<vmem_shared>> -> memref<32x128xf32, #tpu.memory_space<vmem_shared>>
      tpu.wait_dma2 semaphore(%run_scoped3A : memref<!tpu.dma_semaphore, #tpu.memory_space<semaphore_mem>>) src(%arg13 : memref<32x128xf32, #tpu.memory_space<vmem>>) dst(%dma_wait3A_362 : memref<32x128xf32, #tpu.memory_space<vmem_shared>>)
      tpu.yield
    }) : () -> ()
    %mul3A_114 = arith.constant 640 : i32
    %mul3A_115 = arith.muli %arg1, %mul3A_114 : i32
    %add3A_116 = arith.constant 576 : i32
    %add3A_117 = arith.addi %mul3A_115, %add3A_116 : i32
    "tpu.region"() ({
      %run_scoped3A = tpu.sem_alloc : memref<!tpu.dma_semaphore, #tpu.memory_space<semaphore_mem>>
      %dma_start3A = arith.constant 0 : i32
      %dma_start3A_357 = tpu.memref_slice %arg19[%add3A_117, %dma_start3A] : memref<10240x128xf32, #tpu.memory_space<vmem_shared>> -> memref<32x128xf32, #tpu.memory_space<vmem_shared>>
      %dma_start3A_358 = arith.constant 0 : i32
      %dma_start3A_359 = tpu.memref_slice %arg19[%add3A_117, %dma_start3A_358] : memref<10240x128xf32, #tpu.memory_space<vmem_shared>> -> memref<32x128xf32, #tpu.memory_space<vmem_shared>>
      tpu.enqueue_dma source(%arg13 : memref<32x128xf32, #tpu.memory_space<vmem>>) target(%dma_start3A_359 : memref<32x128xf32, #tpu.memory_space<vmem_shared>>) target_semaphore(%run_scoped3A : memref<!tpu.dma_semaphore, #tpu.memory_space<semaphore_mem>>)
      %dma_wait3A = arith.constant 0 : i32
      %dma_wait3A_360 = tpu.memref_slice %arg19[%add3A_117, %dma_wait3A] : memref<10240x128xf32, #tpu.memory_space<vmem_shared>> -> memref<32x128xf32, #tpu.memory_space<vmem_shared>>
      %dma_wait3A_361 = arith.constant 0 : i32
      %dma_wait3A_362 = tpu.memref_slice %arg19[%add3A_117, %dma_wait3A_361] : memref<10240x128xf32, #tpu.memory_space<vmem_shared>> -> memref<32x128xf32, #tpu.memory_space<vmem_shared>>
      tpu.wait_dma2 semaphore(%run_scoped3A : memref<!tpu.dma_semaphore, #tpu.memory_space<semaphore_mem>>) src(%arg13 : memref<32x128xf32, #tpu.memory_space<vmem>>) dst(%dma_wait3A_362 : memref<32x128xf32, #tpu.memory_space<vmem_shared>>)
      tpu.yield
    }) : () -> ()
    %mul3A_118 = arith.constant 640 : i32
    %mul3A_119 = arith.muli %arg1, %mul3A_118 : i32
    %add3A_120 = arith.constant 608 : i32
    %add3A_121 = arith.addi %mul3A_119, %add3A_120 : i32
    "tpu.region"() ({
      %run_scoped3A = tpu.sem_alloc : memref<!tpu.dma_semaphore, #tpu.memory_space<semaphore_mem>>
      %dma_start3A = arith.constant 0 : i32
      %dma_start3A_357 = tpu.memref_slice %arg19[%add3A_121, %dma_start3A] : memref<10240x128xf32, #tpu.memory_space<vmem_shared>> -> memref<32x128xf32, #tpu.memory_space<vmem_shared>>
      %dma_start3A_358 = arith.constant 0 : i32
      %dma_start3A_359 = tpu.memref_slice %arg19[%add3A_121, %dma_start3A_358] : memref<10240x128xf32, #tpu.memory_space<vmem_shared>> -> memref<32x128xf32, #tpu.memory_space<vmem_shared>>
      tpu.enqueue_dma source(%arg13 : memref<32x128xf32, #tpu.memory_space<vmem>>) target(%dma_start3A_359 : memref<32x128xf32, #tpu.memory_space<vmem_shared>>) target_semaphore(%run_scoped3A : memref<!tpu.dma_semaphore, #tpu.memory_space<semaphore_mem>>)
      %dma_wait3A = arith.constant 0 : i32
      %dma_wait3A_360 = tpu.memref_slice %arg19[%add3A_121, %dma_wait3A] : memref<10240x128xf32, #tpu.memory_space<vmem_shared>> -> memref<32x128xf32, #tpu.memory_space<vmem_shared>>
      %dma_wait3A_361 = arith.constant 0 : i32
      %dma_wait3A_362 = tpu.memref_slice %arg19[%add3A_121, %dma_wait3A_361] : memref<10240x128xf32, #tpu.memory_space<vmem_shared>> -> memref<32x128xf32, #tpu.memory_space<vmem_shared>>
      tpu.wait_dma2 semaphore(%run_scoped3A : memref<!tpu.dma_semaphore, #tpu.memory_space<semaphore_mem>>) src(%arg13 : memref<32x128xf32, #tpu.memory_space<vmem>>) dst(%dma_wait3A_362 : memref<32x128xf32, #tpu.memory_space<vmem_shared>>)
      tpu.yield
    }) : () -> ()
    %lt3A = arith.constant 10 : i32
    %lt3A_122 = arith.cmpi slt, %arg1, %lt3A : i32
    %convert_element_type3A = arith.extui %lt3A_122 : i1 to i32
    %cond3A = arith.constant 0 : i32
    %cond3A_123 = arith.cmpi ne, %convert_element_type3A, %cond3A : i32
    scf.if %cond3A_123 {
      %mul3A_357 = arith.constant 8 : i32
      %mul3A_358 = arith.muli %arg1, %mul3A_357 : i32
      "tpu.region"() ({
        %run_scoped3A = tpu.sem_alloc : memref<!tpu.dma_semaphore, #tpu.memory_space<semaphore_mem>>
        %dma_start3A = arith.constant 0 : i32
        %dma_start3A_359 = arith.constant 0 : i32
        %dma_start3A_360 = tpu.memref_slice %arg13[%dma_start3A, %dma_start3A_359] : memref<32x128xf32, #tpu.memory_space<vmem>> -> memref<8x128xf32, #tpu.memory_space<vmem>>
        %dma_start3A_361 = arith.constant 0 : i32
        %dma_start3A_362 = tpu.memref_slice %arg20[%mul3A_358, %dma_start3A_361] : memref<80x128xf32, #tpu.memory_space<vmem_shared>> -> memref<8x128xf32, #tpu.memory_space<vmem_shared>>
        %dma_start3A_363 = arith.constant 0 : i32
        %dma_start3A_364 = tpu.memref_slice %arg20[%mul3A_358, %dma_start3A_363] : memref<80x128xf32, #tpu.memory_space<vmem_shared>> -> memref<8x128xf32, #tpu.memory_space<vmem_shared>>
        %dma_start3A_365 = arith.constant 0 : i32
        %dma_start3A_366 = arith.constant 0 : i32
        %dma_start3A_367 = tpu.memref_slice %arg13[%dma_start3A_365, %dma_start3A_366] : memref<32x128xf32, #tpu.memory_space<vmem>> -> memref<8x128xf32, #tpu.memory_space<vmem>>
        tpu.enqueue_dma source(%dma_start3A_367 : memref<8x128xf32, #tpu.memory_space<vmem>>) target(%dma_start3A_364 : memref<8x128xf32, #tpu.memory_space<vmem_shared>>) target_semaphore(%run_scoped3A : memref<!tpu.dma_semaphore, #tpu.memory_space<semaphore_mem>>)
        %dma_wait3A = arith.constant 0 : i32
        %dma_wait3A_368 = arith.constant 0 : i32
        %dma_wait3A_369 = tpu.memref_slice %arg13[%dma_wait3A, %dma_wait3A_368] : memref<32x128xf32, #tpu.memory_space<vmem>> -> memref<8x128xf32, #tpu.memory_space<vmem>>
        %dma_wait3A_370 = arith.constant 0 : i32
        %dma_wait3A_371 = tpu.memref_slice %arg20[%mul3A_358, %dma_wait3A_370] : memref<80x128xf32, #tpu.memory_space<vmem_shared>> -> memref<8x128xf32, #tpu.memory_space<vmem_shared>>
        %dma_wait3A_372 = arith.constant 0 : i32
        %dma_wait3A_373 = tpu.memref_slice %arg20[%mul3A_358, %dma_wait3A_372] : memref<80x128xf32, #tpu.memory_space<vmem_shared>> -> memref<8x128xf32, #tpu.memory_space<vmem_shared>>
        %dma_wait3A_374 = arith.constant 0 : i32
        %dma_wait3A_375 = arith.constant 0 : i32
        %dma_wait3A_376 = tpu.memref_slice %arg13[%dma_wait3A_374, %dma_wait3A_375] : memref<32x128xf32, #tpu.memory_space<vmem>> -> memref<8x128xf32, #tpu.memory_space<vmem>>
        tpu.wait_dma2 semaphore(%run_scoped3A : memref<!tpu.dma_semaphore, #tpu.memory_space<semaphore_mem>>) src(%dma_wait3A_376 : memref<8x128xf32, #tpu.memory_space<vmem>>) dst(%dma_wait3A_373 : memref<8x128xf32, #tpu.memory_space<vmem_shared>>)
        tpu.yield
      }) : () -> ()
    } else {
    }
    %barrier3A = arith.constant 0 : index
    tpu.barrier barrier_id(%barrier3A)
    %scan3A_124 = arith.constant 0 : i32
    %scan3A_125 = arith.constant 0 : i32
    %scan3A_126 = arith.constant 250 : i32
    %scan3A_127 = arith.addi %scan3A_125, %scan3A_126 : i32
    %scan3A_128 = arith.constant 1 : i32
    %scan3A_129 = scf.for %scan3A_357 = %scan3A_125 to %scan3A_127 step %scan3A_128 iter_args(%scan3A_358 = %scan3A_124) -> (i32)  : i32 {
      %mul3A_359 = arith.constant 10000 : i32
      %mul3A_360 = arith.muli %add3A, %mul3A_359 : i32
      %mul3A_361 = arith.constant 40 : i32
      %mul3A_362 = arith.muli %scan3A_357, %mul3A_361 : i32
      %add3A_363 = arith.addi %mul3A_360, %mul3A_362 : i32
      "tpu.region"() ({
        %run_scoped3A = tpu.sem_alloc : memref<!tpu.dma_semaphore, #tpu.memory_space<semaphore_mem>>
        %dma_start3A_494 = tpu.memref_slice %arg4[%add3A_363] : memref<320000xi32, #tpu.memory_space<hbm>> -> memref<40xi32, #tpu.memory_space<hbm>>
        %dma_start3A_495 = tpu.memref_slice %arg4[%add3A_363] : memref<320000xi32, #tpu.memory_space<hbm>> -> memref<40xi32, #tpu.memory_space<hbm>>
        tpu.enqueue_dma source(%dma_start3A_495 : memref<40xi32, #tpu.memory_space<hbm>>) target(%arg8 : memref<40xi32, #tpu.memory_space<vmem>>) target_semaphore(%run_scoped3A : memref<!tpu.dma_semaphore, #tpu.memory_space<semaphore_mem>>)
        %dma_wait3A_496 = tpu.memref_slice %arg4[%add3A_363] : memref<320000xi32, #tpu.memory_space<hbm>> -> memref<40xi32, #tpu.memory_space<hbm>>
        %dma_wait3A_497 = tpu.memref_slice %arg4[%add3A_363] : memref<320000xi32, #tpu.memory_space<hbm>> -> memref<40xi32, #tpu.memory_space<hbm>>
        tpu.wait_dma2 semaphore(%run_scoped3A : memref<!tpu.dma_semaphore, #tpu.memory_space<semaphore_mem>>) src(%dma_wait3A_497 : memref<40xi32, #tpu.memory_space<hbm>>) dst(%arg8 : memref<40xi32, #tpu.memory_space<vmem>>)
        tpu.yield
      }) : () -> ()
      "tpu.region"() ({
        %run_scoped3A = tpu.sem_alloc : memref<!tpu.dma_semaphore, #tpu.memory_space<semaphore_mem>>
        %dma_start3A_494 = tpu.memref_slice %arg5[%add3A_363] : memref<320000xi32, #tpu.memory_space<hbm>> -> memref<40xi32, #tpu.memory_space<hbm>>
        %dma_start3A_495 = tpu.memref_slice %arg5[%add3A_363] : memref<320000xi32, #tpu.memory_space<hbm>> -> memref<40xi32, #tpu.memory_space<hbm>>
        tpu.enqueue_dma source(%dma_start3A_495 : memref<40xi32, #tpu.memory_space<hbm>>) target(%arg9 : memref<40xi32, #tpu.memory_space<vmem>>) target_semaphore(%run_scoped3A : memref<!tpu.dma_semaphore, #tpu.memory_space<semaphore_mem>>)
        %dma_wait3A_496 = tpu.memref_slice %arg5[%add3A_363] : memref<320000xi32, #tpu.memory_space<hbm>> -> memref<40xi32, #tpu.memory_space<hbm>>
        %dma_wait3A_497 = tpu.memref_slice %arg5[%add3A_363] : memref<320000xi32, #tpu.memory_space<hbm>> -> memref<40xi32, #tpu.memory_space<hbm>>
        tpu.wait_dma2 semaphore(%run_scoped3A : memref<!tpu.dma_semaphore, #tpu.memory_space<semaphore_mem>>) src(%dma_wait3A_497 : memref<40xi32, #tpu.memory_space<hbm>>) dst(%arg9 : memref<40xi32, #tpu.memory_space<vmem>>)
        tpu.yield
      }) : () -> ()
      %dma_start3A = arith.constant 0 : i32
      %dma_start3A_364 = arith.constant 0 : i32
      %dma_start3A_365 = tpu.memref_slice %arg2[%dma_start3A, %dma_start3A_364] : memref<10000x256xf32, #tpu.memory_space<hbm>> -> memref<10000x256xf32, #tpu.memory_space<hbm>>
      tpu.enqueue_indirect_dma source(%dma_start3A_365 : memref<10000x256xf32, #tpu.memory_space<hbm>>) target(%arg10 : memref<40x256xf32, #tpu.memory_space<vmem>>) offsets(%arg8 : memref<40xi32, #tpu.memory_space<vmem>>) semaphore(%arg17 : memref<!tpu.dma_semaphore, #tpu.memory_space<semaphore_mem>>)
      %dma_start3A_366 = arith.constant 0 : i32
      %dma_start3A_367 = arith.constant 0 : i32
      %dma_start3A_368 = tpu.memref_slice %arg3[%dma_start3A_366, %dma_start3A_367] : memref<10000x128xf32, #tpu.memory_space<hbm>> -> memref<10000x128xf32, #tpu.memory_space<hbm>>
      tpu.enqueue_indirect_dma source(%dma_start3A_368 : memref<10000x128xf32, #tpu.memory_space<hbm>>) target(%arg11 : memref<40x128xf32, #tpu.memory_space<vmem>>) offsets(%arg9 : memref<40xi32, #tpu.memory_space<vmem>>) semaphore(%arg18 : memref<!tpu.dma_semaphore, #tpu.memory_space<semaphore_mem>>)
      %dma_wait3A = arith.constant 0 : i32
      %dma_wait3A_369 = arith.constant 0 : i32
      %dma_wait3A_370 = tpu.memref_slice %arg2[%dma_wait3A, %dma_wait3A_369] : memref<10000x256xf32, #tpu.memory_space<hbm>> -> memref<10000x256xf32, #tpu.memory_space<hbm>>
      tpu.wait_indirect_dma semaphore(%arg17 : memref<!tpu.dma_semaphore, #tpu.memory_space<semaphore_mem>>) src(%dma_wait3A_370 : memref<10000x256xf32, #tpu.memory_space<hbm>>) dst(%arg10 : memref<40x256xf32, #tpu.memory_space<vmem>>)
      %dma_wait3A_371 = arith.constant 0 : i32
      %dma_wait3A_372 = arith.constant 0 : i32
      %dma_wait3A_373 = tpu.memref_slice %arg3[%dma_wait3A_371, %dma_wait3A_372] : memref<10000x128xf32, #tpu.memory_space<hbm>> -> memref<10000x128xf32, #tpu.memory_space<hbm>>
      tpu.wait_indirect_dma semaphore(%arg18 : memref<!tpu.dma_semaphore, #tpu.memory_space<semaphore_mem>>) src(%dma_wait3A_373 : memref<10000x128xf32, #tpu.memory_space<hbm>>) dst(%arg11 : memref<40x128xf32, #tpu.memory_space<vmem>>)
      %scan3A_374 = arith.constant 0 : i32
      %scan3A_375 = arith.constant 0 : i32
      %scan3A_376 = arith.constant 40 : i32
      %scan3A_377 = arith.addi %scan3A_375, %scan3A_376 : i32
      %scan3A_378 = arith.constant 1 : i32
      %scan3A_379 = scf.for %scan3A_494 = %scan3A_375 to %scan3A_377 step %scan3A_378 iter_args(%scan3A_495 = %scan3A_374) -> (i32)  : i32 {
        %get3A_496 = arith.index_cast %scan3A_494 : i32 to index
        %get3A_497 = arith.constant 0 : index
        %get3A_498 = tpu.vector_load %arg10[%get3A_496, %get3A_497] {strides = array<i32>} : memref<40x256xf32, #tpu.memory_space<vmem>>, vector<16xf32>,
        %get3A_499 = arith.index_cast %scan3A_494 : i32 to index
        %get3A_500 = arith.constant 0 : index
        %get3A_501 = tpu.vector_load %arg11[%get3A_499, %get3A_500] {strides = array<i32>} : memref<40x128xf32, #tpu.memory_space<vmem>>, vector<16xf32>,
        %mul3A_502 = arith.mulf %get3A_498, %get3A_501 : vector<16xf32>
        %get3A_503 = arith.index_cast %scan3A_494 : i32 to index
        %get3A_504 = arith.constant 16 : index
        %get3A_505 = tpu.vector_load %arg10[%get3A_503, %get3A_504] {strides = array<i32>} : memref<40x256xf32, #tpu.memory_space<vmem>>, vector<16xf32>,
        %get3A_506 = arith.index_cast %scan3A_494 : i32 to index
        %get3A_507 = arith.constant 16 : index
        %get3A_508 = tpu.vector_load %arg11[%get3A_506, %get3A_507] {strides = array<i32>} : memref<40x128xf32, #tpu.memory_space<vmem>>, vector<16xf32>,
        %mul3A_509 = arith.mulf %get3A_505, %get3A_508 : vector<16xf32>
        %add3A_510 = arith.addf %mul3A_502, %mul3A_509 : vector<16xf32>
        %get3A_511 = arith.index_cast %scan3A_494 : i32 to index
        %get3A_512 = arith.constant 32 : index
        %get3A_513 = tpu.vector_load %arg10[%get3A_511, %get3A_512] {strides = array<i32>} : memref<40x256xf32, #tpu.memory_space<vmem>>, vector<16xf32>,
        %get3A_514 = arith.index_cast %scan3A_494 : i32 to index
        %get3A_515 = arith.constant 32 : index
        %get3A_516 = tpu.vector_load %arg11[%get3A_514, %get3A_515] {strides = array<i32>} : memref<40x128xf32, #tpu.memory_space<vmem>>, vector<16xf32>,
        %mul3A_517 = arith.mulf %get3A_513, %get3A_516 : vector<16xf32>
        %add3A_518 = arith.addf %add3A_510, %mul3A_517 : vector<16xf32>
        %get3A_519 = arith.index_cast %scan3A_494 : i32 to index
        %get3A_520 = arith.constant 48 : index
        %get3A_521 = tpu.vector_load %arg10[%get3A_519, %get3A_520] {strides = array<i32>} : memref<40x256xf32, #tpu.memory_space<vmem>>, vector<16xf32>,
        %get3A_522 = arith.index_cast %scan3A_494 : i32 to index
        %get3A_523 = arith.constant 48 : index
        %get3A_524 = tpu.vector_load %arg11[%get3A_522, %get3A_523] {strides = array<i32>} : memref<40x128xf32, #tpu.memory_space<vmem>>, vector<16xf32>,
        %mul3A_525 = arith.mulf %get3A_521, %get3A_524 : vector<16xf32>
        %add3A_526 = arith.addf %add3A_518, %mul3A_525 : vector<16xf32>
        %get3A_527 = arith.index_cast %scan3A_494 : i32 to index
        %get3A_528 = arith.constant 64 : index
        %get3A_529 = tpu.vector_load %arg10[%get3A_527, %get3A_528] {strides = array<i32>} : memref<40x256xf32, #tpu.memory_space<vmem>>, vector<16xf32>,
        %get3A_530 = arith.index_cast %scan3A_494 : i32 to index
        %get3A_531 = arith.constant 64 : index
        %get3A_532 = tpu.vector_load %arg11[%get3A_530, %get3A_531] {strides = array<i32>} : memref<40x128xf32, #tpu.memory_space<vmem>>, vector<16xf32>,
        %mul3A_533 = arith.mulf %get3A_529, %get3A_532 : vector<16xf32>
        %add3A_534 = arith.addf %add3A_526, %mul3A_533 : vector<16xf32>
        %get3A_535 = arith.index_cast %scan3A_494 : i32 to index
        %get3A_536 = arith.constant 80 : index
        %get3A_537 = tpu.vector_load %arg10[%get3A_535, %get3A_536] {strides = array<i32>} : memref<40x256xf32, #tpu.memory_space<vmem>>, vector<16xf32>,
        %get3A_538 = arith.index_cast %scan3A_494 : i32 to index
        %get3A_539 = arith.constant 80 : index
        %get3A_540 = tpu.vector_load %arg11[%get3A_538, %get3A_539] {strides = array<i32>} : memref<40x128xf32, #tpu.memory_space<vmem>>, vector<16xf32>,
        %mul3A_541 = arith.mulf %get3A_537, %get3A_540 : vector<16xf32>
        %add3A_542 = arith.addf %add3A_534, %mul3A_541 : vector<16xf32>
        %get3A_543 = arith.index_cast %scan3A_494 : i32 to index
        %get3A_544 = arith.constant 96 : index
        %get3A_545 = tpu.vector_load %arg10[%get3A_543, %get3A_544] {strides = array<i32>} : memref<40x256xf32, #tpu.memory_space<vmem>>, vector<16xf32>,
        %get3A_546 = arith.index_cast %scan3A_494 : i32 to index
        %get3A_547 = arith.constant 96 : index
        %get3A_548 = tpu.vector_load %arg11[%get3A_546, %get3A_547] {strides = array<i32>} : memref<40x128xf32, #tpu.memory_space<vmem>>, vector<16xf32>,
        %mul3A_549 = arith.mulf %get3A_545, %get3A_548 : vector<16xf32>
        %add3A_550 = arith.addf %add3A_542, %mul3A_549 : vector<16xf32>
        %get3A_551 = arith.index_cast %scan3A_494 : i32 to index
        %get3A_552 = arith.constant 112 : index
        %get3A_553 = tpu.vector_load %arg10[%get3A_551, %get3A_552] {strides = array<i32>} : memref<40x256xf32, #tpu.memory_space<vmem>>, vector<16xf32>,
        %get3A_554 = arith.index_cast %scan3A_494 : i32 to index
        %get3A_555 = arith.constant 112 : index
        %get3A_556 = tpu.vector_load %arg11[%get3A_554, %get3A_555] {strides = array<i32>} : memref<40x128xf32, #tpu.memory_space<vmem>>, vector<16xf32>,
        %mul3A_557 = arith.mulf %get3A_553, %get3A_556 : vector<16xf32>
        %add3A_558 = arith.addf %add3A_550, %mul3A_557 : vector<16xf32>
        %reduce_sum3A = arith.constant true
        %reduce_sum3A_559 = vector.broadcast %reduce_sum3A : i1 to vector<16xi1>
        %reduce_sum3A_560 = tpu.scan <sum>, %add3A_558 masked %reduce_sum3A_559 : vector<16xf32>, vector<16xi1> -> vector<16xf32>
        %reduce_sum3A_561 = vector.extract %reduce_sum3A_560[15] : f32 from vector<16xf32>
        %broadcast_in_dim3A_562 = vector.broadcast %reduce_sum3A_561 : f32 to vector<16xf32>
        %exp3A = math.exp %broadcast_in_dim3A_562 : vector<16xf32>
        %get3A_563 = arith.index_cast %scan3A_494 : i32 to index
        %get3A_564 = arith.constant 128 : index
        %get3A_565 = tpu.vector_load %arg10[%get3A_563, %get3A_564] {strides = array<i32>} : memref<40x256xf32, #tpu.memory_space<vmem>>, vector<16xf32>,
        %mul3A_566 = arith.mulf %exp3A, %get3A_565 : vector<16xf32>
        %swap3A_567 = arith.index_cast %scan3A_494 : i32 to index
        %swap3A_568 = arith.constant 0 : index
        %swap3A_569 = tpu.vector_load %arg12[%swap3A_567, %swap3A_568] {strides = array<i32>} : memref<40x128xf32, #tpu.memory_space<vmem>>, vector<16xf32>,
        tpu.vector_store %arg12[%swap3A_567, %swap3A_568], %mul3A_566 {strides = array<i32>} : memref<40x128xf32, #tpu.memory_space<vmem>>, vector<16xf32>,
        %get3A_570 = arith.index_cast %scan3A_494 : i32 to index
        %get3A_571 = arith.constant 144 : index
        %get3A_572 = tpu.vector_load %arg10[%get3A_570, %get3A_571] {strides = array<i32>} : memref<40x256xf32, #tpu.memory_space<vmem>>, vector<16xf32>,
        %mul3A_573 = arith.mulf %exp3A, %get3A_572 : vector<16xf32>
        %swap3A_574 = arith.index_cast %scan3A_494 : i32 to index
        %swap3A_575 = arith.constant 16 : index
        %swap3A_576 = tpu.vector_load %arg12[%swap3A_574, %swap3A_575] {strides = array<i32>} : memref<40x128xf32, #tpu.memory_space<vmem>>, vector<16xf32>,
        tpu.vector_store %arg12[%swap3A_574, %swap3A_575], %mul3A_573 {strides = array<i32>} : memref<40x128xf32, #tpu.memory_space<vmem>>, vector<16xf32>,
        %get3A_577 = arith.index_cast %scan3A_494 : i32 to index
        %get3A_578 = arith.constant 160 : index
        %get3A_579 = tpu.vector_load %arg10[%get3A_577, %get3A_578] {strides = array<i32>} : memref<40x256xf32, #tpu.memory_space<vmem>>, vector<16xf32>,
        %mul3A_580 = arith.mulf %exp3A, %get3A_579 : vector<16xf32>
        %swap3A_581 = arith.index_cast %scan3A_494 : i32 to index
        %swap3A_582 = arith.constant 32 : index
        %swap3A_583 = tpu.vector_load %arg12[%swap3A_581, %swap3A_582] {strides = array<i32>} : memref<40x128xf32, #tpu.memory_space<vmem>>, vector<16xf32>,
        tpu.vector_store %arg12[%swap3A_581, %swap3A_582], %mul3A_580 {strides = array<i32>} : memref<40x128xf32, #tpu.memory_space<vmem>>, vector<16xf32>,
        %get3A_584 = arith.index_cast %scan3A_494 : i32 to index
        %get3A_585 = arith.constant 176 : index
        %get3A_586 = tpu.vector_load %arg10[%get3A_584, %get3A_585] {strides = array<i32>} : memref<40x256xf32, #tpu.memory_space<vmem>>, vector<16xf32>,
        %mul3A_587 = arith.mulf %exp3A, %get3A_586 : vector<16xf32>
        %swap3A_588 = arith.index_cast %scan3A_494 : i32 to index
        %swap3A_589 = arith.constant 48 : index
        %swap3A_590 = tpu.vector_load %arg12[%swap3A_588, %swap3A_589] {strides = array<i32>} : memref<40x128xf32, #tpu.memory_space<vmem>>, vector<16xf32>,
        tpu.vector_store %arg12[%swap3A_588, %swap3A_589], %mul3A_587 {strides = array<i32>} : memref<40x128xf32, #tpu.memory_space<vmem>>, vector<16xf32>,
        %get3A_591 = arith.index_cast %scan3A_494 : i32 to index
        %get3A_592 = arith.constant 192 : index
        %get3A_593 = tpu.vector_load %arg10[%get3A_591, %get3A_592] {strides = array<i32>} : memref<40x256xf32, #tpu.memory_space<vmem>>, vector<16xf32>,
        %mul3A_594 = arith.mulf %exp3A, %get3A_593 : vector<16xf32>
        %swap3A_595 = arith.index_cast %scan3A_494 : i32 to index
        %swap3A_596 = arith.constant 64 : index
        %swap3A_597 = tpu.vector_load %arg12[%swap3A_595, %swap3A_596] {strides = array<i32>} : memref<40x128xf32, #tpu.memory_space<vmem>>, vector<16xf32>,
        tpu.vector_store %arg12[%swap3A_595, %swap3A_596], %mul3A_594 {strides = array<i32>} : memref<40x128xf32, #tpu.memory_space<vmem>>, vector<16xf32>,
        %get3A_598 = arith.index_cast %scan3A_494 : i32 to index
        %get3A_599 = arith.constant 208 : index
        %get3A_600 = tpu.vector_load %arg10[%get3A_598, %get3A_599] {strides = array<i32>} : memref<40x256xf32, #tpu.memory_space<vmem>>, vector<16xf32>,
        %mul3A_601 = arith.mulf %exp3A, %get3A_600 : vector<16xf32>
        %swap3A_602 = arith.index_cast %scan3A_494 : i32 to index
        %swap3A_603 = arith.constant 80 : index
        %swap3A_604 = tpu.vector_load %arg12[%swap3A_602, %swap3A_603] {strides = array<i32>} : memref<40x128xf32, #tpu.memory_space<vmem>>, vector<16xf32>,
        tpu.vector_store %arg12[%swap3A_602, %swap3A_603], %mul3A_601 {strides = array<i32>} : memref<40x128xf32, #tpu.memory_space<vmem>>, vector<16xf32>,
        %get3A_605 = arith.index_cast %scan3A_494 : i32 to index
        %get3A_606 = arith.constant 224 : index
        %get3A_607 = tpu.vector_load %arg10[%get3A_605, %get3A_606] {strides = array<i32>} : memref<40x256xf32, #tpu.memory_space<vmem>>, vector<16xf32>,
        %mul3A_608 = arith.mulf %exp3A, %get3A_607 : vector<16xf32>
        %swap3A_609 = arith.index_cast %scan3A_494 : i32 to index
        %swap3A_610 = arith.constant 96 : index
        %swap3A_611 = tpu.vector_load %arg12[%swap3A_609, %swap3A_610] {strides = array<i32>} : memref<40x128xf32, #tpu.memory_space<vmem>>, vector<16xf32>,
        tpu.vector_store %arg12[%swap3A_609, %swap3A_610], %mul3A_608 {strides = array<i32>} : memref<40x128xf32, #tpu.memory_space<vmem>>, vector<16xf32>,
        %get3A_612 = arith.index_cast %scan3A_494 : i32 to index
        %get3A_613 = arith.constant 240 : index
        %get3A_614 = tpu.vector_load %arg10[%get3A_612, %get3A_613] {strides = array<i32>} : memref<40x256xf32, #tpu.memory_space<vmem>>, vector<16xf32>,
        %mul3A_615 = arith.mulf %exp3A, %get3A_614 : vector<16xf32>
        %swap3A_616 = arith.index_cast %scan3A_494 : i32 to index
        %swap3A_617 = arith.constant 112 : index
        %swap3A_618 = tpu.vector_load %arg12[%swap3A_616, %swap3A_617] {strides = array<i32>} : memref<40x128xf32, #tpu.memory_space<vmem>>, vector<16xf32>,
        tpu.vector_store %arg12[%swap3A_616, %swap3A_617], %mul3A_615 {strides = array<i32>} : memref<40x128xf32, #tpu.memory_space<vmem>>, vector<16xf32>,
        %swap3A_619 = arith.index_cast %scan3A_494 : i32 to index
        %swap3A_620 = arith.constant 0 : index
        %swap3A_621 = tpu.vector_load %arg14[%swap3A_619, %swap3A_620] {strides = array<i32>} : memref<40x16xf32, #tpu.memory_space<vmem>>, vector<16xf32>,
        tpu.vector_store %arg14[%swap3A_619, %swap3A_620], %exp3A {strides = array<i32>} : memref<40x16xf32, #tpu.memory_space<vmem>>, vector<16xf32>,
        %scan3A_622 = arith.constant 0 : i32
        scf.yield %scan3A_622 : i32
      }
      %scan3A_380 = arith.constant 40 : i32
      %iota3A_381 = tpu.iota {dimensions = array<i32: 0>} : vector<16xi32>
      %add3A_382 = arith.constant 0 : i32
      %add3A_383 = vector.broadcast %add3A_382 : i32 to vector<16xi32>
      %add3A_384 = arith.addi %iota3A_381, %add3A_383 : vector<16xi32>
      %broadcast_in_dim3A = arith.constant 0 : i32
      %broadcast_in_dim3A_385 = vector.broadcast %broadcast_in_dim3A : i32 to vector<16xi32>
      %gather3A = tpu.vector_load_idx %arg14[%add3A_384, %broadcast_in_dim3A_385] : memref<40x16xf32, #tpu.memory_space<vmem>>[vector<16xi32>, vector<16xi32>], vector<16xf32>,
      %get3A = arith.constant 0 : index
      %get3A_386 = tpu.vector_load %arg9[%get3A] {strides = array<i32>} : memref<40xi32, #tpu.memory_space<vmem>>, vector<16xi32>,
      %jit3A = arith.constant 128 : i32
      %div3A = vector.broadcast %jit3A : i32 to vector<16xi32>
      %div3A_387 = arith.divsi %get3A_386, %div3A : vector<16xi32>
      %sign3A = arith.constant 0 : i32
      %sign3A_388 = vector.broadcast %sign3A : i32 to vector<16xi32>
      %sign3A_389 = arith.cmpi sgt, %get3A_386, %sign3A_388 : vector<16xi32>
      %sign3A_390 = arith.extui %sign3A_389 : vector<16xi1> to vector<16xi32>
      %sign3A_391 = arith.constant 0 : i32
      %sign3A_392 = vector.broadcast %sign3A_391 : i32 to vector<16xi32>
      %sign3A_393 = arith.cmpi slt, %get3A_386, %sign3A_392 : vector<16xi32>
      %sign3A_394 = arith.extui %sign3A_393 : vector<16xi1> to vector<16xi32>
      %sign3A_395 = arith.subi %sign3A_390, %sign3A_394 : vector<16xi32>
      %sign3A_396 = arith.constant 0 : i32
      %sign3A_397 = arith.cmpi sgt, %jit3A, %sign3A_396 : i32
      %sign3A_398 = arith.extui %sign3A_397 : i1 to i32
      %sign3A_399 = arith.constant 0 : i32
      %sign3A_400 = arith.cmpi slt, %jit3A, %sign3A_399 : i32
      %sign3A_401 = arith.extui %sign3A_400 : i1 to i32
      %sign3A_402 = arith.subi %sign3A_398, %sign3A_401 : i32
      %ne3A = vector.broadcast %sign3A_402 : i32 to vector<16xi32>
      %ne3A_403 = arith.cmpi ne, %sign3A_395, %ne3A : vector<16xi32>
      %rem3A = vector.broadcast %jit3A : i32 to vector<16xi32>
      %rem3A_404 = arith.remsi %get3A_386, %rem3A : vector<16xi32>
      %ne3A_405 = arith.constant 0 : i32
      %ne3A_406 = vector.broadcast %ne3A_405 : i32 to vector<16xi32>
      %ne3A_407 = arith.cmpi ne, %rem3A_404, %ne3A_406 : vector<16xi32>
      %and3A = arith.andi %ne3A_403, %ne3A_407 : vector<16xi1>
      %sub3A = arith.constant 1 : i32
      %sub3A_408 = vector.broadcast %sub3A : i32 to vector<16xi32>
      %sub3A_409 = arith.subi %div3A_387, %sub3A_408 : vector<16xi32>
      %select_n3A = arith.select %and3A, %sub3A_409, %div3A_387 : vector<16xi1>, vector<16xi32>
      %jit3A_410 = arith.constant 128 : i32
      %eq3A = arith.constant 0 : i32
      %eq3A_411 = arith.cmpi eq, %jit3A_410, %eq3A : i32
      %jit3A_412 = arith.constant 1 : i32
      %select_n3A_413 = arith.select %eq3A_411, %jit3A_412, %jit3A_410 : i32
      %rem3A_414 = vector.broadcast %select_n3A_413 : i32 to vector<16xi32>
      %rem3A_415 = arith.remsi %get3A_386, %rem3A_414 : vector<16xi32>
      %ne3A_416 = arith.constant 0 : i32
      %ne3A_417 = vector.broadcast %ne3A_416 : i32 to vector<16xi32>
      %ne3A_418 = arith.cmpi ne, %rem3A_415, %ne3A_417 : vector<16xi32>
      %lt3A_419 = arith.constant 0 : i32
      %lt3A_420 = vector.broadcast %lt3A_419 : i32 to vector<16xi32>
      %lt3A_421 = arith.cmpi slt, %rem3A_415, %lt3A_420 : vector<16xi32>
      %lt3A_422 = arith.constant 0 : i32
      %lt3A_423 = arith.cmpi slt, %select_n3A_413, %lt3A_422 : i32
      %ne3A_424 = vector.broadcast %lt3A_423 : i1 to vector<16xi1>
      %ne3A_425 = vector.broadcast %ne3A_424 : vector<16xi1> to vector<16xi1>
      %ne3A_426 = arith.xori %lt3A_421, %ne3A_425 : vector<16xi1>
      %and3A_427 = arith.andi %ne3A_426, %ne3A_418 : vector<16xi1>
      %add3A_428 = vector.broadcast %select_n3A_413 : i32 to vector<16xi32>
      %add3A_429 = arith.addi %rem3A_415, %add3A_428 : vector<16xi32>
      %select_n3A_430 = arith.select %and3A_427, %add3A_429, %rem3A_415 : vector<16xi1>, vector<16xi32>
      tpu.vector_store_idx %arg15[%select_n3A, %select_n3A_430], %gather3A {add = true} : memref<80x128xf32, #tpu.memory_space<vmem>>[vector<16xi32>, vector<16xi32>], vector<16xf32>,
      %iota3A_431 = tpu.iota {dimensions = array<i32: 0>} : vector<16xi32>
      %add3A_432 = arith.constant 16 : i32
      %add3A_433 = vector.broadcast %add3A_432 : i32 to vector<16xi32>
      %add3A_434 = arith.addi %iota3A_431, %add3A_433 : vector<16xi32>
      %broadcast_in_dim3A_435 = arith.constant 0 : i32
      %broadcast_in_dim3A_436 = vector.broadcast %broadcast_in_dim3A_435 : i32 to vector<16xi32>
      %gather3A_437 = tpu.vector_load_idx %arg14[%add3A_434, %broadcast_in_dim3A_436] : memref<40x16xf32, #tpu.memory_space<vmem>>[vector<16xi32>, vector<16xi32>], vector<16xf32>,
      %get3A_438 = arith.constant 16 : index
      %get3A_439 = tpu.vector_load %arg9[%get3A_438] {strides = array<i32>} : memref<40xi32, #tpu.memory_space<vmem>>, vector<16xi32>,
      %jit3A_440 = arith.constant 128 : i32
      %div3A_441 = vector.broadcast %jit3A_440 : i32 to vector<16xi32>
      %div3A_442 = arith.divsi %get3A_439, %div3A_441 : vector<16xi32>
      %sign3A_443 = arith.constant 0 : i32
      %sign3A_444 = vector.broadcast %sign3A_443 : i32 to vector<16xi32>
      %sign3A_445 = arith.cmpi sgt, %get3A_439, %sign3A_444 : vector<16xi32>
      %sign3A_446 = arith.extui %sign3A_445 : vector<16xi1> to vector<16xi32>
      %sign3A_447 = arith.constant 0 : i32
      %sign3A_448 = vector.broadcast %sign3A_447 : i32 to vector<16xi32>
      %sign3A_449 = arith.cmpi slt, %get3A_439, %sign3A_448 : vector<16xi32>
      %sign3A_450 = arith.extui %sign3A_449 : vector<16xi1> to vector<16xi32>
      %sign3A_451 = arith.subi %sign3A_446, %sign3A_450 : vector<16xi32>
      %sign3A_452 = arith.constant 0 : i32
      %sign3A_453 = arith.cmpi sgt, %jit3A_440, %sign3A_452 : i32
      %sign3A_454 = arith.extui %sign3A_453 : i1 to i32
      %sign3A_455 = arith.constant 0 : i32
      %sign3A_456 = arith.cmpi slt, %jit3A_440, %sign3A_455 : i32
      %sign3A_457 = arith.extui %sign3A_456 : i1 to i32
      %sign3A_458 = arith.subi %sign3A_454, %sign3A_457 : i32
      %ne3A_459 = vector.broadcast %sign3A_458 : i32 to vector<16xi32>
      %ne3A_460 = arith.cmpi ne, %sign3A_451, %ne3A_459 : vector<16xi32>
      %rem3A_461 = vector.broadcast %jit3A_440 : i32 to vector<16xi32>
      %rem3A_462 = arith.remsi %get3A_439, %rem3A_461 : vector<16xi32>
      %ne3A_463 = arith.constant 0 : i32
      %ne3A_464 = vector.broadcast %ne3A_463 : i32 to vector<16xi32>
      %ne3A_465 = arith.cmpi ne, %rem3A_462, %ne3A_464 : vector<16xi32>
      %and3A_466 = arith.andi %ne3A_460, %ne3A_465 : vector<16xi1>
      %sub3A_467 = arith.constant 1 : i32
      %sub3A_468 = vector.broadcast %sub3A_467 : i32 to vector<16xi32>
      %sub3A_469 = arith.subi %div3A_442, %sub3A_468 : vector<16xi32>
      %select_n3A_470 = arith.select %and3A_466, %sub3A_469, %div3A_442 : vector<16xi1>, vector<16xi32>
      %jit3A_471 = arith.constant 128 : i32
      %eq3A_472 = arith.constant 0 : i32
      %eq3A_473 = arith.cmpi eq, %jit3A_471, %eq3A_472 : i32
      %jit3A_474 = arith.constant 1 : i32
      %select_n3A_475 = arith.select %eq3A_473, %jit3A_474, %jit3A_471 : i32
      %rem3A_476 = vector.broadcast %select_n3A_475 : i32 to vector<16xi32>
      %rem3A_477 = arith.remsi %get3A_439, %rem3A_476 : vector<16xi32>
      %ne3A_478 = arith.constant 0 : i32
      %ne3A_479 = vector.broadcast %ne3A_478 : i32 to vector<16xi32>
      %ne3A_480 = arith.cmpi ne, %rem3A_477, %ne3A_479 : vector<16xi32>
      %lt3A_481 = arith.constant 0 : i32
      %lt3A_482 = vector.broadcast %lt3A_481 : i32 to vector<16xi32>
      %lt3A_483 = arith.cmpi slt, %rem3A_477, %lt3A_482 : vector<16xi32>
      %lt3A_484 = arith.constant 0 : i32
      %lt3A_485 = arith.cmpi slt, %select_n3A_475, %lt3A_484 : i32
      %ne3A_486 = vector.broadcast %lt3A_485 : i1 to vector<16xi1>
      %ne3A_487 = vector.broadcast %ne3A_486 : vector<16xi1> to vector<16xi1>
      %ne3A_488 = arith.xori %lt3A_483, %ne3A_487 : vector<16xi1>
      %and3A_489 = arith.andi %ne3A_488, %ne3A_480 : vector<16xi1>
      %add3A_490 = vector.broadcast %select_n3A_475 : i32 to vector<16xi32>
      %add3A_491 = arith.addi %rem3A_477, %add3A_490 : vector<16xi32>
      %select_n3A_492 = arith.select %and3A_489, %add3A_491, %rem3A_477 : vector<16xi1>, vector<16xi32>
      tpu.vector_store_idx %arg15[%select_n3A_470, %select_n3A_492], %gather3A_437 {add = true} : memref<80x128xf32, #tpu.memory_space<vmem>>[vector<16xi32>, vector<16xi32>], vector<16xf32>,
      "tpu.region"() ({
        %run_scoped3A = tpu.sem_alloc : memref<!tpu.dma_semaphore, #tpu.memory_space<semaphore_mem>>
        %dma_start3A_494 = arith.constant 0 : i32
        %dma_start3A_495 = arith.constant 0 : i32
        %dma_start3A_496 = tpu.memref_slice %arg19[%dma_start3A_494, %dma_start3A_495] : memref<10240x128xf32, #tpu.memory_space<vmem_shared>> -> memref<10240x128xf32, #tpu.memory_space<vmem_shared>>
        tpu.enqueue_indirect_dma source(%arg12 : memref<40x128xf32, #tpu.memory_space<vmem>>) target(%dma_start3A_496 : memref<10240x128xf32, #tpu.memory_space<vmem_shared>>) offsets(%arg9 : memref<40xi32, #tpu.memory_space<vmem>>) semaphore(%run_scoped3A : memref<!tpu.dma_semaphore, #tpu.memory_space<semaphore_mem>>) {add = true}
        %dma_wait3A_497 = arith.constant 0 : i32
        %dma_wait3A_498 = arith.constant 0 : i32
        %dma_wait3A_499 = tpu.memref_slice %arg19[%dma_wait3A_497, %dma_wait3A_498] : memref<10240x128xf32, #tpu.memory_space<vmem_shared>> -> memref<10240x128xf32, #tpu.memory_space<vmem_shared>>
        tpu.wait_indirect_dma semaphore(%run_scoped3A : memref<!tpu.dma_semaphore, #tpu.memory_space<semaphore_mem>>) src(%arg12 : memref<40x128xf32, #tpu.memory_space<vmem>>) dst(%dma_wait3A_499 : memref<10240x128xf32, #tpu.memory_space<vmem_shared>>)
        tpu.yield
      }) : () -> ()
      %scan3A_493 = arith.constant 0 : i32
      scf.yield %scan3A_493 : i32
    }
    %scan3A_130 = arith.constant 250 : i32
    "tpu.region"() ({
      %run_scoped3A = tpu.sem_alloc : memref<!tpu.dma_semaphore, #tpu.memory_space<semaphore_mem>>
      %dma_start3A = arith.constant 0 : i32
      %dma_start3A_357 = arith.constant 0 : i32
      %dma_start3A_358 = tpu.memref_slice %arg20[%dma_start3A, %dma_start3A_357] : memref<80x128xf32, #tpu.memory_space<vmem_shared>> -> memref<80x128xf32, #tpu.memory_space<vmem_shared>>
      tpu.enqueue_indirect_dma source(%arg15 : memref<80x128xf32, #tpu.memory_space<vmem>>) target(%dma_start3A_358 : memref<80x128xf32, #tpu.memory_space<vmem_shared>>) offsets(%arg16 : memref<80xi32, #tpu.memory_space<vmem>>) semaphore(%run_scoped3A : memref<!tpu.dma_semaphore, #tpu.memory_space<semaphore_mem>>) {add = true}
      %dma_wait3A = arith.constant 0 : i32
      %dma_wait3A_359 = arith.constant 0 : i32
      %dma_wait3A_360 = tpu.memref_slice %arg20[%dma_wait3A, %dma_wait3A_359] : memref<80x128xf32, #tpu.memory_space<vmem_shared>> -> memref<80x128xf32, #tpu.memory_space<vmem_shared>>
      tpu.wait_indirect_dma semaphore(%run_scoped3A : memref<!tpu.dma_semaphore, #tpu.memory_space<semaphore_mem>>) src(%arg15 : memref<80x128xf32, #tpu.memory_space<vmem>>) dst(%dma_wait3A_360 : memref<80x128xf32, #tpu.memory_space<vmem_shared>>)
      tpu.yield
    }) : () -> ()
    %barrier3A_131 = arith.constant 0 : index
    tpu.barrier barrier_id(%barrier3A_131)
    %mul3A_132 = arith.constant 640 : i32
    %mul3A_133 = arith.muli %arg1, %mul3A_132 : i32
    %add3A_134 = arith.constant 0 : i32
    %add3A_135 = arith.addi %mul3A_133, %add3A_134 : i32
    "tpu.region"() ({
      %run_scoped3A = tpu.sem_alloc : memref<!tpu.dma_semaphore, #tpu.memory_space<semaphore_mem>>
      %dma_start3A = arith.constant 0 : i32
      %dma_start3A_357 = tpu.memref_slice %arg19[%add3A_135, %dma_start3A] : memref<10240x128xf32, #tpu.memory_space<vmem_shared>> -> memref<32x128xf32, #tpu.memory_space<vmem_shared>>
      %dma_start3A_358 = arith.constant 0 : i32
      %dma_start3A_359 = tpu.memref_slice %arg19[%add3A_135, %dma_start3A_358] : memref<10240x128xf32, #tpu.memory_space<vmem_shared>> -> memref<32x128xf32, #tpu.memory_space<vmem_shared>>
      tpu.enqueue_dma source(%dma_start3A_359 : memref<32x128xf32, #tpu.memory_space<vmem_shared>>) target(%arg13 : memref<32x128xf32, #tpu.memory_space<vmem>>) target_semaphore(%run_scoped3A : memref<!tpu.dma_semaphore, #tpu.memory_space<semaphore_mem>>)
      %dma_wait3A = arith.constant 0 : i32
      %dma_wait3A_360 = tpu.memref_slice %arg19[%add3A_135, %dma_wait3A] : memref<10240x128xf32, #tpu.memory_space<vmem_shared>> -> memref<32x128xf32, #tpu.memory_space<vmem_shared>>
      %dma_wait3A_361 = arith.constant 0 : i32
      %dma_wait3A_362 = tpu.memref_slice %arg19[%add3A_135, %dma_wait3A_361] : memref<10240x128xf32, #tpu.memory_space<vmem_shared>> -> memref<32x128xf32, #tpu.memory_space<vmem_shared>>
      tpu.wait_dma2 semaphore(%run_scoped3A : memref<!tpu.dma_semaphore, #tpu.memory_space<semaphore_mem>>) src(%dma_wait3A_362 : memref<32x128xf32, #tpu.memory_space<vmem_shared>>) dst(%arg13 : memref<32x128xf32, #tpu.memory_space<vmem>>)
      tpu.yield
    }) : () -> ()
    %mul3A_136 = arith.constant 10240 : i32
    %mul3A_137 = arith.muli %arg0, %mul3A_136 : i32
    %mul3A_138 = arith.constant 640 : i32
    %mul3A_139 = arith.muli %arg1, %mul3A_138 : i32
    %add3A_140 = arith.addi %mul3A_137, %mul3A_139 : i32
    %add3A_141 = arith.constant 0 : i32
    %add3A_142 = arith.addi %add3A_140, %add3A_141 : i32
    "tpu.region"() ({
      %run_scoped3A = tpu.sem_alloc : memref<!tpu.dma_semaphore, #tpu.memory_space<semaphore_mem>>
      %dma_start3A = arith.constant 0 : i32
      %dma_start3A_357 = tpu.memref_slice %arg6[%add3A_142, %dma_start3A] : memref<20480x128xf32, #tpu.memory_space<hbm>> -> memref<32x128xf32, #tpu.memory_space<hbm>>
      %dma_start3A_358 = arith.constant 0 : i32
      %dma_start3A_359 = tpu.memref_slice %arg6[%add3A_142, %dma_start3A_358] : memref<20480x128xf32, #tpu.memory_space<hbm>> -> memref<32x128xf32, #tpu.memory_space<hbm>>
      tpu.enqueue_dma source(%arg13 : memref<32x128xf32, #tpu.memory_space<vmem>>) target(%dma_start3A_359 : memref<32x128xf32, #tpu.memory_space<hbm>>) target_semaphore(%run_scoped3A : memref<!tpu.dma_semaphore, #tpu.memory_space<semaphore_mem>>)
      %dma_wait3A = arith.constant 0 : i32
      %dma_wait3A_360 = tpu.memref_slice %arg6[%add3A_142, %dma_wait3A] : memref<20480x128xf32, #tpu.memory_space<hbm>> -> memref<32x128xf32, #tpu.memory_space<hbm>>
      %dma_wait3A_361 = arith.constant 0 : i32
      %dma_wait3A_362 = tpu.memref_slice %arg6[%add3A_142, %dma_wait3A_361] : memref<20480x128xf32, #tpu.memory_space<hbm>> -> memref<32x128xf32, #tpu.memory_space<hbm>>
      tpu.wait_dma2 semaphore(%run_scoped3A : memref<!tpu.dma_semaphore, #tpu.memory_space<semaphore_mem>>) src(%arg13 : memref<32x128xf32, #tpu.memory_space<vmem>>) dst(%dma_wait3A_362 : memref<32x128xf32, #tpu.memory_space<hbm>>)
      tpu.yield
    }) : () -> ()
    %mul3A_143 = arith.constant 640 : i32
    %mul3A_144 = arith.muli %arg1, %mul3A_143 : i32
    %add3A_145 = arith.constant 32 : i32
    %add3A_146 = arith.addi %mul3A_144, %add3A_145 : i32
    "tpu.region"() ({
      %run_scoped3A = tpu.sem_alloc : memref<!tpu.dma_semaphore, #tpu.memory_space<semaphore_mem>>
      %dma_start3A = arith.constant 0 : i32
      %dma_start3A_357 = tpu.memref_slice %arg19[%add3A_146, %dma_start3A] : memref<10240x128xf32, #tpu.memory_space<vmem_shared>> -> memref<32x128xf32, #tpu.memory_space<vmem_shared>>
      %dma_start3A_358 = arith.constant 0 : i32
      %dma_start3A_359 = tpu.memref_slice %arg19[%add3A_146, %dma_start3A_358] : memref<10240x128xf32, #tpu.memory_space<vmem_shared>> -> memref<32x128xf32, #tpu.memory_space<vmem_shared>>
      tpu.enqueue_dma source(%dma_start3A_359 : memref<32x128xf32, #tpu.memory_space<vmem_shared>>) target(%arg13 : memref<32x128xf32, #tpu.memory_space<vmem>>) target_semaphore(%run_scoped3A : memref<!tpu.dma_semaphore, #tpu.memory_space<semaphore_mem>>)
      %dma_wait3A = arith.constant 0 : i32
      %dma_wait3A_360 = tpu.memref_slice %arg19[%add3A_146, %dma_wait3A] : memref<10240x128xf32, #tpu.memory_space<vmem_shared>> -> memref<32x128xf32, #tpu.memory_space<vmem_shared>>
      %dma_wait3A_361 = arith.constant 0 : i32
      %dma_wait3A_362 = tpu.memref_slice %arg19[%add3A_146, %dma_wait3A_361] : memref<10240x128xf32, #tpu.memory_space<vmem_shared>> -> memref<32x128xf32, #tpu.memory_space<vmem_shared>>
      tpu.wait_dma2 semaphore(%run_scoped3A : memref<!tpu.dma_semaphore, #tpu.memory_space<semaphore_mem>>) src(%dma_wait3A_362 : memref<32x128xf32, #tpu.memory_space<vmem_shared>>) dst(%arg13 : memref<32x128xf32, #tpu.memory_space<vmem>>)
      tpu.yield
    }) : () -> ()
    %mul3A_147 = arith.constant 10240 : i32
    %mul3A_148 = arith.muli %arg0, %mul3A_147 : i32
    %mul3A_149 = arith.constant 640 : i32
    %mul3A_150 = arith.muli %arg1, %mul3A_149 : i32
    %add3A_151 = arith.addi %mul3A_148, %mul3A_150 : i32
    %add3A_152 = arith.constant 32 : i32
    %add3A_153 = arith.addi %add3A_151, %add3A_152 : i32
    "tpu.region"() ({
      %run_scoped3A = tpu.sem_alloc : memref<!tpu.dma_semaphore, #tpu.memory_space<semaphore_mem>>
      %dma_start3A = arith.constant 0 : i32
      %dma_start3A_357 = tpu.memref_slice %arg6[%add3A_153, %dma_start3A] : memref<20480x128xf32, #tpu.memory_space<hbm>> -> memref<32x128xf32, #tpu.memory_space<hbm>>
      %dma_start3A_358 = arith.constant 0 : i32
      %dma_start3A_359 = tpu.memref_slice %arg6[%add3A_153, %dma_start3A_358] : memref<20480x128xf32, #tpu.memory_space<hbm>> -> memref<32x128xf32, #tpu.memory_space<hbm>>
      tpu.enqueue_dma source(%arg13 : memref<32x128xf32, #tpu.memory_space<vmem>>) target(%dma_start3A_359 : memref<32x128xf32, #tpu.memory_space<hbm>>) target_semaphore(%run_scoped3A : memref<!tpu.dma_semaphore, #tpu.memory_space<semaphore_mem>>)
      %dma_wait3A = arith.constant 0 : i32
      %dma_wait3A_360 = tpu.memref_slice %arg6[%add3A_153, %dma_wait3A] : memref<20480x128xf32, #tpu.memory_space<hbm>> -> memref<32x128xf32, #tpu.memory_space<hbm>>
      %dma_wait3A_361 = arith.constant 0 : i32
      %dma_wait3A_362 = tpu.memref_slice %arg6[%add3A_153, %dma_wait3A_361] : memref<20480x128xf32, #tpu.memory_space<hbm>> -> memref<32x128xf32, #tpu.memory_space<hbm>>
      tpu.wait_dma2 semaphore(%run_scoped3A : memref<!tpu.dma_semaphore, #tpu.memory_space<semaphore_mem>>) src(%arg13 : memref<32x128xf32, #tpu.memory_space<vmem>>) dst(%dma_wait3A_362 : memref<32x128xf32, #tpu.memory_space<hbm>>)
      tpu.yield
    }) : () -> ()
    %mul3A_154 = arith.constant 640 : i32
    %mul3A_155 = arith.muli %arg1, %mul3A_154 : i32
    %add3A_156 = arith.constant 64 : i32
    %add3A_157 = arith.addi %mul3A_155, %add3A_156 : i32
    "tpu.region"() ({
      %run_scoped3A = tpu.sem_alloc : memref<!tpu.dma_semaphore, #tpu.memory_space<semaphore_mem>>
      %dma_start3A = arith.constant 0 : i32
      %dma_start3A_357 = tpu.memref_slice %arg19[%add3A_157, %dma_start3A] : memref<10240x128xf32, #tpu.memory_space<vmem_shared>> -> memref<32x128xf32, #tpu.memory_space<vmem_shared>>
      %dma_start3A_358 = arith.constant 0 : i32
      %dma_start3A_359 = tpu.memref_slice %arg19[%add3A_157, %dma_start3A_358] : memref<10240x128xf32, #tpu.memory_space<vmem_shared>> -> memref<32x128xf32, #tpu.memory_space<vmem_shared>>
      tpu.enqueue_dma source(%dma_start3A_359 : memref<32x128xf32, #tpu.memory_space<vmem_shared>>) target(%arg13 : memref<32x128xf32, #tpu.memory_space<vmem>>) target_semaphore(%run_scoped3A : memref<!tpu.dma_semaphore, #tpu.memory_space<semaphore_mem>>)
      %dma_wait3A = arith.constant 0 : i32
      %dma_wait3A_360 = tpu.memref_slice %arg19[%add3A_157, %dma_wait3A] : memref<10240x128xf32, #tpu.memory_space<vmem_shared>> -> memref<32x128xf32, #tpu.memory_space<vmem_shared>>
      %dma_wait3A_361 = arith.constant 0 : i32
      %dma_wait3A_362 = tpu.memref_slice %arg19[%add3A_157, %dma_wait3A_361] : memref<10240x128xf32, #tpu.memory_space<vmem_shared>> -> memref<32x128xf32, #tpu.memory_space<vmem_shared>>
      tpu.wait_dma2 semaphore(%run_scoped3A : memref<!tpu.dma_semaphore, #tpu.memory_space<semaphore_mem>>) src(%dma_wait3A_362 : memref<32x128xf32, #tpu.memory_space<vmem_shared>>) dst(%arg13 : memref<32x128xf32, #tpu.memory_space<vmem>>)
      tpu.yield
    }) : () -> ()
    %mul3A_158 = arith.constant 10240 : i32
    %mul3A_159 = arith.muli %arg0, %mul3A_158 : i32
    %mul3A_160 = arith.constant 640 : i32
    %mul3A_161 = arith.muli %arg1, %mul3A_160 : i32
    %add3A_162 = arith.addi %mul3A_159, %mul3A_161 : i32
    %add3A_163 = arith.constant 64 : i32
    %add3A_164 = arith.addi %add3A_162, %add3A_163 : i32
    "tpu.region"() ({
      %run_scoped3A = tpu.sem_alloc : memref<!tpu.dma_semaphore, #tpu.memory_space<semaphore_mem>>
      %dma_start3A = arith.constant 0 : i32
      %dma_start3A_357 = tpu.memref_slice %arg6[%add3A_164, %dma_start3A] : memref<20480x128xf32, #tpu.memory_space<hbm>> -> memref<32x128xf32, #tpu.memory_space<hbm>>
      %dma_start3A_358 = arith.constant 0 : i32
      %dma_start3A_359 = tpu.memref_slice %arg6[%add3A_164, %dma_start3A_358] : memref<20480x128xf32, #tpu.memory_space<hbm>> -> memref<32x128xf32, #tpu.memory_space<hbm>>
      tpu.enqueue_dma source(%arg13 : memref<32x128xf32, #tpu.memory_space<vmem>>) target(%dma_start3A_359 : memref<32x128xf32, #tpu.memory_space<hbm>>) target_semaphore(%run_scoped3A : memref<!tpu.dma_semaphore, #tpu.memory_space<semaphore_mem>>)
      %dma_wait3A = arith.constant 0 : i32
      %dma_wait3A_360 = tpu.memref_slice %arg6[%add3A_164, %dma_wait3A] : memref<20480x128xf32, #tpu.memory_space<hbm>> -> memref<32x128xf32, #tpu.memory_space<hbm>>
      %dma_wait3A_361 = arith.constant 0 : i32
      %dma_wait3A_362 = tpu.memref_slice %arg6[%add3A_164, %dma_wait3A_361] : memref<20480x128xf32, #tpu.memory_space<hbm>> -> memref<32x128xf32, #tpu.memory_space<hbm>>
      tpu.wait_dma2 semaphore(%run_scoped3A : memref<!tpu.dma_semaphore, #tpu.memory_space<semaphore_mem>>) src(%arg13 : memref<32x128xf32, #tpu.memory_space<vmem>>) dst(%dma_wait3A_362 : memref<32x128xf32, #tpu.memory_space<hbm>>)
      tpu.yield
    }) : () -> ()
    %mul3A_165 = arith.constant 640 : i32
    %mul3A_166 = arith.muli %arg1, %mul3A_165 : i32
    %add3A_167 = arith.constant 96 : i32
    %add3A_168 = arith.addi %mul3A_166, %add3A_167 : i32
    "tpu.region"() ({
      %run_scoped3A = tpu.sem_alloc : memref<!tpu.dma_semaphore, #tpu.memory_space<semaphore_mem>>
      %dma_start3A = arith.constant 0 : i32
      %dma_start3A_357 = tpu.memref_slice %arg19[%add3A_168, %dma_start3A] : memref<10240x128xf32, #tpu.memory_space<vmem_shared>> -> memref<32x128xf32, #tpu.memory_space<vmem_shared>>
      %dma_start3A_358 = arith.constant 0 : i32
      %dma_start3A_359 = tpu.memref_slice %arg19[%add3A_168, %dma_start3A_358] : memref<10240x128xf32, #tpu.memory_space<vmem_shared>> -> memref<32x128xf32, #tpu.memory_space<vmem_shared>>
      tpu.enqueue_dma source(%dma_start3A_359 : memref<32x128xf32, #tpu.memory_space<vmem_shared>>) target(%arg13 : memref<32x128xf32, #tpu.memory_space<vmem>>) target_semaphore(%run_scoped3A : memref<!tpu.dma_semaphore, #tpu.memory_space<semaphore_mem>>)
      %dma_wait3A = arith.constant 0 : i32
      %dma_wait3A_360 = tpu.memref_slice %arg19[%add3A_168, %dma_wait3A] : memref<10240x128xf32, #tpu.memory_space<vmem_shared>> -> memref<32x128xf32, #tpu.memory_space<vmem_shared>>
      %dma_wait3A_361 = arith.constant 0 : i32
      %dma_wait3A_362 = tpu.memref_slice %arg19[%add3A_168, %dma_wait3A_361] : memref<10240x128xf32, #tpu.memory_space<vmem_shared>> -> memref<32x128xf32, #tpu.memory_space<vmem_shared>>
      tpu.wait_dma2 semaphore(%run_scoped3A : memref<!tpu.dma_semaphore, #tpu.memory_space<semaphore_mem>>) src(%dma_wait3A_362 : memref<32x128xf32, #tpu.memory_space<vmem_shared>>) dst(%arg13 : memref<32x128xf32, #tpu.memory_space<vmem>>)
      tpu.yield
    }) : () -> ()
    %mul3A_169 = arith.constant 10240 : i32
    %mul3A_170 = arith.muli %arg0, %mul3A_169 : i32
    %mul3A_171 = arith.constant 640 : i32
    %mul3A_172 = arith.muli %arg1, %mul3A_171 : i32
    %add3A_173 = arith.addi %mul3A_170, %mul3A_172 : i32
    %add3A_174 = arith.constant 96 : i32
    %add3A_175 = arith.addi %add3A_173, %add3A_174 : i32
    "tpu.region"() ({
      %run_scoped3A = tpu.sem_alloc : memref<!tpu.dma_semaphore, #tpu.memory_space<semaphore_mem>>
      %dma_start3A = arith.constant 0 : i32
      %dma_start3A_357 = tpu.memref_slice %arg6[%add3A_175, %dma_start3A] : memref<20480x128xf32, #tpu.memory_space<hbm>> -> memref<32x128xf32, #tpu.memory_space<hbm>>
      %dma_start3A_358 = arith.constant 0 : i32
      %dma_start3A_359 = tpu.memref_slice %arg6[%add3A_175, %dma_start3A_358] : memref<20480x128xf32, #tpu.memory_space<hbm>> -> memref<32x128xf32, #tpu.memory_space<hbm>>
      tpu.enqueue_dma source(%arg13 : memref<32x128xf32, #tpu.memory_space<vmem>>) target(%dma_start3A_359 : memref<32x128xf32, #tpu.memory_space<hbm>>) target_semaphore(%run_scoped3A : memref<!tpu.dma_semaphore, #tpu.memory_space<semaphore_mem>>)
      %dma_wait3A = arith.constant 0 : i32
      %dma_wait3A_360 = tpu.memref_slice %arg6[%add3A_175, %dma_wait3A] : memref<20480x128xf32, #tpu.memory_space<hbm>> -> memref<32x128xf32, #tpu.memory_space<hbm>>
      %dma_wait3A_361 = arith.constant 0 : i32
      %dma_wait3A_362 = tpu.memref_slice %arg6[%add3A_175, %dma_wait3A_361] : memref<20480x128xf32, #tpu.memory_space<hbm>> -> memref<32x128xf32, #tpu.memory_space<hbm>>
      tpu.wait_dma2 semaphore(%run_scoped3A : memref<!tpu.dma_semaphore, #tpu.memory_space<semaphore_mem>>) src(%arg13 : memref<32x128xf32, #tpu.memory_space<vmem>>) dst(%dma_wait3A_362 : memref<32x128xf32, #tpu.memory_space<hbm>>)
      tpu.yield
    }) : () -> ()
    %mul3A_176 = arith.constant 640 : i32
    %mul3A_177 = arith.muli %arg1, %mul3A_176 : i32
    %add3A_178 = arith.constant 128 : i32
    %add3A_179 = arith.addi %mul3A_177, %add3A_178 : i32
    "tpu.region"() ({
      %run_scoped3A = tpu.sem_alloc : memref<!tpu.dma_semaphore, #tpu.memory_space<semaphore_mem>>
      %dma_start3A = arith.constant 0 : i32
      %dma_start3A_357 = tpu.memref_slice %arg19[%add3A_179, %dma_start3A] : memref<10240x128xf32, #tpu.memory_space<vmem_shared>> -> memref<32x128xf32, #tpu.memory_space<vmem_shared>>
      %dma_start3A_358 = arith.constant 0 : i32
      %dma_start3A_359 = tpu.memref_slice %arg19[%add3A_179, %dma_start3A_358] : memref<10240x128xf32, #tpu.memory_space<vmem_shared>> -> memref<32x128xf32, #tpu.memory_space<vmem_shared>>
      tpu.enqueue_dma source(%dma_start3A_359 : memref<32x128xf32, #tpu.memory_space<vmem_shared>>) target(%arg13 : memref<32x128xf32, #tpu.memory_space<vmem>>) target_semaphore(%run_scoped3A : memref<!tpu.dma_semaphore, #tpu.memory_space<semaphore_mem>>)
      %dma_wait3A = arith.constant 0 : i32
      %dma_wait3A_360 = tpu.memref_slice %arg19[%add3A_179, %dma_wait3A] : memref<10240x128xf32, #tpu.memory_space<vmem_shared>> -> memref<32x128xf32, #tpu.memory_space<vmem_shared>>
      %dma_wait3A_361 = arith.constant 0 : i32
      %dma_wait3A_362 = tpu.memref_slice %arg19[%add3A_179, %dma_wait3A_361] : memref<10240x128xf32, #tpu.memory_space<vmem_shared>> -> memref<32x128xf32, #tpu.memory_space<vmem_shared>>
      tpu.wait_dma2 semaphore(%run_scoped3A : memref<!tpu.dma_semaphore, #tpu.memory_space<semaphore_mem>>) src(%dma_wait3A_362 : memref<32x128xf32, #tpu.memory_space<vmem_shared>>) dst(%arg13 : memref<32x128xf32, #tpu.memory_space<vmem>>)
      tpu.yield
    }) : () -> ()
    %mul3A_180 = arith.constant 10240 : i32
    %mul3A_181 = arith.muli %arg0, %mul3A_180 : i32
    %mul3A_182 = arith.constant 640 : i32
    %mul3A_183 = arith.muli %arg1, %mul3A_182 : i32
    %add3A_184 = arith.addi %mul3A_181, %mul3A_183 : i32
    %add3A_185 = arith.constant 128 : i32
    %add3A_186 = arith.addi %add3A_184, %add3A_185 : i32
    "tpu.region"() ({
      %run_scoped3A = tpu.sem_alloc : memref<!tpu.dma_semaphore, #tpu.memory_space<semaphore_mem>>
      %dma_start3A = arith.constant 0 : i32
      %dma_start3A_357 = tpu.memref_slice %arg6[%add3A_186, %dma_start3A] : memref<20480x128xf32, #tpu.memory_space<hbm>> -> memref<32x128xf32, #tpu.memory_space<hbm>>
      %dma_start3A_358 = arith.constant 0 : i32
      %dma_start3A_359 = tpu.memref_slice %arg6[%add3A_186, %dma_start3A_358] : memref<20480x128xf32, #tpu.memory_space<hbm>> -> memref<32x128xf32, #tpu.memory_space<hbm>>
      tpu.enqueue_dma source(%arg13 : memref<32x128xf32, #tpu.memory_space<vmem>>) target(%dma_start3A_359 : memref<32x128xf32, #tpu.memory_space<hbm>>) target_semaphore(%run_scoped3A : memref<!tpu.dma_semaphore, #tpu.memory_space<semaphore_mem>>)
      %dma_wait3A = arith.constant 0 : i32
      %dma_wait3A_360 = tpu.memref_slice %arg6[%add3A_186, %dma_wait3A] : memref<20480x128xf32, #tpu.memory_space<hbm>> -> memref<32x128xf32, #tpu.memory_space<hbm>>
      %dma_wait3A_361 = arith.constant 0 : i32
      %dma_wait3A_362 = tpu.memref_slice %arg6[%add3A_186, %dma_wait3A_361] : memref<20480x128xf32, #tpu.memory_space<hbm>> -> memref<32x128xf32, #tpu.memory_space<hbm>>
      tpu.wait_dma2 semaphore(%run_scoped3A : memref<!tpu.dma_semaphore, #tpu.memory_space<semaphore_mem>>) src(%arg13 : memref<32x128xf32, #tpu.memory_space<vmem>>) dst(%dma_wait3A_362 : memref<32x128xf32, #tpu.memory_space<hbm>>)
      tpu.yield
    }) : () -> ()
    %mul3A_187 = arith.constant 640 : i32
    %mul3A_188 = arith.muli %arg1, %mul3A_187 : i32
    %add3A_189 = arith.constant 160 : i32
    %add3A_190 = arith.addi %mul3A_188, %add3A_189 : i32
    "tpu.region"() ({
      %run_scoped3A = tpu.sem_alloc : memref<!tpu.dma_semaphore, #tpu.memory_space<semaphore_mem>>
      %dma_start3A = arith.constant 0 : i32
      %dma_start3A_357 = tpu.memref_slice %arg19[%add3A_190, %dma_start3A] : memref<10240x128xf32, #tpu.memory_space<vmem_shared>> -> memref<32x128xf32, #tpu.memory_space<vmem_shared>>
      %dma_start3A_358 = arith.constant 0 : i32
      %dma_start3A_359 = tpu.memref_slice %arg19[%add3A_190, %dma_start3A_358] : memref<10240x128xf32, #tpu.memory_space<vmem_shared>> -> memref<32x128xf32, #tpu.memory_space<vmem_shared>>
      tpu.enqueue_dma source(%dma_start3A_359 : memref<32x128xf32, #tpu.memory_space<vmem_shared>>) target(%arg13 : memref<32x128xf32, #tpu.memory_space<vmem>>) target_semaphore(%run_scoped3A : memref<!tpu.dma_semaphore, #tpu.memory_space<semaphore_mem>>)
      %dma_wait3A = arith.constant 0 : i32
      %dma_wait3A_360 = tpu.memref_slice %arg19[%add3A_190, %dma_wait3A] : memref<10240x128xf32, #tpu.memory_space<vmem_shared>> -> memref<32x128xf32, #tpu.memory_space<vmem_shared>>
      %dma_wait3A_361 = arith.constant 0 : i32
      %dma_wait3A_362 = tpu.memref_slice %arg19[%add3A_190, %dma_wait3A_361] : memref<10240x128xf32, #tpu.memory_space<vmem_shared>> -> memref<32x128xf32, #tpu.memory_space<vmem_shared>>
      tpu.wait_dma2 semaphore(%run_scoped3A : memref<!tpu.dma_semaphore, #tpu.memory_space<semaphore_mem>>) src(%dma_wait3A_362 : memref<32x128xf32, #tpu.memory_space<vmem_shared>>) dst(%arg13 : memref<32x128xf32, #tpu.memory_space<vmem>>)
      tpu.yield
    }) : () -> ()
    %mul3A_191 = arith.constant 10240 : i32
    %mul3A_192 = arith.muli %arg0, %mul3A_191 : i32
    %mul3A_193 = arith.constant 640 : i32
    %mul3A_194 = arith.muli %arg1, %mul3A_193 : i32
    %add3A_195 = arith.addi %mul3A_192, %mul3A_194 : i32
    %add3A_196 = arith.constant 160 : i32
    %add3A_197 = arith.addi %add3A_195, %add3A_196 : i32
    "tpu.region"() ({
      %run_scoped3A = tpu.sem_alloc : memref<!tpu.dma_semaphore, #tpu.memory_space<semaphore_mem>>
      %dma_start3A = arith.constant 0 : i32
      %dma_start3A_357 = tpu.memref_slice %arg6[%add3A_197, %dma_start3A] : memref<20480x128xf32, #tpu.memory_space<hbm>> -> memref<32x128xf32, #tpu.memory_space<hbm>>
      %dma_start3A_358 = arith.constant 0 : i32
      %dma_start3A_359 = tpu.memref_slice %arg6[%add3A_197, %dma_start3A_358] : memref<20480x128xf32, #tpu.memory_space<hbm>> -> memref<32x128xf32, #tpu.memory_space<hbm>>
      tpu.enqueue_dma source(%arg13 : memref<32x128xf32, #tpu.memory_space<vmem>>) target(%dma_start3A_359 : memref<32x128xf32, #tpu.memory_space<hbm>>) target_semaphore(%run_scoped3A : memref<!tpu.dma_semaphore, #tpu.memory_space<semaphore_mem>>)
      %dma_wait3A = arith.constant 0 : i32
      %dma_wait3A_360 = tpu.memref_slice %arg6[%add3A_197, %dma_wait3A] : memref<20480x128xf32, #tpu.memory_space<hbm>> -> memref<32x128xf32, #tpu.memory_space<hbm>>
      %dma_wait3A_361 = arith.constant 0 : i32
      %dma_wait3A_362 = tpu.memref_slice %arg6[%add3A_197, %dma_wait3A_361] : memref<20480x128xf32, #tpu.memory_space<hbm>> -> memref<32x128xf32, #tpu.memory_space<hbm>>
      tpu.wait_dma2 semaphore(%run_scoped3A : memref<!tpu.dma_semaphore, #tpu.memory_space<semaphore_mem>>) src(%arg13 : memref<32x128xf32, #tpu.memory_space<vmem>>) dst(%dma_wait3A_362 : memref<32x128xf32, #tpu.memory_space<hbm>>)
      tpu.yield
    }) : () -> ()
    %mul3A_198 = arith.constant 640 : i32
    %mul3A_199 = arith.muli %arg1, %mul3A_198 : i32
    %add3A_200 = arith.constant 192 : i32
    %add3A_201 = arith.addi %mul3A_199, %add3A_200 : i32
    "tpu.region"() ({
      %run_scoped3A = tpu.sem_alloc : memref<!tpu.dma_semaphore, #tpu.memory_space<semaphore_mem>>
      %dma_start3A = arith.constant 0 : i32
      %dma_start3A_357 = tpu.memref_slice %arg19[%add3A_201, %dma_start3A] : memref<10240x128xf32, #tpu.memory_space<vmem_shared>> -> memref<32x128xf32, #tpu.memory_space<vmem_shared>>
      %dma_start3A_358 = arith.constant 0 : i32
      %dma_start3A_359 = tpu.memref_slice %arg19[%add3A_201, %dma_start3A_358] : memref<10240x128xf32, #tpu.memory_space<vmem_shared>> -> memref<32x128xf32, #tpu.memory_space<vmem_shared>>
      tpu.enqueue_dma source(%dma_start3A_359 : memref<32x128xf32, #tpu.memory_space<vmem_shared>>) target(%arg13 : memref<32x128xf32, #tpu.memory_space<vmem>>) target_semaphore(%run_scoped3A : memref<!tpu.dma_semaphore, #tpu.memory_space<semaphore_mem>>)
      %dma_wait3A = arith.constant 0 : i32
      %dma_wait3A_360 = tpu.memref_slice %arg19[%add3A_201, %dma_wait3A] : memref<10240x128xf32, #tpu.memory_space<vmem_shared>> -> memref<32x128xf32, #tpu.memory_space<vmem_shared>>
      %dma_wait3A_361 = arith.constant 0 : i32
      %dma_wait3A_362 = tpu.memref_slice %arg19[%add3A_201, %dma_wait3A_361] : memref<10240x128xf32, #tpu.memory_space<vmem_shared>> -> memref<32x128xf32, #tpu.memory_space<vmem_shared>>
      tpu.wait_dma2 semaphore(%run_scoped3A : memref<!tpu.dma_semaphore, #tpu.memory_space<semaphore_mem>>) src(%dma_wait3A_362 : memref<32x128xf32, #tpu.memory_space<vmem_shared>>) dst(%arg13 : memref<32x128xf32, #tpu.memory_space<vmem>>)
      tpu.yield
    }) : () -> ()
    %mul3A_202 = arith.constant 10240 : i32
    %mul3A_203 = arith.muli %arg0, %mul3A_202 : i32
    %mul3A_204 = arith.constant 640 : i32
    %mul3A_205 = arith.muli %arg1, %mul3A_204 : i32
    %add3A_206 = arith.addi %mul3A_203, %mul3A_205 : i32
    %add3A_207 = arith.constant 192 : i32
    %add3A_208 = arith.addi %add3A_206, %add3A_207 : i32
    "tpu.region"() ({
      %run_scoped3A = tpu.sem_alloc : memref<!tpu.dma_semaphore, #tpu.memory_space<semaphore_mem>>
      %dma_start3A = arith.constant 0 : i32
      %dma_start3A_357 = tpu.memref_slice %arg6[%add3A_208, %dma_start3A] : memref<20480x128xf32, #tpu.memory_space<hbm>> -> memref<32x128xf32, #tpu.memory_space<hbm>>
      %dma_start3A_358 = arith.constant 0 : i32
      %dma_start3A_359 = tpu.memref_slice %arg6[%add3A_208, %dma_start3A_358] : memref<20480x128xf32, #tpu.memory_space<hbm>> -> memref<32x128xf32, #tpu.memory_space<hbm>>
      tpu.enqueue_dma source(%arg13 : memref<32x128xf32, #tpu.memory_space<vmem>>) target(%dma_start3A_359 : memref<32x128xf32, #tpu.memory_space<hbm>>) target_semaphore(%run_scoped3A : memref<!tpu.dma_semaphore, #tpu.memory_space<semaphore_mem>>)
      %dma_wait3A = arith.constant 0 : i32
      %dma_wait3A_360 = tpu.memref_slice %arg6[%add3A_208, %dma_wait3A] : memref<20480x128xf32, #tpu.memory_space<hbm>> -> memref<32x128xf32, #tpu.memory_space<hbm>>
      %dma_wait3A_361 = arith.constant 0 : i32
      %dma_wait3A_362 = tpu.memref_slice %arg6[%add3A_208, %dma_wait3A_361] : memref<20480x128xf32, #tpu.memory_space<hbm>> -> memref<32x128xf32, #tpu.memory_space<hbm>>
      tpu.wait_dma2 semaphore(%run_scoped3A : memref<!tpu.dma_semaphore, #tpu.memory_space<semaphore_mem>>) src(%arg13 : memref<32x128xf32, #tpu.memory_space<vmem>>) dst(%dma_wait3A_362 : memref<32x128xf32, #tpu.memory_space<hbm>>)
      tpu.yield
    }) : () -> ()
    %mul3A_209 = arith.constant 640 : i32
    %mul3A_210 = arith.muli %arg1, %mul3A_209 : i32
    %add3A_211 = arith.constant 224 : i32
    %add3A_212 = arith.addi %mul3A_210, %add3A_211 : i32
    "tpu.region"() ({
      %run_scoped3A = tpu.sem_alloc : memref<!tpu.dma_semaphore, #tpu.memory_space<semaphore_mem>>
      %dma_start3A = arith.constant 0 : i32
      %dma_start3A_357 = tpu.memref_slice %arg19[%add3A_212, %dma_start3A] : memref<10240x128xf32, #tpu.memory_space<vmem_shared>> -> memref<32x128xf32, #tpu.memory_space<vmem_shared>>
      %dma_start3A_358 = arith.constant 0 : i32
      %dma_start3A_359 = tpu.memref_slice %arg19[%add3A_212, %dma_start3A_358] : memref<10240x128xf32, #tpu.memory_space<vmem_shared>> -> memref<32x128xf32, #tpu.memory_space<vmem_shared>>
      tpu.enqueue_dma source(%dma_start3A_359 : memref<32x128xf32, #tpu.memory_space<vmem_shared>>) target(%arg13 : memref<32x128xf32, #tpu.memory_space<vmem>>) target_semaphore(%run_scoped3A : memref<!tpu.dma_semaphore, #tpu.memory_space<semaphore_mem>>)
      %dma_wait3A = arith.constant 0 : i32
      %dma_wait3A_360 = tpu.memref_slice %arg19[%add3A_212, %dma_wait3A] : memref<10240x128xf32, #tpu.memory_space<vmem_shared>> -> memref<32x128xf32, #tpu.memory_space<vmem_shared>>
      %dma_wait3A_361 = arith.constant 0 : i32
      %dma_wait3A_362 = tpu.memref_slice %arg19[%add3A_212, %dma_wait3A_361] : memref<10240x128xf32, #tpu.memory_space<vmem_shared>> -> memref<32x128xf32, #tpu.memory_space<vmem_shared>>
      tpu.wait_dma2 semaphore(%run_scoped3A : memref<!tpu.dma_semaphore, #tpu.memory_space<semaphore_mem>>) src(%dma_wait3A_362 : memref<32x128xf32, #tpu.memory_space<vmem_shared>>) dst(%arg13 : memref<32x128xf32, #tpu.memory_space<vmem>>)
      tpu.yield
    }) : () -> ()
    %mul3A_213 = arith.constant 10240 : i32
    %mul3A_214 = arith.muli %arg0, %mul3A_213 : i32
    %mul3A_215 = arith.constant 640 : i32
    %mul3A_216 = arith.muli %arg1, %mul3A_215 : i32
    %add3A_217 = arith.addi %mul3A_214, %mul3A_216 : i32
    %add3A_218 = arith.constant 224 : i32
    %add3A_219 = arith.addi %add3A_217, %add3A_218 : i32
    "tpu.region"() ({
      %run_scoped3A = tpu.sem_alloc : memref<!tpu.dma_semaphore, #tpu.memory_space<semaphore_mem>>
      %dma_start3A = arith.constant 0 : i32
      %dma_start3A_357 = tpu.memref_slice %arg6[%add3A_219, %dma_start3A] : memref<20480x128xf32, #tpu.memory_space<hbm>> -> memref<32x128xf32, #tpu.memory_space<hbm>>
      %dma_start3A_358 = arith.constant 0 : i32
      %dma_start3A_359 = tpu.memref_slice %arg6[%add3A_219, %dma_start3A_358] : memref<20480x128xf32, #tpu.memory_space<hbm>> -> memref<32x128xf32, #tpu.memory_space<hbm>>
      tpu.enqueue_dma source(%arg13 : memref<32x128xf32, #tpu.memory_space<vmem>>) target(%dma_start3A_359 : memref<32x128xf32, #tpu.memory_space<hbm>>) target_semaphore(%run_scoped3A : memref<!tpu.dma_semaphore, #tpu.memory_space<semaphore_mem>>)
      %dma_wait3A = arith.constant 0 : i32
      %dma_wait3A_360 = tpu.memref_slice %arg6[%add3A_219, %dma_wait3A] : memref<20480x128xf32, #tpu.memory_space<hbm>> -> memref<32x128xf32, #tpu.memory_space<hbm>>
      %dma_wait3A_361 = arith.constant 0 : i32
      %dma_wait3A_362 = tpu.memref_slice %arg6[%add3A_219, %dma_wait3A_361] : memref<20480x128xf32, #tpu.memory_space<hbm>> -> memref<32x128xf32, #tpu.memory_space<hbm>>
      tpu.wait_dma2 semaphore(%run_scoped3A : memref<!tpu.dma_semaphore, #tpu.memory_space<semaphore_mem>>) src(%arg13 : memref<32x128xf32, #tpu.memory_space<vmem>>) dst(%dma_wait3A_362 : memref<32x128xf32, #tpu.memory_space<hbm>>)
      tpu.yield
    }) : () -> ()
    %mul3A_220 = arith.constant 640 : i32
    %mul3A_221 = arith.muli %arg1, %mul3A_220 : i32
    %add3A_222 = arith.constant 256 : i32
    %add3A_223 = arith.addi %mul3A_221, %add3A_222 : i32
    "tpu.region"() ({
      %run_scoped3A = tpu.sem_alloc : memref<!tpu.dma_semaphore, #tpu.memory_space<semaphore_mem>>
      %dma_start3A = arith.constant 0 : i32
      %dma_start3A_357 = tpu.memref_slice %arg19[%add3A_223, %dma_start3A] : memref<10240x128xf32, #tpu.memory_space<vmem_shared>> -> memref<32x128xf32, #tpu.memory_space<vmem_shared>>
      %dma_start3A_358 = arith.constant 0 : i32
      %dma_start3A_359 = tpu.memref_slice %arg19[%add3A_223, %dma_start3A_358] : memref<10240x128xf32, #tpu.memory_space<vmem_shared>> -> memref<32x128xf32, #tpu.memory_space<vmem_shared>>
      tpu.enqueue_dma source(%dma_start3A_359 : memref<32x128xf32, #tpu.memory_space<vmem_shared>>) target(%arg13 : memref<32x128xf32, #tpu.memory_space<vmem>>) target_semaphore(%run_scoped3A : memref<!tpu.dma_semaphore, #tpu.memory_space<semaphore_mem>>)
      %dma_wait3A = arith.constant 0 : i32
      %dma_wait3A_360 = tpu.memref_slice %arg19[%add3A_223, %dma_wait3A] : memref<10240x128xf32, #tpu.memory_space<vmem_shared>> -> memref<32x128xf32, #tpu.memory_space<vmem_shared>>
      %dma_wait3A_361 = arith.constant 0 : i32
      %dma_wait3A_362 = tpu.memref_slice %arg19[%add3A_223, %dma_wait3A_361] : memref<10240x128xf32, #tpu.memory_space<vmem_shared>> -> memref<32x128xf32, #tpu.memory_space<vmem_shared>>
      tpu.wait_dma2 semaphore(%run_scoped3A : memref<!tpu.dma_semaphore, #tpu.memory_space<semaphore_mem>>) src(%dma_wait3A_362 : memref<32x128xf32, #tpu.memory_space<vmem_shared>>) dst(%arg13 : memref<32x128xf32, #tpu.memory_space<vmem>>)
      tpu.yield
    }) : () -> ()
    %mul3A_224 = arith.constant 10240 : i32
    %mul3A_225 = arith.muli %arg0, %mul3A_224 : i32
    %mul3A_226 = arith.constant 640 : i32
    %mul3A_227 = arith.muli %arg1, %mul3A_226 : i32
    %add3A_228 = arith.addi %mul3A_225, %mul3A_227 : i32
    %add3A_229 = arith.constant 256 : i32
    %add3A_230 = arith.addi %add3A_228, %add3A_229 : i32
    "tpu.region"() ({
      %run_scoped3A = tpu.sem_alloc : memref<!tpu.dma_semaphore, #tpu.memory_space<semaphore_mem>>
      %dma_start3A = arith.constant 0 : i32
      %dma_start3A_357 = tpu.memref_slice %arg6[%add3A_230, %dma_start3A] : memref<20480x128xf32, #tpu.memory_space<hbm>> -> memref<32x128xf32, #tpu.memory_space<hbm>>
      %dma_start3A_358 = arith.constant 0 : i32
      %dma_start3A_359 = tpu.memref_slice %arg6[%add3A_230, %dma_start3A_358] : memref<20480x128xf32, #tpu.memory_space<hbm>> -> memref<32x128xf32, #tpu.memory_space<hbm>>
      tpu.enqueue_dma source(%arg13 : memref<32x128xf32, #tpu.memory_space<vmem>>) target(%dma_start3A_359 : memref<32x128xf32, #tpu.memory_space<hbm>>) target_semaphore(%run_scoped3A : memref<!tpu.dma_semaphore, #tpu.memory_space<semaphore_mem>>)
      %dma_wait3A = arith.constant 0 : i32
      %dma_wait3A_360 = tpu.memref_slice %arg6[%add3A_230, %dma_wait3A] : memref<20480x128xf32, #tpu.memory_space<hbm>> -> memref<32x128xf32, #tpu.memory_space<hbm>>
      %dma_wait3A_361 = arith.constant 0 : i32
      %dma_wait3A_362 = tpu.memref_slice %arg6[%add3A_230, %dma_wait3A_361] : memref<20480x128xf32, #tpu.memory_space<hbm>> -> memref<32x128xf32, #tpu.memory_space<hbm>>
      tpu.wait_dma2 semaphore(%run_scoped3A : memref<!tpu.dma_semaphore, #tpu.memory_space<semaphore_mem>>) src(%arg13 : memref<32x128xf32, #tpu.memory_space<vmem>>) dst(%dma_wait3A_362 : memref<32x128xf32, #tpu.memory_space<hbm>>)
      tpu.yield
    }) : () -> ()
    %mul3A_231 = arith.constant 640 : i32
    %mul3A_232 = arith.muli %arg1, %mul3A_231 : i32
    %add3A_233 = arith.constant 288 : i32
    %add3A_234 = arith.addi %mul3A_232, %add3A_233 : i32
    "tpu.region"() ({
      %run_scoped3A = tpu.sem_alloc : memref<!tpu.dma_semaphore, #tpu.memory_space<semaphore_mem>>
      %dma_start3A = arith.constant 0 : i32
      %dma_start3A_357 = tpu.memref_slice %arg19[%add3A_234, %dma_start3A] : memref<10240x128xf32, #tpu.memory_space<vmem_shared>> -> memref<32x128xf32, #tpu.memory_space<vmem_shared>>
      %dma_start3A_358 = arith.constant 0 : i32
      %dma_start3A_359 = tpu.memref_slice %arg19[%add3A_234, %dma_start3A_358] : memref<10240x128xf32, #tpu.memory_space<vmem_shared>> -> memref<32x128xf32, #tpu.memory_space<vmem_shared>>
      tpu.enqueue_dma source(%dma_start3A_359 : memref<32x128xf32, #tpu.memory_space<vmem_shared>>) target(%arg13 : memref<32x128xf32, #tpu.memory_space<vmem>>) target_semaphore(%run_scoped3A : memref<!tpu.dma_semaphore, #tpu.memory_space<semaphore_mem>>)
      %dma_wait3A = arith.constant 0 : i32
      %dma_wait3A_360 = tpu.memref_slice %arg19[%add3A_234, %dma_wait3A] : memref<10240x128xf32, #tpu.memory_space<vmem_shared>> -> memref<32x128xf32, #tpu.memory_space<vmem_shared>>
      %dma_wait3A_361 = arith.constant 0 : i32
      %dma_wait3A_362 = tpu.memref_slice %arg19[%add3A_234, %dma_wait3A_361] : memref<10240x128xf32, #tpu.memory_space<vmem_shared>> -> memref<32x128xf32, #tpu.memory_space<vmem_shared>>
      tpu.wait_dma2 semaphore(%run_scoped3A : memref<!tpu.dma_semaphore, #tpu.memory_space<semaphore_mem>>) src(%dma_wait3A_362 : memref<32x128xf32, #tpu.memory_space<vmem_shared>>) dst(%arg13 : memref<32x128xf32, #tpu.memory_space<vmem>>)
      tpu.yield
    }) : () -> ()
    %mul3A_235 = arith.constant 10240 : i32
    %mul3A_236 = arith.muli %arg0, %mul3A_235 : i32
    %mul3A_237 = arith.constant 640 : i32
    %mul3A_238 = arith.muli %arg1, %mul3A_237 : i32
    %add3A_239 = arith.addi %mul3A_236, %mul3A_238 : i32
    %add3A_240 = arith.constant 288 : i32
    %add3A_241 = arith.addi %add3A_239, %add3A_240 : i32
    "tpu.region"() ({
      %run_scoped3A = tpu.sem_alloc : memref<!tpu.dma_semaphore, #tpu.memory_space<semaphore_mem>>
      %dma_start3A = arith.constant 0 : i32
      %dma_start3A_357 = tpu.memref_slice %arg6[%add3A_241, %dma_start3A] : memref<20480x128xf32, #tpu.memory_space<hbm>> -> memref<32x128xf32, #tpu.memory_space<hbm>>
      %dma_start3A_358 = arith.constant 0 : i32
      %dma_start3A_359 = tpu.memref_slice %arg6[%add3A_241, %dma_start3A_358] : memref<20480x128xf32, #tpu.memory_space<hbm>> -> memref<32x128xf32, #tpu.memory_space<hbm>>
      tpu.enqueue_dma source(%arg13 : memref<32x128xf32, #tpu.memory_space<vmem>>) target(%dma_start3A_359 : memref<32x128xf32, #tpu.memory_space<hbm>>) target_semaphore(%run_scoped3A : memref<!tpu.dma_semaphore, #tpu.memory_space<semaphore_mem>>)
      %dma_wait3A = arith.constant 0 : i32
      %dma_wait3A_360 = tpu.memref_slice %arg6[%add3A_241, %dma_wait3A] : memref<20480x128xf32, #tpu.memory_space<hbm>> -> memref<32x128xf32, #tpu.memory_space<hbm>>
      %dma_wait3A_361 = arith.constant 0 : i32
      %dma_wait3A_362 = tpu.memref_slice %arg6[%add3A_241, %dma_wait3A_361] : memref<20480x128xf32, #tpu.memory_space<hbm>> -> memref<32x128xf32, #tpu.memory_space<hbm>>
      tpu.wait_dma2 semaphore(%run_scoped3A : memref<!tpu.dma_semaphore, #tpu.memory_space<semaphore_mem>>) src(%arg13 : memref<32x128xf32, #tpu.memory_space<vmem>>) dst(%dma_wait3A_362 : memref<32x128xf32, #tpu.memory_space<hbm>>)
      tpu.yield
    }) : () -> ()
    %mul3A_242 = arith.constant 640 : i32
    %mul3A_243 = arith.muli %arg1, %mul3A_242 : i32
    %add3A_244 = arith.constant 320 : i32
    %add3A_245 = arith.addi %mul3A_243, %add3A_244 : i32
    "tpu.region"() ({
      %run_scoped3A = tpu.sem_alloc : memref<!tpu.dma_semaphore, #tpu.memory_space<semaphore_mem>>
      %dma_start3A = arith.constant 0 : i32
      %dma_start3A_357 = tpu.memref_slice %arg19[%add3A_245, %dma_start3A] : memref<10240x128xf32, #tpu.memory_space<vmem_shared>> -> memref<32x128xf32, #tpu.memory_space<vmem_shared>>
      %dma_start3A_358 = arith.constant 0 : i32
      %dma_start3A_359 = tpu.memref_slice %arg19[%add3A_245, %dma_start3A_358] : memref<10240x128xf32, #tpu.memory_space<vmem_shared>> -> memref<32x128xf32, #tpu.memory_space<vmem_shared>>
      tpu.enqueue_dma source(%dma_start3A_359 : memref<32x128xf32, #tpu.memory_space<vmem_shared>>) target(%arg13 : memref<32x128xf32, #tpu.memory_space<vmem>>) target_semaphore(%run_scoped3A : memref<!tpu.dma_semaphore, #tpu.memory_space<semaphore_mem>>)
      %dma_wait3A = arith.constant 0 : i32
      %dma_wait3A_360 = tpu.memref_slice %arg19[%add3A_245, %dma_wait3A] : memref<10240x128xf32, #tpu.memory_space<vmem_shared>> -> memref<32x128xf32, #tpu.memory_space<vmem_shared>>
      %dma_wait3A_361 = arith.constant 0 : i32
      %dma_wait3A_362 = tpu.memref_slice %arg19[%add3A_245, %dma_wait3A_361] : memref<10240x128xf32, #tpu.memory_space<vmem_shared>> -> memref<32x128xf32, #tpu.memory_space<vmem_shared>>
      tpu.wait_dma2 semaphore(%run_scoped3A : memref<!tpu.dma_semaphore, #tpu.memory_space<semaphore_mem>>) src(%dma_wait3A_362 : memref<32x128xf32, #tpu.memory_space<vmem_shared>>) dst(%arg13 : memref<32x128xf32, #tpu.memory_space<vmem>>)
      tpu.yield
    }) : () -> ()
    %mul3A_246 = arith.constant 10240 : i32
    %mul3A_247 = arith.muli %arg0, %mul3A_246 : i32
    %mul3A_248 = arith.constant 640 : i32
    %mul3A_249 = arith.muli %arg1, %mul3A_248 : i32
    %add3A_250 = arith.addi %mul3A_247, %mul3A_249 : i32
    %add3A_251 = arith.constant 320 : i32
    %add3A_252 = arith.addi %add3A_250, %add3A_251 : i32
    "tpu.region"() ({
      %run_scoped3A = tpu.sem_alloc : memref<!tpu.dma_semaphore, #tpu.memory_space<semaphore_mem>>
      %dma_start3A = arith.constant 0 : i32
      %dma_start3A_357 = tpu.memref_slice %arg6[%add3A_252, %dma_start3A] : memref<20480x128xf32, #tpu.memory_space<hbm>> -> memref<32x128xf32, #tpu.memory_space<hbm>>
      %dma_start3A_358 = arith.constant 0 : i32
      %dma_start3A_359 = tpu.memref_slice %arg6[%add3A_252, %dma_start3A_358] : memref<20480x128xf32, #tpu.memory_space<hbm>> -> memref<32x128xf32, #tpu.memory_space<hbm>>
      tpu.enqueue_dma source(%arg13 : memref<32x128xf32, #tpu.memory_space<vmem>>) target(%dma_start3A_359 : memref<32x128xf32, #tpu.memory_space<hbm>>) target_semaphore(%run_scoped3A : memref<!tpu.dma_semaphore, #tpu.memory_space<semaphore_mem>>)
      %dma_wait3A = arith.constant 0 : i32
      %dma_wait3A_360 = tpu.memref_slice %arg6[%add3A_252, %dma_wait3A] : memref<20480x128xf32, #tpu.memory_space<hbm>> -> memref<32x128xf32, #tpu.memory_space<hbm>>
      %dma_wait3A_361 = arith.constant 0 : i32
      %dma_wait3A_362 = tpu.memref_slice %arg6[%add3A_252, %dma_wait3A_361] : memref<20480x128xf32, #tpu.memory_space<hbm>> -> memref<32x128xf32, #tpu.memory_space<hbm>>
      tpu.wait_dma2 semaphore(%run_scoped3A : memref<!tpu.dma_semaphore, #tpu.memory_space<semaphore_mem>>) src(%arg13 : memref<32x128xf32, #tpu.memory_space<vmem>>) dst(%dma_wait3A_362 : memref<32x128xf32, #tpu.memory_space<hbm>>)
      tpu.yield
    }) : () -> ()
    %mul3A_253 = arith.constant 640 : i32
    %mul3A_254 = arith.muli %arg1, %mul3A_253 : i32
    %add3A_255 = arith.constant 352 : i32
    %add3A_256 = arith.addi %mul3A_254, %add3A_255 : i32
    "tpu.region"() ({
      %run_scoped3A = tpu.sem_alloc : memref<!tpu.dma_semaphore, #tpu.memory_space<semaphore_mem>>
      %dma_start3A = arith.constant 0 : i32
      %dma_start3A_357 = tpu.memref_slice %arg19[%add3A_256, %dma_start3A] : memref<10240x128xf32, #tpu.memory_space<vmem_shared>> -> memref<32x128xf32, #tpu.memory_space<vmem_shared>>
      %dma_start3A_358 = arith.constant 0 : i32
      %dma_start3A_359 = tpu.memref_slice %arg19[%add3A_256, %dma_start3A_358] : memref<10240x128xf32, #tpu.memory_space<vmem_shared>> -> memref<32x128xf32, #tpu.memory_space<vmem_shared>>
      tpu.enqueue_dma source(%dma_start3A_359 : memref<32x128xf32, #tpu.memory_space<vmem_shared>>) target(%arg13 : memref<32x128xf32, #tpu.memory_space<vmem>>) target_semaphore(%run_scoped3A : memref<!tpu.dma_semaphore, #tpu.memory_space<semaphore_mem>>)
      %dma_wait3A = arith.constant 0 : i32
      %dma_wait3A_360 = tpu.memref_slice %arg19[%add3A_256, %dma_wait3A] : memref<10240x128xf32, #tpu.memory_space<vmem_shared>> -> memref<32x128xf32, #tpu.memory_space<vmem_shared>>
      %dma_wait3A_361 = arith.constant 0 : i32
      %dma_wait3A_362 = tpu.memref_slice %arg19[%add3A_256, %dma_wait3A_361] : memref<10240x128xf32, #tpu.memory_space<vmem_shared>> -> memref<32x128xf32, #tpu.memory_space<vmem_shared>>
      tpu.wait_dma2 semaphore(%run_scoped3A : memref<!tpu.dma_semaphore, #tpu.memory_space<semaphore_mem>>) src(%dma_wait3A_362 : memref<32x128xf32, #tpu.memory_space<vmem_shared>>) dst(%arg13 : memref<32x128xf32, #tpu.memory_space<vmem>>)
      tpu.yield
    }) : () -> ()
    %mul3A_257 = arith.constant 10240 : i32
    %mul3A_258 = arith.muli %arg0, %mul3A_257 : i32
    %mul3A_259 = arith.constant 640 : i32
    %mul3A_260 = arith.muli %arg1, %mul3A_259 : i32
    %add3A_261 = arith.addi %mul3A_258, %mul3A_260 : i32
    %add3A_262 = arith.constant 352 : i32
    %add3A_263 = arith.addi %add3A_261, %add3A_262 : i32
    "tpu.region"() ({
      %run_scoped3A = tpu.sem_alloc : memref<!tpu.dma_semaphore, #tpu.memory_space<semaphore_mem>>
      %dma_start3A = arith.constant 0 : i32
      %dma_start3A_357 = tpu.memref_slice %arg6[%add3A_263, %dma_start3A] : memref<20480x128xf32, #tpu.memory_space<hbm>> -> memref<32x128xf32, #tpu.memory_space<hbm>>
      %dma_start3A_358 = arith.constant 0 : i32
      %dma_start3A_359 = tpu.memref_slice %arg6[%add3A_263, %dma_start3A_358] : memref<20480x128xf32, #tpu.memory_space<hbm>> -> memref<32x128xf32, #tpu.memory_space<hbm>>
      tpu.enqueue_dma source(%arg13 : memref<32x128xf32, #tpu.memory_space<vmem>>) target(%dma_start3A_359 : memref<32x128xf32, #tpu.memory_space<hbm>>) target_semaphore(%run_scoped3A : memref<!tpu.dma_semaphore, #tpu.memory_space<semaphore_mem>>)
      %dma_wait3A = arith.constant 0 : i32
      %dma_wait3A_360 = tpu.memref_slice %arg6[%add3A_263, %dma_wait3A] : memref<20480x128xf32, #tpu.memory_space<hbm>> -> memref<32x128xf32, #tpu.memory_space<hbm>>
      %dma_wait3A_361 = arith.constant 0 : i32
      %dma_wait3A_362 = tpu.memref_slice %arg6[%add3A_263, %dma_wait3A_361] : memref<20480x128xf32, #tpu.memory_space<hbm>> -> memref<32x128xf32, #tpu.memory_space<hbm>>
      tpu.wait_dma2 semaphore(%run_scoped3A : memref<!tpu.dma_semaphore, #tpu.memory_space<semaphore_mem>>) src(%arg13 : memref<32x128xf32, #tpu.memory_space<vmem>>) dst(%dma_wait3A_362 : memref<32x128xf32, #tpu.memory_space<hbm>>)
      tpu.yield
    }) : () -> ()
    %mul3A_264 = arith.constant 640 : i32
    %mul3A_265 = arith.muli %arg1, %mul3A_264 : i32
    %add3A_266 = arith.constant 384 : i32
    %add3A_267 = arith.addi %mul3A_265, %add3A_266 : i32
    "tpu.region"() ({
      %run_scoped3A = tpu.sem_alloc : memref<!tpu.dma_semaphore, #tpu.memory_space<semaphore_mem>>
      %dma_start3A = arith.constant 0 : i32
      %dma_start3A_357 = tpu.memref_slice %arg19[%add3A_267, %dma_start3A] : memref<10240x128xf32, #tpu.memory_space<vmem_shared>> -> memref<32x128xf32, #tpu.memory_space<vmem_shared>>
      %dma_start3A_358 = arith.constant 0 : i32
      %dma_start3A_359 = tpu.memref_slice %arg19[%add3A_267, %dma_start3A_358] : memref<10240x128xf32, #tpu.memory_space<vmem_shared>> -> memref<32x128xf32, #tpu.memory_space<vmem_shared>>
      tpu.enqueue_dma source(%dma_start3A_359 : memref<32x128xf32, #tpu.memory_space<vmem_shared>>) target(%arg13 : memref<32x128xf32, #tpu.memory_space<vmem>>) target_semaphore(%run_scoped3A : memref<!tpu.dma_semaphore, #tpu.memory_space<semaphore_mem>>)
      %dma_wait3A = arith.constant 0 : i32
      %dma_wait3A_360 = tpu.memref_slice %arg19[%add3A_267, %dma_wait3A] : memref<10240x128xf32, #tpu.memory_space<vmem_shared>> -> memref<32x128xf32, #tpu.memory_space<vmem_shared>>
      %dma_wait3A_361 = arith.constant 0 : i32
      %dma_wait3A_362 = tpu.memref_slice %arg19[%add3A_267, %dma_wait3A_361] : memref<10240x128xf32, #tpu.memory_space<vmem_shared>> -> memref<32x128xf32, #tpu.memory_space<vmem_shared>>
      tpu.wait_dma2 semaphore(%run_scoped3A : memref<!tpu.dma_semaphore, #tpu.memory_space<semaphore_mem>>) src(%dma_wait3A_362 : memref<32x128xf32, #tpu.memory_space<vmem_shared>>) dst(%arg13 : memref<32x128xf32, #tpu.memory_space<vmem>>)
      tpu.yield
    }) : () -> ()
    %mul3A_268 = arith.constant 10240 : i32
    %mul3A_269 = arith.muli %arg0, %mul3A_268 : i32
    %mul3A_270 = arith.constant 640 : i32
    %mul3A_271 = arith.muli %arg1, %mul3A_270 : i32
    %add3A_272 = arith.addi %mul3A_269, %mul3A_271 : i32
    %add3A_273 = arith.constant 384 : i32
    %add3A_274 = arith.addi %add3A_272, %add3A_273 : i32
    "tpu.region"() ({
      %run_scoped3A = tpu.sem_alloc : memref<!tpu.dma_semaphore, #tpu.memory_space<semaphore_mem>>
      %dma_start3A = arith.constant 0 : i32
      %dma_start3A_357 = tpu.memref_slice %arg6[%add3A_274, %dma_start3A] : memref<20480x128xf32, #tpu.memory_space<hbm>> -> memref<32x128xf32, #tpu.memory_space<hbm>>
      %dma_start3A_358 = arith.constant 0 : i32
      %dma_start3A_359 = tpu.memref_slice %arg6[%add3A_274, %dma_start3A_358] : memref<20480x128xf32, #tpu.memory_space<hbm>> -> memref<32x128xf32, #tpu.memory_space<hbm>>
      tpu.enqueue_dma source(%arg13 : memref<32x128xf32, #tpu.memory_space<vmem>>) target(%dma_start3A_359 : memref<32x128xf32, #tpu.memory_space<hbm>>) target_semaphore(%run_scoped3A : memref<!tpu.dma_semaphore, #tpu.memory_space<semaphore_mem>>)
      %dma_wait3A = arith.constant 0 : i32
      %dma_wait3A_360 = tpu.memref_slice %arg6[%add3A_274, %dma_wait3A] : memref<20480x128xf32, #tpu.memory_space<hbm>> -> memref<32x128xf32, #tpu.memory_space<hbm>>
      %dma_wait3A_361 = arith.constant 0 : i32
      %dma_wait3A_362 = tpu.memref_slice %arg6[%add3A_274, %dma_wait3A_361] : memref<20480x128xf32, #tpu.memory_space<hbm>> -> memref<32x128xf32, #tpu.memory_space<hbm>>
      tpu.wait_dma2 semaphore(%run_scoped3A : memref<!tpu.dma_semaphore, #tpu.memory_space<semaphore_mem>>) src(%arg13 : memref<32x128xf32, #tpu.memory_space<vmem>>) dst(%dma_wait3A_362 : memref<32x128xf32, #tpu.memory_space<hbm>>)
      tpu.yield
    }) : () -> ()
    %mul3A_275 = arith.constant 640 : i32
    %mul3A_276 = arith.muli %arg1, %mul3A_275 : i32
    %add3A_277 = arith.constant 416 : i32
    %add3A_278 = arith.addi %mul3A_276, %add3A_277 : i32
    "tpu.region"() ({
      %run_scoped3A = tpu.sem_alloc : memref<!tpu.dma_semaphore, #tpu.memory_space<semaphore_mem>>
      %dma_start3A = arith.constant 0 : i32
      %dma_start3A_357 = tpu.memref_slice %arg19[%add3A_278, %dma_start3A] : memref<10240x128xf32, #tpu.memory_space<vmem_shared>> -> memref<32x128xf32, #tpu.memory_space<vmem_shared>>
      %dma_start3A_358 = arith.constant 0 : i32
      %dma_start3A_359 = tpu.memref_slice %arg19[%add3A_278, %dma_start3A_358] : memref<10240x128xf32, #tpu.memory_space<vmem_shared>> -> memref<32x128xf32, #tpu.memory_space<vmem_shared>>
      tpu.enqueue_dma source(%dma_start3A_359 : memref<32x128xf32, #tpu.memory_space<vmem_shared>>) target(%arg13 : memref<32x128xf32, #tpu.memory_space<vmem>>) target_semaphore(%run_scoped3A : memref<!tpu.dma_semaphore, #tpu.memory_space<semaphore_mem>>)
      %dma_wait3A = arith.constant 0 : i32
      %dma_wait3A_360 = tpu.memref_slice %arg19[%add3A_278, %dma_wait3A] : memref<10240x128xf32, #tpu.memory_space<vmem_shared>> -> memref<32x128xf32, #tpu.memory_space<vmem_shared>>
      %dma_wait3A_361 = arith.constant 0 : i32
      %dma_wait3A_362 = tpu.memref_slice %arg19[%add3A_278, %dma_wait3A_361] : memref<10240x128xf32, #tpu.memory_space<vmem_shared>> -> memref<32x128xf32, #tpu.memory_space<vmem_shared>>
      tpu.wait_dma2 semaphore(%run_scoped3A : memref<!tpu.dma_semaphore, #tpu.memory_space<semaphore_mem>>) src(%dma_wait3A_362 : memref<32x128xf32, #tpu.memory_space<vmem_shared>>) dst(%arg13 : memref<32x128xf32, #tpu.memory_space<vmem>>)
      tpu.yield
    }) : () -> ()
    %mul3A_279 = arith.constant 10240 : i32
    %mul3A_280 = arith.muli %arg0, %mul3A_279 : i32
    %mul3A_281 = arith.constant 640 : i32
    %mul3A_282 = arith.muli %arg1, %mul3A_281 : i32
    %add3A_283 = arith.addi %mul3A_280, %mul3A_282 : i32
    %add3A_284 = arith.constant 416 : i32
    %add3A_285 = arith.addi %add3A_283, %add3A_284 : i32
    "tpu.region"() ({
      %run_scoped3A = tpu.sem_alloc : memref<!tpu.dma_semaphore, #tpu.memory_space<semaphore_mem>>
      %dma_start3A = arith.constant 0 : i32
      %dma_start3A_357 = tpu.memref_slice %arg6[%add3A_285, %dma_start3A] : memref<20480x128xf32, #tpu.memory_space<hbm>> -> memref<32x128xf32, #tpu.memory_space<hbm>>
      %dma_start3A_358 = arith.constant 0 : i32
      %dma_start3A_359 = tpu.memref_slice %arg6[%add3A_285, %dma_start3A_358] : memref<20480x128xf32, #tpu.memory_space<hbm>> -> memref<32x128xf32, #tpu.memory_space<hbm>>
      tpu.enqueue_dma source(%arg13 : memref<32x128xf32, #tpu.memory_space<vmem>>) target(%dma_start3A_359 : memref<32x128xf32, #tpu.memory_space<hbm>>) target_semaphore(%run_scoped3A : memref<!tpu.dma_semaphore, #tpu.memory_space<semaphore_mem>>)
      %dma_wait3A = arith.constant 0 : i32
      %dma_wait3A_360 = tpu.memref_slice %arg6[%add3A_285, %dma_wait3A] : memref<20480x128xf32, #tpu.memory_space<hbm>> -> memref<32x128xf32, #tpu.memory_space<hbm>>
      %dma_wait3A_361 = arith.constant 0 : i32
      %dma_wait3A_362 = tpu.memref_slice %arg6[%add3A_285, %dma_wait3A_361] : memref<20480x128xf32, #tpu.memory_space<hbm>> -> memref<32x128xf32, #tpu.memory_space<hbm>>
      tpu.wait_dma2 semaphore(%run_scoped3A : memref<!tpu.dma_semaphore, #tpu.memory_space<semaphore_mem>>) src(%arg13 : memref<32x128xf32, #tpu.memory_space<vmem>>) dst(%dma_wait3A_362 : memref<32x128xf32, #tpu.memory_space<hbm>>)
      tpu.yield
    }) : () -> ()
    %mul3A_286 = arith.constant 640 : i32
    %mul3A_287 = arith.muli %arg1, %mul3A_286 : i32
    %add3A_288 = arith.constant 448 : i32
    %add3A_289 = arith.addi %mul3A_287, %add3A_288 : i32
    "tpu.region"() ({
      %run_scoped3A = tpu.sem_alloc : memref<!tpu.dma_semaphore, #tpu.memory_space<semaphore_mem>>
      %dma_start3A = arith.constant 0 : i32
      %dma_start3A_357 = tpu.memref_slice %arg19[%add3A_289, %dma_start3A] : memref<10240x128xf32, #tpu.memory_space<vmem_shared>> -> memref<32x128xf32, #tpu.memory_space<vmem_shared>>
      %dma_start3A_358 = arith.constant 0 : i32
      %dma_start3A_359 = tpu.memref_slice %arg19[%add3A_289, %dma_start3A_358] : memref<10240x128xf32, #tpu.memory_space<vmem_shared>> -> memref<32x128xf32, #tpu.memory_space<vmem_shared>>
      tpu.enqueue_dma source(%dma_start3A_359 : memref<32x128xf32, #tpu.memory_space<vmem_shared>>) target(%arg13 : memref<32x128xf32, #tpu.memory_space<vmem>>) target_semaphore(%run_scoped3A : memref<!tpu.dma_semaphore, #tpu.memory_space<semaphore_mem>>)
      %dma_wait3A = arith.constant 0 : i32
      %dma_wait3A_360 = tpu.memref_slice %arg19[%add3A_289, %dma_wait3A] : memref<10240x128xf32, #tpu.memory_space<vmem_shared>> -> memref<32x128xf32, #tpu.memory_space<vmem_shared>>
      %dma_wait3A_361 = arith.constant 0 : i32
      %dma_wait3A_362 = tpu.memref_slice %arg19[%add3A_289, %dma_wait3A_361] : memref<10240x128xf32, #tpu.memory_space<vmem_shared>> -> memref<32x128xf32, #tpu.memory_space<vmem_shared>>
      tpu.wait_dma2 semaphore(%run_scoped3A : memref<!tpu.dma_semaphore, #tpu.memory_space<semaphore_mem>>) src(%dma_wait3A_362 : memref<32x128xf32, #tpu.memory_space<vmem_shared>>) dst(%arg13 : memref<32x128xf32, #tpu.memory_space<vmem>>)
      tpu.yield
    }) : () -> ()
    %mul3A_290 = arith.constant 10240 : i32
    %mul3A_291 = arith.muli %arg0, %mul3A_290 : i32
    %mul3A_292 = arith.constant 640 : i32
    %mul3A_293 = arith.muli %arg1, %mul3A_292 : i32
    %add3A_294 = arith.addi %mul3A_291, %mul3A_293 : i32
    %add3A_295 = arith.constant 448 : i32
    %add3A_296 = arith.addi %add3A_294, %add3A_295 : i32
    "tpu.region"() ({
      %run_scoped3A = tpu.sem_alloc : memref<!tpu.dma_semaphore, #tpu.memory_space<semaphore_mem>>
      %dma_start3A = arith.constant 0 : i32
      %dma_start3A_357 = tpu.memref_slice %arg6[%add3A_296, %dma_start3A] : memref<20480x128xf32, #tpu.memory_space<hbm>> -> memref<32x128xf32, #tpu.memory_space<hbm>>
      %dma_start3A_358 = arith.constant 0 : i32
      %dma_start3A_359 = tpu.memref_slice %arg6[%add3A_296, %dma_start3A_358] : memref<20480x128xf32, #tpu.memory_space<hbm>> -> memref<32x128xf32, #tpu.memory_space<hbm>>
      tpu.enqueue_dma source(%arg13 : memref<32x128xf32, #tpu.memory_space<vmem>>) target(%dma_start3A_359 : memref<32x128xf32, #tpu.memory_space<hbm>>) target_semaphore(%run_scoped3A : memref<!tpu.dma_semaphore, #tpu.memory_space<semaphore_mem>>)
      %dma_wait3A = arith.constant 0 : i32
      %dma_wait3A_360 = tpu.memref_slice %arg6[%add3A_296, %dma_wait3A] : memref<20480x128xf32, #tpu.memory_space<hbm>> -> memref<32x128xf32, #tpu.memory_space<hbm>>
      %dma_wait3A_361 = arith.constant 0 : i32
      %dma_wait3A_362 = tpu.memref_slice %arg6[%add3A_296, %dma_wait3A_361] : memref<20480x128xf32, #tpu.memory_space<hbm>> -> memref<32x128xf32, #tpu.memory_space<hbm>>
      tpu.wait_dma2 semaphore(%run_scoped3A : memref<!tpu.dma_semaphore, #tpu.memory_space<semaphore_mem>>) src(%arg13 : memref<32x128xf32, #tpu.memory_space<vmem>>) dst(%dma_wait3A_362 : memref<32x128xf32, #tpu.memory_space<hbm>>)
      tpu.yield
    }) : () -> ()
    %mul3A_297 = arith.constant 640 : i32
    %mul3A_298 = arith.muli %arg1, %mul3A_297 : i32
    %add3A_299 = arith.constant 480 : i32
    %add3A_300 = arith.addi %mul3A_298, %add3A_299 : i32
    "tpu.region"() ({
      %run_scoped3A = tpu.sem_alloc : memref<!tpu.dma_semaphore, #tpu.memory_space<semaphore_mem>>
      %dma_start3A = arith.constant 0 : i32
      %dma_start3A_357 = tpu.memref_slice %arg19[%add3A_300, %dma_start3A] : memref<10240x128xf32, #tpu.memory_space<vmem_shared>> -> memref<32x128xf32, #tpu.memory_space<vmem_shared>>
      %dma_start3A_358 = arith.constant 0 : i32
      %dma_start3A_359 = tpu.memref_slice %arg19[%add3A_300, %dma_start3A_358] : memref<10240x128xf32, #tpu.memory_space<vmem_shared>> -> memref<32x128xf32, #tpu.memory_space<vmem_shared>>
      tpu.enqueue_dma source(%dma_start3A_359 : memref<32x128xf32, #tpu.memory_space<vmem_shared>>) target(%arg13 : memref<32x128xf32, #tpu.memory_space<vmem>>) target_semaphore(%run_scoped3A : memref<!tpu.dma_semaphore, #tpu.memory_space<semaphore_mem>>)
      %dma_wait3A = arith.constant 0 : i32
      %dma_wait3A_360 = tpu.memref_slice %arg19[%add3A_300, %dma_wait3A] : memref<10240x128xf32, #tpu.memory_space<vmem_shared>> -> memref<32x128xf32, #tpu.memory_space<vmem_shared>>
      %dma_wait3A_361 = arith.constant 0 : i32
      %dma_wait3A_362 = tpu.memref_slice %arg19[%add3A_300, %dma_wait3A_361] : memref<10240x128xf32, #tpu.memory_space<vmem_shared>> -> memref<32x128xf32, #tpu.memory_space<vmem_shared>>
      tpu.wait_dma2 semaphore(%run_scoped3A : memref<!tpu.dma_semaphore, #tpu.memory_space<semaphore_mem>>) src(%dma_wait3A_362 : memref<32x128xf32, #tpu.memory_space<vmem_shared>>) dst(%arg13 : memref<32x128xf32, #tpu.memory_space<vmem>>)
      tpu.yield
    }) : () -> ()
    %mul3A_301 = arith.constant 10240 : i32
    %mul3A_302 = arith.muli %arg0, %mul3A_301 : i32
    %mul3A_303 = arith.constant 640 : i32
    %mul3A_304 = arith.muli %arg1, %mul3A_303 : i32
    %add3A_305 = arith.addi %mul3A_302, %mul3A_304 : i32
    %add3A_306 = arith.constant 480 : i32
    %add3A_307 = arith.addi %add3A_305, %add3A_306 : i32
    "tpu.region"() ({
      %run_scoped3A = tpu.sem_alloc : memref<!tpu.dma_semaphore, #tpu.memory_space<semaphore_mem>>
      %dma_start3A = arith.constant 0 : i32
      %dma_start3A_357 = tpu.memref_slice %arg6[%add3A_307, %dma_start3A] : memref<20480x128xf32, #tpu.memory_space<hbm>> -> memref<32x128xf32, #tpu.memory_space<hbm>>
      %dma_start3A_358 = arith.constant 0 : i32
      %dma_start3A_359 = tpu.memref_slice %arg6[%add3A_307, %dma_start3A_358] : memref<20480x128xf32, #tpu.memory_space<hbm>> -> memref<32x128xf32, #tpu.memory_space<hbm>>
      tpu.enqueue_dma source(%arg13 : memref<32x128xf32, #tpu.memory_space<vmem>>) target(%dma_start3A_359 : memref<32x128xf32, #tpu.memory_space<hbm>>) target_semaphore(%run_scoped3A : memref<!tpu.dma_semaphore, #tpu.memory_space<semaphore_mem>>)
      %dma_wait3A = arith.constant 0 : i32
      %dma_wait3A_360 = tpu.memref_slice %arg6[%add3A_307, %dma_wait3A] : memref<20480x128xf32, #tpu.memory_space<hbm>> -> memref<32x128xf32, #tpu.memory_space<hbm>>
      %dma_wait3A_361 = arith.constant 0 : i32
      %dma_wait3A_362 = tpu.memref_slice %arg6[%add3A_307, %dma_wait3A_361] : memref<20480x128xf32, #tpu.memory_space<hbm>> -> memref<32x128xf32, #tpu.memory_space<hbm>>
      tpu.wait_dma2 semaphore(%run_scoped3A : memref<!tpu.dma_semaphore, #tpu.memory_space<semaphore_mem>>) src(%arg13 : memref<32x128xf32, #tpu.memory_space<vmem>>) dst(%dma_wait3A_362 : memref<32x128xf32, #tpu.memory_space<hbm>>)
      tpu.yield
    }) : () -> ()
    %mul3A_308 = arith.constant 640 : i32
    %mul3A_309 = arith.muli %arg1, %mul3A_308 : i32
    %add3A_310 = arith.constant 512 : i32
    %add3A_311 = arith.addi %mul3A_309, %add3A_310 : i32
    "tpu.region"() ({
      %run_scoped3A = tpu.sem_alloc : memref<!tpu.dma_semaphore, #tpu.memory_space<semaphore_mem>>
      %dma_start3A = arith.constant 0 : i32
      %dma_start3A_357 = tpu.memref_slice %arg19[%add3A_311, %dma_start3A] : memref<10240x128xf32, #tpu.memory_space<vmem_shared>> -> memref<32x128xf32, #tpu.memory_space<vmem_shared>>
      %dma_start3A_358 = arith.constant 0 : i32
      %dma_start3A_359 = tpu.memref_slice %arg19[%add3A_311, %dma_start3A_358] : memref<10240x128xf32, #tpu.memory_space<vmem_shared>> -> memref<32x128xf32, #tpu.memory_space<vmem_shared>>
      tpu.enqueue_dma source(%dma_start3A_359 : memref<32x128xf32, #tpu.memory_space<vmem_shared>>) target(%arg13 : memref<32x128xf32, #tpu.memory_space<vmem>>) target_semaphore(%run_scoped3A : memref<!tpu.dma_semaphore, #tpu.memory_space<semaphore_mem>>)
      %dma_wait3A = arith.constant 0 : i32
      %dma_wait3A_360 = tpu.memref_slice %arg19[%add3A_311, %dma_wait3A] : memref<10240x128xf32, #tpu.memory_space<vmem_shared>> -> memref<32x128xf32, #tpu.memory_space<vmem_shared>>
      %dma_wait3A_361 = arith.constant 0 : i32
      %dma_wait3A_362 = tpu.memref_slice %arg19[%add3A_311, %dma_wait3A_361] : memref<10240x128xf32, #tpu.memory_space<vmem_shared>> -> memref<32x128xf32, #tpu.memory_space<vmem_shared>>
      tpu.wait_dma2 semaphore(%run_scoped3A : memref<!tpu.dma_semaphore, #tpu.memory_space<semaphore_mem>>) src(%dma_wait3A_362 : memref<32x128xf32, #tpu.memory_space<vmem_shared>>) dst(%arg13 : memref<32x128xf32, #tpu.memory_space<vmem>>)
      tpu.yield
    }) : () -> ()
    %mul3A_312 = arith.constant 10240 : i32
    %mul3A_313 = arith.muli %arg0, %mul3A_312 : i32
    %mul3A_314 = arith.constant 640 : i32
    %mul3A_315 = arith.muli %arg1, %mul3A_314 : i32
    %add3A_316 = arith.addi %mul3A_313, %mul3A_315 : i32
    %add3A_317 = arith.constant 512 : i32
    %add3A_318 = arith.addi %add3A_316, %add3A_317 : i32
    "tpu.region"() ({
      %run_scoped3A = tpu.sem_alloc : memref<!tpu.dma_semaphore, #tpu.memory_space<semaphore_mem>>
      %dma_start3A = arith.constant 0 : i32
      %dma_start3A_357 = tpu.memref_slice %arg6[%add3A_318, %dma_start3A] : memref<20480x128xf32, #tpu.memory_space<hbm>> -> memref<32x128xf32, #tpu.memory_space<hbm>>
      %dma_start3A_358 = arith.constant 0 : i32
      %dma_start3A_359 = tpu.memref_slice %arg6[%add3A_318, %dma_start3A_358] : memref<20480x128xf32, #tpu.memory_space<hbm>> -> memref<32x128xf32, #tpu.memory_space<hbm>>
      tpu.enqueue_dma source(%arg13 : memref<32x128xf32, #tpu.memory_space<vmem>>) target(%dma_start3A_359 : memref<32x128xf32, #tpu.memory_space<hbm>>) target_semaphore(%run_scoped3A : memref<!tpu.dma_semaphore, #tpu.memory_space<semaphore_mem>>)
      %dma_wait3A = arith.constant 0 : i32
      %dma_wait3A_360 = tpu.memref_slice %arg6[%add3A_318, %dma_wait3A] : memref<20480x128xf32, #tpu.memory_space<hbm>> -> memref<32x128xf32, #tpu.memory_space<hbm>>
      %dma_wait3A_361 = arith.constant 0 : i32
      %dma_wait3A_362 = tpu.memref_slice %arg6[%add3A_318, %dma_wait3A_361] : memref<20480x128xf32, #tpu.memory_space<hbm>> -> memref<32x128xf32, #tpu.memory_space<hbm>>
      tpu.wait_dma2 semaphore(%run_scoped3A : memref<!tpu.dma_semaphore, #tpu.memory_space<semaphore_mem>>) src(%arg13 : memref<32x128xf32, #tpu.memory_space<vmem>>) dst(%dma_wait3A_362 : memref<32x128xf32, #tpu.memory_space<hbm>>)
      tpu.yield
    }) : () -> ()
    %mul3A_319 = arith.constant 640 : i32
    %mul3A_320 = arith.muli %arg1, %mul3A_319 : i32
    %add3A_321 = arith.constant 544 : i32
    %add3A_322 = arith.addi %mul3A_320, %add3A_321 : i32
    "tpu.region"() ({
      %run_scoped3A = tpu.sem_alloc : memref<!tpu.dma_semaphore, #tpu.memory_space<semaphore_mem>>
      %dma_start3A = arith.constant 0 : i32
      %dma_start3A_357 = tpu.memref_slice %arg19[%add3A_322, %dma_start3A] : memref<10240x128xf32, #tpu.memory_space<vmem_shared>> -> memref<32x128xf32, #tpu.memory_space<vmem_shared>>
      %dma_start3A_358 = arith.constant 0 : i32
      %dma_start3A_359 = tpu.memref_slice %arg19[%add3A_322, %dma_start3A_358] : memref<10240x128xf32, #tpu.memory_space<vmem_shared>> -> memref<32x128xf32, #tpu.memory_space<vmem_shared>>
      tpu.enqueue_dma source(%dma_start3A_359 : memref<32x128xf32, #tpu.memory_space<vmem_shared>>) target(%arg13 : memref<32x128xf32, #tpu.memory_space<vmem>>) target_semaphore(%run_scoped3A : memref<!tpu.dma_semaphore, #tpu.memory_space<semaphore_mem>>)
      %dma_wait3A = arith.constant 0 : i32
      %dma_wait3A_360 = tpu.memref_slice %arg19[%add3A_322, %dma_wait3A] : memref<10240x128xf32, #tpu.memory_space<vmem_shared>> -> memref<32x128xf32, #tpu.memory_space<vmem_shared>>
      %dma_wait3A_361 = arith.constant 0 : i32
      %dma_wait3A_362 = tpu.memref_slice %arg19[%add3A_322, %dma_wait3A_361] : memref<10240x128xf32, #tpu.memory_space<vmem_shared>> -> memref<32x128xf32, #tpu.memory_space<vmem_shared>>
      tpu.wait_dma2 semaphore(%run_scoped3A : memref<!tpu.dma_semaphore, #tpu.memory_space<semaphore_mem>>) src(%dma_wait3A_362 : memref<32x128xf32, #tpu.memory_space<vmem_shared>>) dst(%arg13 : memref<32x128xf32, #tpu.memory_space<vmem>>)
      tpu.yield
    }) : () -> ()
    %mul3A_323 = arith.constant 10240 : i32
    %mul3A_324 = arith.muli %arg0, %mul3A_323 : i32
    %mul3A_325 = arith.constant 640 : i32
    %mul3A_326 = arith.muli %arg1, %mul3A_325 : i32
    %add3A_327 = arith.addi %mul3A_324, %mul3A_326 : i32
    %add3A_328 = arith.constant 544 : i32
    %add3A_329 = arith.addi %add3A_327, %add3A_328 : i32
    "tpu.region"() ({
      %run_scoped3A = tpu.sem_alloc : memref<!tpu.dma_semaphore, #tpu.memory_space<semaphore_mem>>
      %dma_start3A = arith.constant 0 : i32
      %dma_start3A_357 = tpu.memref_slice %arg6[%add3A_329, %dma_start3A] : memref<20480x128xf32, #tpu.memory_space<hbm>> -> memref<32x128xf32, #tpu.memory_space<hbm>>
      %dma_start3A_358 = arith.constant 0 : i32
      %dma_start3A_359 = tpu.memref_slice %arg6[%add3A_329, %dma_start3A_358] : memref<20480x128xf32, #tpu.memory_space<hbm>> -> memref<32x128xf32, #tpu.memory_space<hbm>>
      tpu.enqueue_dma source(%arg13 : memref<32x128xf32, #tpu.memory_space<vmem>>) target(%dma_start3A_359 : memref<32x128xf32, #tpu.memory_space<hbm>>) target_semaphore(%run_scoped3A : memref<!tpu.dma_semaphore, #tpu.memory_space<semaphore_mem>>)
      %dma_wait3A = arith.constant 0 : i32
      %dma_wait3A_360 = tpu.memref_slice %arg6[%add3A_329, %dma_wait3A] : memref<20480x128xf32, #tpu.memory_space<hbm>> -> memref<32x128xf32, #tpu.memory_space<hbm>>
      %dma_wait3A_361 = arith.constant 0 : i32
      %dma_wait3A_362 = tpu.memref_slice %arg6[%add3A_329, %dma_wait3A_361] : memref<20480x128xf32, #tpu.memory_space<hbm>> -> memref<32x128xf32, #tpu.memory_space<hbm>>
      tpu.wait_dma2 semaphore(%run_scoped3A : memref<!tpu.dma_semaphore, #tpu.memory_space<semaphore_mem>>) src(%arg13 : memref<32x128xf32, #tpu.memory_space<vmem>>) dst(%dma_wait3A_362 : memref<32x128xf32, #tpu.memory_space<hbm>>)
      tpu.yield
    }) : () -> ()
    %mul3A_330 = arith.constant 640 : i32
    %mul3A_331 = arith.muli %arg1, %mul3A_330 : i32
    %add3A_332 = arith.constant 576 : i32
    %add3A_333 = arith.addi %mul3A_331, %add3A_332 : i32
    "tpu.region"() ({
      %run_scoped3A = tpu.sem_alloc : memref<!tpu.dma_semaphore, #tpu.memory_space<semaphore_mem>>
      %dma_start3A = arith.constant 0 : i32
      %dma_start3A_357 = tpu.memref_slice %arg19[%add3A_333, %dma_start3A] : memref<10240x128xf32, #tpu.memory_space<vmem_shared>> -> memref<32x128xf32, #tpu.memory_space<vmem_shared>>
      %dma_start3A_358 = arith.constant 0 : i32
      %dma_start3A_359 = tpu.memref_slice %arg19[%add3A_333, %dma_start3A_358] : memref<10240x128xf32, #tpu.memory_space<vmem_shared>> -> memref<32x128xf32, #tpu.memory_space<vmem_shared>>
      tpu.enqueue_dma source(%dma_start3A_359 : memref<32x128xf32, #tpu.memory_space<vmem_shared>>) target(%arg13 : memref<32x128xf32, #tpu.memory_space<vmem>>) target_semaphore(%run_scoped3A : memref<!tpu.dma_semaphore, #tpu.memory_space<semaphore_mem>>)
      %dma_wait3A = arith.constant 0 : i32
      %dma_wait3A_360 = tpu.memref_slice %arg19[%add3A_333, %dma_wait3A] : memref<10240x128xf32, #tpu.memory_space<vmem_shared>> -> memref<32x128xf32, #tpu.memory_space<vmem_shared>>
      %dma_wait3A_361 = arith.constant 0 : i32
      %dma_wait3A_362 = tpu.memref_slice %arg19[%add3A_333, %dma_wait3A_361] : memref<10240x128xf32, #tpu.memory_space<vmem_shared>> -> memref<32x128xf32, #tpu.memory_space<vmem_shared>>
      tpu.wait_dma2 semaphore(%run_scoped3A : memref<!tpu.dma_semaphore, #tpu.memory_space<semaphore_mem>>) src(%dma_wait3A_362 : memref<32x128xf32, #tpu.memory_space<vmem_shared>>) dst(%arg13 : memref<32x128xf32, #tpu.memory_space<vmem>>)
      tpu.yield
    }) : () -> ()
    %mul3A_334 = arith.constant 10240 : i32
    %mul3A_335 = arith.muli %arg0, %mul3A_334 : i32
    %mul3A_336 = arith.constant 640 : i32
    %mul3A_337 = arith.muli %arg1, %mul3A_336 : i32
    %add3A_338 = arith.addi %mul3A_335, %mul3A_337 : i32
    %add3A_339 = arith.constant 576 : i32
    %add3A_340 = arith.addi %add3A_338, %add3A_339 : i32
    "tpu.region"() ({
      %run_scoped3A = tpu.sem_alloc : memref<!tpu.dma_semaphore, #tpu.memory_space<semaphore_mem>>
      %dma_start3A = arith.constant 0 : i32
      %dma_start3A_357 = tpu.memref_slice %arg6[%add3A_340, %dma_start3A] : memref<20480x128xf32, #tpu.memory_space<hbm>> -> memref<32x128xf32, #tpu.memory_space<hbm>>
      %dma_start3A_358 = arith.constant 0 : i32
      %dma_start3A_359 = tpu.memref_slice %arg6[%add3A_340, %dma_start3A_358] : memref<20480x128xf32, #tpu.memory_space<hbm>> -> memref<32x128xf32, #tpu.memory_space<hbm>>
      tpu.enqueue_dma source(%arg13 : memref<32x128xf32, #tpu.memory_space<vmem>>) target(%dma_start3A_359 : memref<32x128xf32, #tpu.memory_space<hbm>>) target_semaphore(%run_scoped3A : memref<!tpu.dma_semaphore, #tpu.memory_space<semaphore_mem>>)
      %dma_wait3A = arith.constant 0 : i32
      %dma_wait3A_360 = tpu.memref_slice %arg6[%add3A_340, %dma_wait3A] : memref<20480x128xf32, #tpu.memory_space<hbm>> -> memref<32x128xf32, #tpu.memory_space<hbm>>
      %dma_wait3A_361 = arith.constant 0 : i32
      %dma_wait3A_362 = tpu.memref_slice %arg6[%add3A_340, %dma_wait3A_361] : memref<20480x128xf32, #tpu.memory_space<hbm>> -> memref<32x128xf32, #tpu.memory_space<hbm>>
      tpu.wait_dma2 semaphore(%run_scoped3A : memref<!tpu.dma_semaphore, #tpu.memory_space<semaphore_mem>>) src(%arg13 : memref<32x128xf32, #tpu.memory_space<vmem>>) dst(%dma_wait3A_362 : memref<32x128xf32, #tpu.memory_space<hbm>>)
      tpu.yield
    }) : () -> ()
    %mul3A_341 = arith.constant 640 : i32
    %mul3A_342 = arith.muli %arg1, %mul3A_341 : i32
    %add3A_343 = arith.constant 608 : i32
    %add3A_344 = arith.addi %mul3A_342, %add3A_343 : i32
    "tpu.region"() ({
      %run_scoped3A = tpu.sem_alloc : memref<!tpu.dma_semaphore, #tpu.memory_space<semaphore_mem>>
      %dma_start3A = arith.constant 0 : i32
      %dma_start3A_357 = tpu.memref_slice %arg19[%add3A_344, %dma_start3A] : memref<10240x128xf32, #tpu.memory_space<vmem_shared>> -> memref<32x128xf32, #tpu.memory_space<vmem_shared>>
      %dma_start3A_358 = arith.constant 0 : i32
      %dma_start3A_359 = tpu.memref_slice %arg19[%add3A_344, %dma_start3A_358] : memref<10240x128xf32, #tpu.memory_space<vmem_shared>> -> memref<32x128xf32, #tpu.memory_space<vmem_shared>>
      tpu.enqueue_dma source(%dma_start3A_359 : memref<32x128xf32, #tpu.memory_space<vmem_shared>>) target(%arg13 : memref<32x128xf32, #tpu.memory_space<vmem>>) target_semaphore(%run_scoped3A : memref<!tpu.dma_semaphore, #tpu.memory_space<semaphore_mem>>)
      %dma_wait3A = arith.constant 0 : i32
      %dma_wait3A_360 = tpu.memref_slice %arg19[%add3A_344, %dma_wait3A] : memref<10240x128xf32, #tpu.memory_space<vmem_shared>> -> memref<32x128xf32, #tpu.memory_space<vmem_shared>>
      %dma_wait3A_361 = arith.constant 0 : i32
      %dma_wait3A_362 = tpu.memref_slice %arg19[%add3A_344, %dma_wait3A_361] : memref<10240x128xf32, #tpu.memory_space<vmem_shared>> -> memref<32x128xf32, #tpu.memory_space<vmem_shared>>
      tpu.wait_dma2 semaphore(%run_scoped3A : memref<!tpu.dma_semaphore, #tpu.memory_space<semaphore_mem>>) src(%dma_wait3A_362 : memref<32x128xf32, #tpu.memory_space<vmem_shared>>) dst(%arg13 : memref<32x128xf32, #tpu.memory_space<vmem>>)
      tpu.yield
    }) : () -> ()
    %mul3A_345 = arith.constant 10240 : i32
    %mul3A_346 = arith.muli %arg0, %mul3A_345 : i32
    %mul3A_347 = arith.constant 640 : i32
    %mul3A_348 = arith.muli %arg1, %mul3A_347 : i32
    %add3A_349 = arith.addi %mul3A_346, %mul3A_348 : i32
    %add3A_350 = arith.constant 608 : i32
    %add3A_351 = arith.addi %add3A_349, %add3A_350 : i32
    "tpu.region"() ({
      %run_scoped3A = tpu.sem_alloc : memref<!tpu.dma_semaphore, #tpu.memory_space<semaphore_mem>>
      %dma_start3A = arith.constant 0 : i32
      %dma_start3A_357 = tpu.memref_slice %arg6[%add3A_351, %dma_start3A] : memref<20480x128xf32, #tpu.memory_space<hbm>> -> memref<32x128xf32, #tpu.memory_space<hbm>>
      %dma_start3A_358 = arith.constant 0 : i32
      %dma_start3A_359 = tpu.memref_slice %arg6[%add3A_351, %dma_start3A_358] : memref<20480x128xf32, #tpu.memory_space<hbm>> -> memref<32x128xf32, #tpu.memory_space<hbm>>
      tpu.enqueue_dma source(%arg13 : memref<32x128xf32, #tpu.memory_space<vmem>>) target(%dma_start3A_359 : memref<32x128xf32, #tpu.memory_space<hbm>>) target_semaphore(%run_scoped3A : memref<!tpu.dma_semaphore, #tpu.memory_space<semaphore_mem>>)
      %dma_wait3A = arith.constant 0 : i32
      %dma_wait3A_360 = tpu.memref_slice %arg6[%add3A_351, %dma_wait3A] : memref<20480x128xf32, #tpu.memory_space<hbm>> -> memref<32x128xf32, #tpu.memory_space<hbm>>
      %dma_wait3A_361 = arith.constant 0 : i32
      %dma_wait3A_362 = tpu.memref_slice %arg6[%add3A_351, %dma_wait3A_361] : memref<20480x128xf32, #tpu.memory_space<hbm>> -> memref<32x128xf32, #tpu.memory_space<hbm>>
      tpu.wait_dma2 semaphore(%run_scoped3A : memref<!tpu.dma_semaphore, #tpu.memory_space<semaphore_mem>>) src(%arg13 : memref<32x128xf32, #tpu.memory_space<vmem>>) dst(%dma_wait3A_362 : memref<32x128xf32, #tpu.memory_space<hbm>>)
      tpu.yield
    }) : () -> ()
    %lt3A_352 = arith.constant 10 : i32
    %lt3A_353 = arith.cmpi slt, %arg1, %lt3A_352 : i32
    %convert_element_type3A_354 = arith.extui %lt3A_353 : i1 to i32
    %cond3A_355 = arith.constant 0 : i32
    %cond3A_356 = arith.cmpi ne, %convert_element_type3A_354, %cond3A_355 : i32
    scf.if %cond3A_356 {
      %mul3A_357 = arith.constant 8 : i32
      %mul3A_358 = arith.muli %arg1, %mul3A_357 : i32
      %mul3A_359 = arith.constant 80 : i32
      %mul3A_360 = arith.muli %arg0, %mul3A_359 : i32
      %mul3A_361 = arith.constant 8 : i32
      %mul3A_362 = arith.muli %arg1, %mul3A_361 : i32
      %add3A_363 = arith.addi %mul3A_360, %mul3A_362 : i32
      "tpu.region"() ({
        %run_scoped3A = tpu.sem_alloc : memref<!tpu.dma_semaphore, #tpu.memory_space<semaphore_mem>>
        %dma_start3A = arith.constant 0 : i32
        %dma_start3A_364 = tpu.memref_slice %arg7[%add3A_363, %dma_start3A] : memref<160x128xf32, #tpu.memory_space<hbm>> -> memref<8x128xf32, #tpu.memory_space<hbm>>
        %dma_start3A_365 = arith.constant 0 : i32
        %dma_start3A_366 = tpu.memref_slice %arg20[%mul3A_358, %dma_start3A_365] : memref<80x128xf32, #tpu.memory_space<vmem_shared>> -> memref<8x128xf32, #tpu.memory_space<vmem_shared>>
        tpu.enqueue_dma source(%dma_start3A_366 : memref<8x128xf32, #tpu.memory_space<vmem_shared>>) target(%dma_start3A_364 : memref<8x128xf32, #tpu.memory_space<hbm>>) target_semaphore(%run_scoped3A : memref<!tpu.dma_semaphore, #tpu.memory_space<semaphore_mem>>)
        %dma_wait3A = arith.constant 0 : i32
        %dma_wait3A_367 = tpu.memref_slice %arg7[%add3A_363, %dma_wait3A] : memref<160x128xf32, #tpu.memory_space<hbm>> -> memref<8x128xf32, #tpu.memory_space<hbm>>
        %dma_wait3A_368 = arith.constant 0 : i32
        %dma_wait3A_369 = tpu.memref_slice %arg20[%mul3A_358, %dma_wait3A_368] : memref<80x128xf32, #tpu.memory_space<vmem_shared>> -> memref<8x128xf32, #tpu.memory_space<vmem_shared>>
        tpu.wait_dma2 semaphore(%run_scoped3A : memref<!tpu.dma_semaphore, #tpu.memory_space<semaphore_mem>>) src(%dma_wait3A_369 : memref<8x128xf32, #tpu.memory_space<vmem_shared>>) dst(%dma_wait3A_367 : memref<8x128xf32, #tpu.memory_space<hbm>>)
        tpu.yield
      }) : () -> ()
    } else {
    }
    return
  }
}

module attributes {stable_mosaic.version = 14 : i64} {
  func.func @_pre_body(%arg0: i32, %arg1: memref<1000x128xf32, #tpu.memory_space<vmem>>, %arg2: memref<128x128xf32, #tpu.memory_space<vmem>>, %arg3: memref<1x128xf32, #tpu.memory_space<vmem>>, %arg4: memref<1000x256xf32, #tpu.memory_space<vmem>>) attributes {dimension_semantics = [#tpu.dimension_semantics<arbitrary>], iteration_bounds = array<i64: 10>, scalar_prefetch = 0 : i64, scratch_operands = 0 : i64, tpu.core_type = #tpu.core_type<tc>, window_params = [{transform_indices = @transform_0, window_bounds = array<i64: 1000, 128>}, {pipeline_mode = #tpu.pipeline_mode<synchronous>, transform_indices = @transform_1, window_bounds = array<i64: 128, 128>}, {pipeline_mode = #tpu.pipeline_mode<synchronous>, transform_indices = @transform_2, window_bounds = array<i64: 1, 128>}, {transform_indices = @transform_3, window_bounds = array<i64: 1000, 256>}]} {
    %get3A = arith.constant 0 : index
    %get3A_0 = arith.constant 0 : index
    %get3A_1 = vector.load %arg1[%get3A, %get3A_0] : memref<1000x128xf32, #tpu.memory_space<vmem>>, vector<1000x128xf32>
    %get3A_2 = arith.constant 0 : index
    %get3A_3 = arith.constant 0 : index
    %get3A_4 = vector.load %arg2[%get3A_2, %get3A_3] : memref<128x128xf32, #tpu.memory_space<vmem>>, vector<128x128xf32>
    %dot_general3A = arith.constant dense<0.000000e+00> : vector<1000x128xf32>
    %dot_general3A_5 = tpu.matmul %get3A_1, %get3A_4, %dot_general3A {dimension_numbers = #tpu.dot_dimension_numbers<[1], [0], [0], [1], [0, 0, 1, 1], [], []>, transpose_lhs_hint = false} : vector<1000x128xf32>, vector<128x128xf32>, vector<1000x128xf32> -> vector<1000x128xf32>
    %get3A_6 = arith.constant 0 : index
    %get3A_7 = arith.constant 0 : index
    %get3A_8 = vector.load %arg3[%get3A_6, %get3A_7] : memref<1x128xf32, #tpu.memory_space<vmem>>, vector<1x128xf32>
    %mul3A = vector.broadcast %get3A_8 : vector<1x128xf32> to vector<1000x128xf32>
    %mul3A_9 = arith.mulf %dot_general3A_5, %mul3A : vector<1000x128xf32>
    %concatenate3A = tpu.concatenate %mul3A_9, %get3A_1 in 1 : vector<1000x128xf32>, vector<1000x128xf32> -> vector<1000x256xf32>
    %swap3A = arith.constant 0 : index
    %swap3A_10 = arith.constant 0 : index
    %swap3A_11 = vector.load %arg4[%swap3A, %swap3A_10] : memref<1000x256xf32, #tpu.memory_space<vmem>>, vector<1000x256xf32>
    tpu.vector_store %arg4[%swap3A, %swap3A_10], %concatenate3A {strides = array<i32>} : memref<1000x256xf32, #tpu.memory_space<vmem>>, vector<1000x256xf32>,
    return
  }
  func.func @transform_0(%arg0: i32) -> (i32, i32) {
    %c0_i32 = arith.constant 0 : i32
    %c0_i32_0 = arith.constant 0 : i32
    return %arg0, %c0_i32 : i32, i32
  }
  func.func @transform_1(%arg0: i32) -> (i32, i32) {
    %c0_i32 = arith.constant 0 : i32
    %c0_i32_0 = arith.constant 0 : i32
    %c0_i32_1 = arith.constant 0 : i32
    return %c0_i32, %c0_i32_0 : i32, i32
  }
  func.func @transform_2(%arg0: i32) -> (i32, i32) {
    %c0_i32 = arith.constant 0 : i32
    %c0_i32_0 = arith.constant 0 : i32
    %c0_i32_1 = arith.constant 0 : i32
    return %c0_i32, %c0_i32_0 : i32, i32
  }
  func.func @transform_3(%arg0: i32) -> (i32, i32) {
    %c0_i32 = arith.constant 0 : i32
    %c0_i32_0 = arith.constant 0 : i32
    return %arg0, %c0_i32 : i32, i32
  }
}

module attributes {stable_mosaic.version = 14 : i64} {
  func.func @_post_body(%arg0: i32, %arg1: memref<1000x128xf32, #tpu.memory_space<vmem>>, %arg2: memref<1000x128xf32, #tpu.memory_space<vmem>>, %arg3: memref<1000x1xf32, #tpu.memory_space<vmem>>, %arg4: memref<1000x1xf32, #tpu.memory_space<vmem>>, %arg5: memref<1x128xf32, #tpu.memory_space<vmem>>, %arg6: memref<1x128xf32, #tpu.memory_space<vmem>>, %arg7: memref<1000x128xf32, #tpu.memory_space<vmem>>) attributes {dimension_semantics = [#tpu.dimension_semantics<arbitrary>], iteration_bounds = array<i64: 10>, scalar_prefetch = 0 : i64, scratch_operands = 0 : i64, tpu.core_type = #tpu.core_type<tc>, window_params = [{transform_indices = @transform_0, window_bounds = array<i64: 1000, 128>}, {transform_indices = @transform_1, window_bounds = array<i64: 1000, 128>}, {transform_indices = @transform_2, window_bounds = array<i64: 1000, 1>}, {transform_indices = @transform_3, window_bounds = array<i64: 1000, 1>}, {pipeline_mode = #tpu.pipeline_mode<synchronous>, transform_indices = @transform_4, window_bounds = array<i64: 1, 128>}, {pipeline_mode = #tpu.pipeline_mode<synchronous>, transform_indices = @transform_5, window_bounds = array<i64: 1, 128>}, {transform_indices = @transform_6, window_bounds = array<i64: 1000, 128>}]} {
    %get3A = arith.constant 0 : index
    %get3A_0 = arith.constant 0 : index
    %get3A_1 = vector.load %arg1[%get3A, %get3A_0] : memref<1000x128xf32, #tpu.memory_space<vmem>>, vector<1000x128xf32>
    %get3A_2 = arith.constant 0 : index
    %get3A_3 = arith.constant 0 : index
    %get3A_4 = vector.load %arg2[%get3A_2, %get3A_3] : memref<1000x128xf32, #tpu.memory_space<vmem>>, vector<1000x128xf32>
    %add3A = arith.addf %get3A_1, %get3A_4 : vector<1000x128xf32>
    %get3A_5 = arith.constant 0 : index
    %get3A_6 = arith.constant 0 : index
    %get3A_7 = vector.load %arg3[%get3A_5, %get3A_6] : memref<1000x1xf32, #tpu.memory_space<vmem>>, vector<1000x1xf32>
    %get3A_8 = arith.constant 0 : index
    %get3A_9 = arith.constant 0 : index
    %get3A_10 = vector.load %arg4[%get3A_8, %get3A_9] : memref<1000x1xf32, #tpu.memory_space<vmem>>, vector<1000x1xf32>
    %add3A_11 = arith.addf %get3A_7, %get3A_10 : vector<1000x1xf32>
    %gt3A = arith.constant 0.000000e+00 : f32
    %gt3A_12 = vector.broadcast %gt3A : f32 to vector<1000x1xf32>
    %gt3A_13 = arith.cmpf ogt, %add3A_11, %gt3A_12 : vector<1000x1xf32>
    %jit3A = arith.constant 1.000000e+00 : f32
    %broadcast_in_dim3A = vector.broadcast %jit3A : f32 to vector<1000x1xf32>
    %select_n3A = arith.select %gt3A_13, %add3A_11, %broadcast_in_dim3A : vector<1000x1xi1>, vector<1000x1xf32>
    %div3A = vector.broadcast %select_n3A : vector<1000x1xf32> to vector<1000x128xf32>
    %div3A_14 = arith.divf %add3A, %div3A : vector<1000x128xf32>
    %max3A = arith.constant 0.000000e+00 : f32
    %max3A_15 = vector.broadcast %max3A : f32 to vector<1000x128xf32>
    %max3A_16 = arith.maximumf %div3A_14, %max3A_15 : vector<1000x128xf32>
    %reduce_sum3A = arith.constant dense<0.000000e+00> : vector<1000xf32>
    %reduce_sum3A_17 = vector.multi_reduction <add>, %max3A_16, %reduce_sum3A [1] : vector<1000x128xf32> to vector<1000xf32>
    %broadcast_in_dim3A_18 = vector.shape_cast %reduce_sum3A_17 : vector<1000xf32> to vector<1000x1xf32>
    %div3A_19 = arith.constant 1.280000e+02 : f32
    %div3A_20 = vector.broadcast %div3A_19 : f32 to vector<1000x1xf32>
    %div3A_21 = arith.divf %broadcast_in_dim3A_18, %div3A_20 : vector<1000x1xf32>
    %sub3A = vector.broadcast %div3A_21 : vector<1000x1xf32> to vector<1000x128xf32>
    %sub3A_22 = arith.subf %max3A_16, %sub3A : vector<1000x128xf32>
    %sub3A_23 = vector.broadcast %div3A_21 : vector<1000x1xf32> to vector<1000x128xf32>
    %sub3A_24 = arith.subf %max3A_16, %sub3A_23 : vector<1000x128xf32>
    %mul3A = arith.mulf %sub3A_22, %sub3A_24 : vector<1000x128xf32>
    %reduce_sum3A_25 = arith.constant dense<0.000000e+00> : vector<1000xf32>
    %reduce_sum3A_26 = vector.multi_reduction <add>, %mul3A, %reduce_sum3A_25 [1] : vector<1000x128xf32> to vector<1000xf32>
    %broadcast_in_dim3A_27 = vector.shape_cast %reduce_sum3A_26 : vector<1000xf32> to vector<1000x1xf32>
    %div3A_28 = arith.constant 1.280000e+02 : f32
    %div3A_29 = vector.broadcast %div3A_28 : f32 to vector<1000x1xf32>
    %div3A_30 = arith.divf %broadcast_in_dim3A_27, %div3A_29 : vector<1000x1xf32>
    %sub3A_31 = vector.broadcast %div3A_21 : vector<1000x1xf32> to vector<1000x128xf32>
    %sub3A_32 = arith.subf %max3A_16, %sub3A_31 : vector<1000x128xf32>
    %add3A_33 = arith.constant 9.99999974E-6 : f32
    %add3A_34 = vector.broadcast %add3A_33 : f32 to vector<1000x1xf32>
    %add3A_35 = arith.addf %div3A_30, %add3A_34 : vector<1000x1xf32>
    %rsqrt3A = math.rsqrt %add3A_35 : vector<1000x1xf32>
    %mul3A_36 = vector.broadcast %rsqrt3A : vector<1000x1xf32> to vector<1000x128xf32>
    %mul3A_37 = arith.mulf %sub3A_32, %mul3A_36 : vector<1000x128xf32>
    %get3A_38 = arith.constant 0 : index
    %get3A_39 = arith.constant 0 : index
    %get3A_40 = vector.load %arg5[%get3A_38, %get3A_39] : memref<1x128xf32, #tpu.memory_space<vmem>>, vector<1x128xf32>
    %mul3A_41 = vector.broadcast %get3A_40 : vector<1x128xf32> to vector<1000x128xf32>
    %mul3A_42 = arith.mulf %mul3A_37, %mul3A_41 : vector<1000x128xf32>
    %get3A_43 = arith.constant 0 : index
    %get3A_44 = arith.constant 0 : index
    %get3A_45 = vector.load %arg6[%get3A_43, %get3A_44] : memref<1x128xf32, #tpu.memory_space<vmem>>, vector<1x128xf32>
    %add3A_46 = vector.broadcast %get3A_45 : vector<1x128xf32> to vector<1000x128xf32>
    %add3A_47 = arith.addf %mul3A_42, %add3A_46 : vector<1000x128xf32>
    %swap3A = arith.constant 0 : index
    %swap3A_48 = arith.constant 0 : index
    %swap3A_49 = vector.load %arg7[%swap3A, %swap3A_48] : memref<1000x128xf32, #tpu.memory_space<vmem>>, vector<1000x128xf32>
    tpu.vector_store %arg7[%swap3A, %swap3A_48], %add3A_47 {strides = array<i32>} : memref<1000x128xf32, #tpu.memory_space<vmem>>, vector<1000x128xf32>,
    return
  }
  func.func @transform_0(%arg0: i32) -> (i32, i32) {
    %c0_i32 = arith.constant 0 : i32
    %c0_i32_0 = arith.constant 0 : i32
    return %arg0, %c0_i32 : i32, i32
  }
  func.func @transform_1(%arg0: i32) -> (i32, i32) {
    %c0_i32 = arith.constant 0 : i32
    %c0_i32_0 = arith.constant 0 : i32
    return %arg0, %c0_i32 : i32, i32
  }
  func.func @transform_2(%arg0: i32) -> (i32, i32) {
    %c0_i32 = arith.constant 0 : i32
    %c0_i32_0 = arith.constant 0 : i32
    return %arg0, %c0_i32 : i32, i32
  }
  func.func @transform_3(%arg0: i32) -> (i32, i32) {
    %c0_i32 = arith.constant 0 : i32
    %c0_i32_0 = arith.constant 0 : i32
    return %arg0, %c0_i32 : i32, i32
  }
  func.func @transform_4(%arg0: i32) -> (i32, i32) {
    %c0_i32 = arith.constant 0 : i32
    %c0_i32_0 = arith.constant 0 : i32
    %c0_i32_1 = arith.constant 0 : i32
    return %c0_i32, %c0_i32_0 : i32, i32
  }
  func.func @transform_5(%arg0: i32) -> (i32, i32) {
    %c0_i32 = arith.constant 0 : i32
    %c0_i32_0 = arith.constant 0 : i32
    %c0_i32_1 = arith.constant 0 : i32
    return %c0_i32, %c0_i32_0 : i32, i32
  }
  func.func @transform_6(%arg0: i32) -> (i32, i32) {
    %c0_i32 = arith.constant 0 : i32
    %c0_i32_0 = arith.constant 0 : i32
    return %arg0, %c0_i32 : i32, i32
  }
}

</mosaic_0001>

<sc_bundles>
// kernel: kernel.5.cloned.1.call-start
scs
__scs_entry_jumppad:
0x0: {  	(pc) =	sbr.rel $0x88, $3  }
0x1: {  	(tag) =	ssettag $0x0;
	lr =	simm.s32 $0x1  }
0x2: {  	[smem:$0x3F9B] =	sst lr;
	_ =	strace $0xD0000000  }
0x3: {  	_ = 	snop  }
0x4: {  	_ = 	snop  }
0x5: {  	_ = 	snop  }
0x6: {  	_ = 	snop  }
0x7: {  	_ = 	snop  }
__scs_overlays_trampoline_lowered:
0x8: {  	[smem:$0x3FAA] =	sst s0  }
0x9: {  	[smem:$0x3FAB] =	sst s1  }
0xa: {  	[smem:$0x3FAC] =	sst s2  }
0xb: {  	[smem:$0x3FAD] =	sst s3  }
0xc: {  	[smem:$0x3FAE] =	sst s4  }
0xd: {  	[smem:$0x3FAF] =	sst s5  }
0xe: {  	[smem:$0x3FB0] =	sst s6  }
0xf: {  	[smem:$0x3FB1] =	sst s7  }
0x10: {  	[smem:$0x3FB2] =	sst s8  }
0x11: {  	[smem:$0x3FB3] =	sst s9;
	s0 =	simm.s32 @!p0 $0x0  }
0x12: {  	s1 =	sld [smem:$0x3F99];
	s0 =	simm.s32 @p0 $0x1  }
0x13: {  	[smem:$0x3FB4] =	sst s0;
	s0 =	simm.s32 @!p1 $0x0  }
0x14: {  	s2 =	sld [smem:$0x3F98];
	s0 =	simm.s32 @p1 $0x1  }
0x15: {  	[smem:$0x3FB5] =	sst s0;
	s0 =	simm.s32 @!p2 $0x0  }
0x16: {  	s3 =	sld [smem:$0x3FDB];
	s0 =	simm.s32 @p2 $0x1  }
0x17: {  	s4 =	simm.s32 $0x1BF5;
	[smem:$0x3FB7] =	sst s0  }
0x18: {  	s0 =	sld [smem:$0x3F9A];
	_ =	swait.ge [sflag:s4], $0x0  }
0x19: {  	s7 =	sld [smem:$0x3F9B]  }
0x1a: {  	s8 =	sadd.s32 $0xFFFFE003, lr  }
0x1b: {  	s9 =	sadd.s32 $0xFFFFFEF7, lr;
	s5 =	simm.s32 $0xFFFFFFFF;
	p2 =	slt.u32 s8, $0xFFFFF086  }
0x1c: {  	p1 =	slt.u32 s9, $0xF7A;
	s5 =	simm.s32 @!p2 $0x0  }
0x1d: {  	s5 =	simm.s32 @p1 $0x1;
	p0 =	seq.s32 s7, s2  }
0x1e: {  	s7 =	smul.u32 @!p0 $0xF7A, s2;
	p2 =	seq.s32 @!p0 s5, $0x0  }
0x1f: {  	s9 =	smul.u32 $0xF7A, s1;
	s8 =	simm.s32 @!p0 $0x1BF5;
	p2 =	por !p2, p0  }
0x20: {  	[sflag:s8] =	ssyncset.s32 @!p0 $0xFFFFF086;
	s6 =	sadd.s32 @!p0 s3, s7;
	s7 =	simm.s32 @!p0 $0x108  }
0x21: {  	s3 =	sadd.s32 s3, s9;
	s6 =	sadd.s32 @!p0 $0x88, s6;
	s7 =	simm.s32 @p2 $0x1082  }
0x22: {  	[simem:s7], [sflag:s8] =	dma.local @!p0 [hbm:s6], $0xF7A  }
0x23: {  	s9 =	sor.u32 $0xD0000000, s2;
	s6 =	simm.s32 $0x108;
	_ =	swait.ge @!p0 [sflag:s8], $0x0  }
0x24: {  	s3 =	sadd.s32 $0x88, s3;
	s6 =	simm.s32 @!p1 $0x1082;
	[sflag:s4] =	ssyncset.s32 $0xFFFFF086  }
0x25: {  	[simem:s6], [sflag:s4] =	dma.local [hbm:s3], $0xF7A  }
0x26: {  	[smem:$0x3F9B] =	sst s1;
	(tag) =	ssettag s2;
	_ =	strace s9  }
0x27: {  	s1 =	sld [smem:$0x3FAB]  }
0x28: {  	s2 =	sld [smem:$0x3FAC]  }
0x29: {  	s4 =	sld [smem:$0x3FAE]  }
0x2a: {  	p0 =	seq.s32 s5, $0x0;
	s5 =	sld [smem:$0x3FAF]  }
0x2b: {  	s6 =	sld [smem:$0x3FB0]  }
0x2c: {  	s7 =	sld [smem:$0x3FB1]  }
0x2d: {  	s3 =	simm.s32 $0x108;
	s8 =	sld [smem:$0x3FB2]  }
0x2e: {  	s3 =	simm.s32 @!p0 $0x1082;
	s9 =	sld [smem:$0x3FB3]  }
0x2f: {  	lr =	sadd.s32 s0, s3;
	s0 =	sld [smem:$0x3FAA]  }
0x30: {  	s3 =	sld [smem:$0x3FAD]  }
0x31: {  	[smem:$0x3FB6] =	sst s10  }
0x32: {  	s10 =	sld [smem:$0x3FB4];
	_ =	sdelay $0x3  }
0x33: {  	p0 =	seq.s32 s10, $0x1;
	s10 =	sld [smem:$0x3FB6];
	_ =	sdelay $0x3  }
0x34: {  	[smem:$0x3FB6] =	sst s10  }
0x35: {  	s10 =	sld [smem:$0x3FB5];
	_ =	sdelay $0x3  }
0x36: {  	p1 =	seq.s32 s10, $0x1;
	s10 =	sld [smem:$0x3FB6];
	_ =	sdelay $0x3  }
0x37: {  	[smem:$0x3FB6] =	sst s10  }
0x38: {  	s10 =	sld [smem:$0x3FB7]  }
0x39: {  	_ = 	snop;
	(pc) =	sbr.ind lr, $3  }
0x3a: {  	_ = 	snop  }
0x3b: {  	_ = 	snop  }
0x3c: {  	p2 =	seq.s32 s10, $0x1;
	s10 =	sld [smem:$0x3FB6]  }
0x3d: {  	_ =	shalt  }
0x3e: {  	_ =	shalt  }
0x3f: {  	_ =	shalt  }
0x40: {  	_ =	shalt  }
0x41: {  	_ =	shalt  }
0x42: {  	_ =	shalt  }
0x43: {  	_ =	shalt  }
0x44: {  	_ =	shalt  }
0x45: {  	_ =	shalt  }
0x46: {  	_ =	shalt  }
0x47: {  	_ =	shalt  }
0x48: {  	_ =	shalt  }
0x49: {  	_ =	shalt  }
0x4a: {  	_ =	shalt  }
0x4b: {  	_ =	shalt  }
0x4c: {  	_ =	shalt  }
0x4d: {  	_ =	shalt  }
0x4e: {  	_ =	shalt  }
0x4f: {  	_ =	shalt  }
0x50: {  	_ =	shalt  }
0x51: {  	_ =	shalt  }
0x52: {  	_ =	shalt  }
0x53: {  	_ =	shalt  }
0x54: {  	_ =	shalt  }
0x55: {  	_ =	shalt  }
0x56: {  	_ =	shalt  }
0x57: {  	_ =	shalt  }
0x58: {  	_ =	shalt  }
0x59: {  	_ =	shalt  }
0x5a: {  	_ =	shalt  }
0x5b: {  	_ =	shalt  }
0x5c: {  	_ =	shalt  }
0x5d: {  	_ =	shalt  }
0x5e: {  	_ =	shalt  }
0x5f: {  	_ =	shalt  }
0x60: {  	_ =	shalt  }
0x61: {  	_ =	shalt  }
0x62: {  	_ =	shalt  }
0x63: {  	_ =	shalt  }
0x64: {  	_ =	shalt  }
0x65: {  	_ =	shalt  }
0x66: {  	_ =	shalt  }
0x67: {  	_ =	shalt  }
0x68: {  	_ =	shalt  }
0x69: {  	_ =	shalt  }
0x6a: {  	_ =	shalt  }
0x6b: {  	_ =	shalt  }
0x6c: {  	_ =	shalt  }
0x6d: {  	_ =	shalt  }
0x6e: {  	_ =	shalt  }
0x6f: {  	_ =	shalt  }
0x70: {  	_ =	shalt  }
0x71: {  	_ =	shalt  }
0x72: {  	_ =	shalt  }
0x73: {  	_ =	shalt  }
0x74: {  	_ =	shalt  }
0x75: {  	_ =	shalt  }
0x76: {  	_ =	shalt  }
0x77: {  	_ =	shalt  }
0x78: {  	_ =	shalt  }
0x79: {  	_ =	shalt  }
0x7a: {  	_ =	shalt  }
0x7b: {  	_ =	shalt  }
0x7c: {  	_ =	shalt  }
0x7d: {  	_ =	shalt  }
0x7e: {  	_ =	shalt  }
0x7f: {  	_ =	shalt  }
0x80: {  	_ =	shalt  }
0x81: {  	_ =	shalt  }
0x82: {  	_ =	shalt  }
0x83: {  	_ =	shalt  }
0x84: {  	_ =	shalt  }
0x85: {  	_ =	shalt  }
0x86: {  	_ =	shalt  }
0x87: {  	_ =	shalt  }
.Lfunc_end0:
.L_simem_size_0:
called_computation_lowered:
.L_overlay_start_0:
0x88: {  	s2 =	sld [smem:$0x3FD9]  }
0x89: {  	s3 =	sld [smem:$0x3FFE];
	_ =	sdelay $0x1  }
0x8a: {  	s1 =	srdreg.scid  }
0x8b: {  	s0 =	sand.u32 $0x1, s1  }
0x8c: {  	s17 =	sshll.u32 s0, $0xA;
	s2 =	sadd.s32 s3, s2  }
0x8d: {  	s2 =	sadd.s32 s2, s17  }
0x8e: {  	[smem:$0x3FC2] =	sst s2  }
0x8f: {  	_ = 	snop  }
0x90: {  	s2 =	sld [smem:$0x3FC9]  }
0x91: {  	s18 =	sld [smem:$0x3FD0];
	(tm) =	ssettm $0x1  }
0x92: {  	s4 =	sld [smem:$0x3FFB];
	_ =	sdelay $0x3  }
0x93: {  	_ =	strace s4  }
0x94: {  	s4 =	sld [smem:$0x3FFC];
	_ =	sdelay $0x3  }
0x95: {  	_ =	strace s4  }
0x96: {  	s4 =	sld [smem:$0x3FFD];
	_ =	sdelay $0x3  }
0x97: {  	_ =	strace s4  }
0x98: {  	_ =	strace $0x8FFFFFFF  }
0x99: {  	s19 =	sld [smem:$0x3FDB];
	_ =	sdelay $0x1  }
0x9a: {  	s5 =	simm.s32 $_scs_section_size  }
0x9b: {  	s6 =	simm.s32 $_size__tile_overlayer_lowered;
	s7 =	simm.s32 $_tile_overlayer_lowered  }
0x9c: {  	s22 =	simm.s32 $0x1BFF;
	s21 =	sshll.u32 s7, $0x1;
	s4 =	sadd.s32 s5, s19  }
0x9d: {  	s8 =	simm.s32 $0x0;
	s20 =	sshll.u32 s6, $0x1;
	s6 =	sadd.s32 s21, s4  }
0x9e: {  	[timem:s8], [sflag:s22] =	dma.local [hbm:s6], s20  }
0x9f: {  	_ =	swait.ge [sflag:s22], s20  }
0xa0: {  	s5 =	ssub.s32 $0x0, s20;
	[sflag:s22] =	ssyncset.done $0x0  }
0xa1: {  	[sflag:s22] =	ssyncadd.s32 s5;
	_ =	sdelay $0x1  }
0xa2: {  	s23 =	simm.s32 $0x1B8B  }
0xa3: {  	_ =	swait.ge [sflag:s23], $0x1  }
0xa4: {  	[sflag:s23] =	ssyncset.done $0x0  }
0xa5: {  	s25 =	simm.s32 $0x1B8E;
	s24 =	sld [smem:$0x3FFE];
	[sflag:s23] =	ssyncadd.s32 $0xFFFFFFFF  }
0xa6: {  	s26 =	simm.s32 $execute0_lowered;
	[smem:$0x3FD2] =	sst s25  }
0xa7: {  	s6 =	sshll.u32 s26, $0x1;
	_ =	strace $0x80000046;
	[dreg:$0x1] =	wrdreg $0xFFFFFFFF  }
0xa8: {  	s28 =	simm.s32 $_size_execute0_lowered;
	s4 =	sadd.s32 s4, s6;
	[dreg:$0x0] =	wrdreg $0x0  }
0xa9: {  	s6 =	sshll.u32 s28, $0x1;
	[dreg:$0x2] =	wrdreg s4  }
0xaa: {  	[dreg:$0x3] =	wrdreg s6  }
0xab: {  	[dreg:$0x4] =	wrdreg $0xC0  }
0xac: {  	_ =	task [dreg:s8], $0x5FFFF  }
0xad: {  	[dreg:$0x1] =	wrdreg $0xFFFFFFFF  }
0xae: {  	[dreg:$0x0] =	wrdreg $0x60  }
0xaf: {  	[dreg:$0x2] =	wrdreg s24  }
0xb0: {  	[dreg:$0x3] =	wrdreg s2  }
0xb1: {  	[dreg:$0x4] =	wrdreg s18  }
0xb2: {  	[dreg:$0x5] =	wrdreg $0x9D800  }
0xb3: {  	[dreg:$0x6] =	wrdreg $0x1DD800  }
0xb4: {  	[dreg:$0x7] =	wrdreg $0x9  }
0xb5: {  	_ =	task.clear_ibuf [dreg:s8], $0x8FFFF;
	_ =	strace $0x90000046  }
0xb6: {  	s29 =	simm.s32 $0x9;
	_ =	strace $0x80000048  }
0xb7: {  	_ =	swait.ge [sflag:s29], $0x1  }
0xb8: {  	[sflag:s29] =	ssyncadd.s32 $0xFFFFFFFF  }
0xb9: {  	_ =	strace $0x90000048  }
0xba: {  	_ =	sfence  }
0xbb: {  	s30 =	sld [smem:$0x0];
	_ =	sdelay $0x2  }
0xbc: {  	s31 =	sshll.u32 s1, $0xD;
	s1 =	sshrl.u32 s1, $0x2  }
0xbd: {  	s3 =	sand.u32 $0x4000, s31;
	s1 =	sadd.s32 s1, s30  }
0xbe: {  	s0 =	sor.u32 s3, s0;
	s1 =	sshll.u32 s1, $0x11  }
0xbf: {  	s0 =	sor.u32 s1, s0  }
0xc0: {  	s0 =	sadd.s32 $0x8F2B, s0  }
0xc1: {  	[sflag:s0] =	ssyncadd.remote.s32 $0x1  }
0xc2: {  	_ =	sfence.sel $0xFFFF  }
0xc3: {  	[dreg:$0x0] =	wrdreg $0xFFFFFFFF;
	(pc) =	sbr.abs _section_cstart, $3  }
0xc4: {  	[dreg:$0x1] =	wrdreg $0xFFFFFFFF  }
0xc5: {  	_ =	task.clear_ibuf [dreg:s8], $0x2FFFF;
	_ =	strace $0x9FFFFFFF  }
0xc6: {  	(tm) =	ssettm $0x7FFFFFFF  }
0xc7: {  	_ =	shalt  }
tec
execute0_lowered:
.L_overlay_start_1:
0x0: {  	(tag) =	ssettag $0x1  }
0x1: {  	s0 =	rddreg [dreg:$0x0]  }
0x2: {  	s1 =	rddreg [dreg:$0x1]  }
0x3: {  	s2 =	rddreg [dreg:$0x2]  }
0x4: {  	s4 =	rddreg [dreg:$0x3];
	s3 =	srdreg.scid  }
0x5: {  	s6 =	stileid.u32;
	s13 =	rddreg [dreg:$0x4]  }
0x6: {  	s7 =	simm.s32 $0x0;
	s3 =	sand.u32 $0x1, s3;
	s12 =	smul.u32 $0x50000, s6  }
0x7: {  	s5 =	smul.u32 $0x280, s6;
	[smem:$0x7FF] =	sst s7;
	s10 =	sshll.u32 s6, $0xA  }
0x8: {  	s9 =	smul.u32 $0x2800, s3;
	s25 =	sadd.s32 s10, s13;
	s18 =	sshrl.u32 s12, $0x2  }
0x9: {  	_ =	strace $0x80000047;
	[dreg:$0x7] =	wrdreg s25;
	s24 =	sadd.s32 s18, s4  }
0xa: {  	s28 =	sadd.s32 $0x2000, s24;
	[dreg:$0x6] =	wrdreg s24  }
0xb: {  	s5 =	sadd.s32 s5, s9;
	s29 =	sadd.s32 $0x3000, s24;
	[dreg:$0x1f] =	wrdreg s28  }
0xc: {  	s5 =	sshll.u32 s5, $0x4;
	s30 =	sadd.s32 $0x4000, s24;
	[smem:$0x7FB] =	sst s29  }
0xd: {  	s31 =	sadd.s32 $0x5000, s24;
	s5 =	sadd.s32 s5, s0;
	[smem:$0x7FC] =	sst s30  }
0xe: {  	[smem:$0x7FD] =	sst s31;
	s19 =	sadd.s32 $0x59200, s5  }
0xf: {  	s20 =	sadd.s32 $0x59400, s5;
	[dreg:$0x8] =	wrdreg s19  }
0x10: {  	s21 =	sadd.s32 $0x59600, s5;
	[dreg:$0x9] =	wrdreg s20  }
0x11: {  	s22 =	sadd.s32 $0x59800, s5;
	[dreg:$0xa] =	wrdreg s21  }
0x12: {  	s23 =	sadd.s32 $0x59A00, s5;
	[dreg:$0xb] =	wrdreg s22  }
0x13: {  	s7 =	sadd.s32 $0xB000, s0;
	s26 =	sadd.s32 $0x59C00, s5;
	[dreg:$0xc] =	wrdreg s23  }
0x14: {  	s9 =	sadd.s32 s9, s10;
	s10 =	sadd.s32 $0x59E00, s5;
	[dreg:$0xd] =	wrdreg s26  }
0x15: {  	s8 =	sadd.s32 $0x1200, s0;
	s12 =	sadd.s32 $0x5A000, s5;
	[dreg:$0xe] =	wrdreg s10  }
0x16: {  	s11 =	ssub.s32 $0x2, s3;
	s13 =	sadd.s32 $0x5A200, s5;
	[dreg:$0xf] =	wrdreg s12  }
0x17: {  	s17 =	sshrl.u32 s11, $0x1;
	s14 =	sadd.s32 $0x5A400, s5;
	[dreg:$0x10] =	wrdreg s13  }
0x18: {  	s9 =	sshrl.u32 s9, $0x3;
	s15 =	sadd.s32 $0x5A600, s5;
	[dreg:$0x11] =	wrdreg s14  }
0x19: {  	s0 =	sadd.s32 s9, s0;
	s16 =	sadd.s32 $0x5A800, s5;
	[dreg:$0x12] =	wrdreg s15  }
0x1a: {  	s9 =	ssub.s32 s11, s17;
	s17 =	sadd.s32 $0x5AA00, s5;
	[dreg:$0x13] =	wrdreg s16  }
0x1b: {  	s18 =	sadd.s32 $0x5AC00, s5;
	[dreg:$0x14] =	wrdreg s17  }
0x1c: {  	s0 =	sadd.s32 $0xA9200, s0;
	[dreg:$0x15] =	wrdreg s18  }
0x1d: {  	s19 =	sadd.s32 $0x5AE00, s5;
	[dreg:$0x1c] =	wrdreg s0  }
0x1e: {  	s20 =	sadd.s32 $0x5B000, s5;
	[dreg:$0x16] =	wrdreg s19  }
0x1f: {  	s21 =	sadd.s32 $0x5B200, s5;
	[dreg:$0x17] =	wrdreg s20  }
0x20: {  	s22 =	sadd.s32 $0x5B400, s5;
	[dreg:$0x18] =	wrdreg s21  }
0x21: {  	s23 =	sadd.s32 $0x5B600, s5;
	[dreg:$0x19] =	wrdreg s22  }
0x22: {  	s26 =	sadd.s32 $0x5B800, s5;
	[dreg:$0x1a] =	wrdreg s23  }
0x23: {  	s5 =	smax.u32 s9, $0x1;
	[dreg:$0x1b] =	wrdreg s26  }
0x24: {  	s9 =	sadd.s32 $0x6000, s24;
	[dreg:$0x1d] =	wrdreg s5  }
0x25: {  	s10 =	sadd.s32 $0x7000, s24;
	[smem:$0x7ED] =	sst s9  }
0x26: {  	s12 =	sadd.s32 $0x8000, s24;
	[smem:$0x7EE] =	sst s10  }
0x27: {  	p0 =	sgt.u32 s6, $0x9;
	s13 =	sadd.s32 $0x9000, s24;
	[smem:$0x7EF] =	sst s12  }
0x28: {  	s3 =	sshll.u32 s3, $0x4;
	s14 =	sadd.s32 $0xA000, s24;
	[smem:$0x7F0] =	sst s13  }
0x29: {  	s3 =	sor.u32 s6, s3;
	s15 =	sadd.s32 $0xB000, s24;
	[smem:$0x7F1] =	sst s14  }
0x2a: {  	s11 =	smul.u32 $0x2710, s3;
	s16 =	sadd.s32 $0xC000, s24;
	[smem:$0x7F2] =	sst s15  }
0x2b: {  	s3 =	simm.s32 $0x5100;
	s17 =	sadd.s32 $0xD000, s24;
	[smem:$0x7F3] =	sst s16  }
0x2c: {  	s18 =	sadd.s32 $0xE000, s24;
	s0 =	simm.s32 $0x80;
	[smem:$0x7F4] =	sst s17  }
0x2d: {  	s26 =	sadd.s32 $0x1000, s24;
	[smem:$0x7F5] =	sst s18;
	s19 =	sadd.s32 $0xF000, s24  }
0x2e: {  	s20 =	sadd.s32 $0x10000, s24;
	s21 =	sadd.s32 $0x11000, s24;
	s22 =	sadd.s32 $0x12000, s24  }
0x2f: {  	s23 =	sadd.s32 $0x13000, s24;
	s5 =	simm.s32 $0x3;
	[smem:$0x7F6] =	sst s19  }
0x30: {  	s10 =	simm.s32 $0x100;
	s12 =	simm.s32 $0x900;
	[smem:$0x7F7] =	sst s20  }
0x31: {  	v0 =	vimm.f32 $0.0e+00;
	v1 =	vlaneseq.u32;
	s13 =	simm.s32 $0x1100;
	s14 =	simm.s32 $0x1900;
	[smem:$0x7F8] =	sst s21  }
0x32: {  	vm0 =	vmmov $0xffff;
	v10 =	vimm.s32 $0x0;
	v2 =	vor.u32 $0x10, v1;
	s15 =	simm.s32 $0x2100;
	s16 =	simm.s32 $0x28;
	[smem:$0x7F9] =	sst s22  }
0x33: {  	v3 =	vor.u32 $0x20, v1;
	v4 =	vor.u32 $0x30, v1;
	v6 =	vmul.u32 $0x80, v1;
	s17 =	simm.s32 $0x2900;
	s18 =	simm.s32 $0x1;
	[smem:$0x7FA] =	sst s23  }
0x34: {  	v5 =	vor.u32 $0x40, v1;
	v8 =	vshrl.u32 v1, $0x3;
	v7 =	vand.u32 $0x7, v1;
	s19 =	simm.s32 $0x2;
	s20 =	simm.s32 $0x6100;
	s21 =	simm.s32 $0x7500  }
0x35: {  	v9 =	vor.u32 $0x8, v1;
	v8 =	vmul.u32 $0x8, v8;
	v11 =	vor.u32 $0x800, v6;
	s22 =	simm.s32 $0x3D00;
	s23 =	simm.s32 $0x0;
	[dreg:$0x1e] =	wrdreg s26  }
.LBB2_1:
0x36: {  	[smem:$0x7EC] =	sst s23;
	s9 =	simm.s32 $0x0;
	s23 =	simm.s32 $0x200  }
.LBB2_2:
0x37: {  	p1 =	sne.s32 s23, $0x3E00;
	[tilespmem:s9+$0x5170] =	vst v0  }
0x38: {  	[tilespmem:s9+$0x5100] =	vst v0  }
0x39: {  	[tilespmem:s9+$0x5110] =	vst v0  }
.Ltmp0:
0x3a: {  	[tilespmem:s9+$0x5120] =	vst v0;
	(pc) =	sbr.rel @p1 .LBB2_2-.Ltmp0, $4  }
0x3b: {  	[tilespmem:s9+$0x5130] =	vst v0  }
0x3c: {  	[tilespmem:s9+$0x5140] =	vst v0  }
0x3d: {  	[tilespmem:s9+$0x5150] =	vst v0  }
0x3e: {  	[tilespmem:s9+$0x5160] =	vst v0;
	s9 =	sshra.s32 s23, $0x2;
	s23 =	sadd.s32 $0x200, s23  }
0x3f: {  	[tilespmem:s9+$0x5170] =	vst v0  }
0x40: {  	[tilespmem:s9+$0x5100] =	vst v0  }
0x41: {  	[tilespmem:s9+$0x5110] =	vst v0  }
0x42: {  	[tilespmem:s9+$0x5120] =	vst v0  }
0x43: {  	[tilespmem:s9+$0x5130] =	vst v0  }
0x44: {  	[tilespmem:s9+$0x5140] =	vst v0  }
0x45: {  	[tilespmem:s9+$0x5150] =	vst v0  }
0x46: {  	[tilespmem:s9+$0x5160] =	vst v0;
	s9 =	simm.s32 $0x0;
	s23 =	simm.s32 $0x200  }
.LBB2_4:
0x47: {  	p1 =	sne.s32 s23, $0x9E00;
	[tilespmem:s9+$0x7570] =	vst v0  }
0x48: {  	[tilespmem:s9+$0x7500] =	vst v0  }
0x49: {  	[tilespmem:s9+$0x7510] =	vst v0  }
.Ltmp1:
0x4a: {  	[tilespmem:s9+$0x7520] =	vst v0;
	(pc) =	sbr.rel @p1 .LBB2_4-.Ltmp1, $4  }
0x4b: {  	[tilespmem:s9+$0x7530] =	vst v0  }
0x4c: {  	[tilespmem:s9+$0x7540] =	vst v0  }
0x4d: {  	[tilespmem:s9+$0x7550] =	vst v0  }
0x4e: {  	[tilespmem:s9+$0x7560] =	vst v0;
	s9 =	sshra.s32 s23, $0x2;
	s23 =	sadd.s32 $0x200, s23  }
0x4f: {  	[tilespmem:s9+$0x7570] =	vst v0  }
0x50: {  	[tilespmem:s9+$0x7500] =	vst v0  }
0x51: {  	[tilespmem:s9+$0x7510] =	vst v0  }
0x52: {  	[tilespmem:s9+$0x7520] =	vst v0  }
0x53: {  	[tilespmem:s9+$0x7530] =	vst v0  }
0x54: {  	[tilespmem:s9+$0x7540] =	vst v0  }
0x55: {  	[tilespmem:s9+$0x7550] =	vst v0  }
0x56: {  	[tilespmem:s9+$0x7560] =	vst v0  }
0x57: {  	[tilespmem:$0x9D00] =	vst v1  }
0x58: {  	[tilespmem:$0x9D10] =	vst v2  }
0x59: {  	[tilespmem:$0x9D20] =	vst v3  }
0x5a: {  	[tilespmem:$0x9D30] =	vst v4  }
0x5b: {  	[tilespmem:$0x9D40] =	vst v5  }
0x5c: {  	[spmem:s24] =	stream.linear.scatter [tilespmem:s3], [sflag:$0x3], $0x1000, $0x38;
	[tilespmem:$0x1E000] =	vst v63  }
0x5d: {  	_ =	swait.ge [sflag:s5], $0x1000  }
0x5e: {  	[sflag:s5] =	ssyncset.done $0x0  }
0x5f: {  	[sflag:s5] =	ssyncadd.s32 $0xFFFFF000  }
0x60: {  	[spmem:s26] =	stream.linear.scatter [tilespmem:s3], [sflag:$0x3], $0x1000, $0x38;
	[tilespmem:$0x1E000] =	vst v63  }
0x61: {  	_ =	swait.ge [sflag:s5], $0x1000  }
0x62: {  	[sflag:s5] =	ssyncset.done $0x0  }
0x63: {  	[sflag:s5] =	ssyncadd.s32 $0xFFFFF000  }
0x64: {  	[spmem:s28] =	stream.linear.scatter [tilespmem:s3], [sflag:$0x3], $0x1000, $0x38;
	[tilespmem:$0x1E000] =	vst v63  }
0x65: {  	_ =	swait.ge [sflag:s5], $0x1000  }
0x66: {  	[sflag:s5] =	ssyncset.done $0x0  }
0x67: {  	[sflag:s5] =	ssyncadd.s32 $0xFFFFF000  }
0x68: {  	[spmem:s29] =	stream.linear.scatter [tilespmem:s3], [sflag:$0x3], $0x1000, $0x38;
	[tilespmem:$0x1E000] =	vst v63  }
0x69: {  	_ =	swait.ge [sflag:s5], $0x1000  }
0x6a: {  	[sflag:s5] =	ssyncset.done $0x0  }
0x6b: {  	[sflag:s5] =	ssyncadd.s32 $0xFFFFF000  }
0x6c: {  	[spmem:s30] =	stream.linear.scatter [tilespmem:s3], [sflag:$0x3], $0x1000, $0x38;
	[tilespmem:$0x1E000] =	vst v63  }
0x6d: {  	_ =	swait.ge [sflag:s5], $0x1000  }
0x6e: {  	[sflag:s5] =	ssyncset.done $0x0  }
0x6f: {  	[sflag:s5] =	ssyncadd.s32 $0xFFFFF000  }
0x70: {  	[spmem:s31] =	stream.linear.scatter [tilespmem:s3], [sflag:$0x3], $0x1000, $0x38;
	[tilespmem:$0x1E000] =	vst v63  }
0x71: {  	_ =	swait.ge [sflag:s5], $0x1000  }
0x72: {  	s6 =	sld [smem:$0x7ED]  }
0x73: {  	[sflag:s5] =	ssyncset.done $0x0  }
0x74: {  	[sflag:s5] =	ssyncadd.s32 $0xFFFFF000  }
0x75: {  	[spmem:s6] =	stream.linear.scatter [tilespmem:s3], [sflag:$0x3], $0x1000, $0x38;
	[tilespmem:$0x1E000] =	vst v63  }
0x76: {  	_ =	swait.ge [sflag:s5], $0x1000  }
0x77: {  	s26 =	sld [smem:$0x7EE]  }
0x78: {  	[sflag:s5] =	ssyncset.done $0x0  }
0x79: {  	[sflag:s5] =	ssyncadd.s32 $0xFFFFF000  }
0x7a: {  	[spmem:s26] =	stream.linear.scatter [tilespmem:s3], [sflag:$0x3], $0x1000, $0x38;
	[tilespmem:$0x1E000] =	vst v63  }
0x7b: {  	_ =	swait.ge [sflag:s5], $0x1000  }
0x7c: {  	s28 =	sld [smem:$0x7EF]  }
0x7d: {  	[sflag:s5] =	ssyncset.done $0x0  }
0x7e: {  	[sflag:s5] =	ssyncadd.s32 $0xFFFFF000  }
0x7f: {  	[spmem:s28] =	stream.linear.scatter [tilespmem:s3], [sflag:$0x3], $0x1000, $0x38;
	[tilespmem:$0x1E000] =	vst v63  }
0x80: {  	_ =	swait.ge [sflag:s5], $0x1000  }
0x81: {  	s29 =	sld [smem:$0x7F0]  }
0x82: {  	[sflag:s5] =	ssyncset.done $0x0  }
0x83: {  	[sflag:s5] =	ssyncadd.s32 $0xFFFFF000  }
0x84: {  	[spmem:s29] =	stream.linear.scatter [tilespmem:s3], [sflag:$0x3], $0x1000, $0x38;
	[tilespmem:$0x1E000] =	vst v63  }
0x85: {  	_ =	swait.ge [sflag:s5], $0x1000  }
0x86: {  	s30 =	sld [smem:$0x7F1]  }
0x87: {  	[sflag:s5] =	ssyncset.done $0x0  }
0x88: {  	[sflag:s5] =	ssyncadd.s32 $0xFFFFF000  }
0x89: {  	[spmem:s30] =	stream.linear.scatter [tilespmem:s3], [sflag:$0x3], $0x1000, $0x38;
	[tilespmem:$0x1E000] =	vst v63  }
0x8a: {  	_ =	swait.ge [sflag:s5], $0x1000  }
0x8b: {  	s31 =	sld [smem:$0x7F2]  }
0x8c: {  	[sflag:s5] =	ssyncset.done $0x0  }
0x8d: {  	[sflag:s5] =	ssyncadd.s32 $0xFFFFF000  }
0x8e: {  	[spmem:s31] =	stream.linear.scatter [tilespmem:s3], [sflag:$0x3], $0x1000, $0x38;
	[tilespmem:$0x1E000] =	vst v63  }
0x8f: {  	_ =	swait.ge [sflag:s5], $0x1000  }
0x90: {  	s9 =	sld [smem:$0x7F3]  }
0x91: {  	[sflag:s5] =	ssyncset.done $0x0  }
0x92: {  	[sflag:s5] =	ssyncadd.s32 $0xFFFFF000  }
0x93: {  	[spmem:s9] =	stream.linear.scatter [tilespmem:s3], [sflag:$0x3], $0x1000, $0x38;
	[tilespmem:$0x1E000] =	vst v63  }
0x94: {  	_ =	swait.ge [sflag:s5], $0x1000  }
0x95: {  	s23 =	sld [smem:$0x7F4]  }
0x96: {  	[sflag:s5] =	ssyncset.done $0x0  }
0x97: {  	[sflag:s5] =	ssyncadd.s32 $0xFFFFF000  }
0x98: {  	[spmem:s23] =	stream.linear.scatter [tilespmem:s3], [sflag:$0x3], $0x1000, $0x38;
	[tilespmem:$0x1E000] =	vst v63  }
0x99: {  	_ =	swait.ge [sflag:s5], $0x1000  }
0x9a: {  	s24 =	sld [smem:$0x7F5]  }
0x9b: {  	[sflag:s5] =	ssyncset.done $0x0  }
0x9c: {  	[sflag:s5] =	ssyncadd.s32 $0xFFFFF000  }
0x9d: {  	[spmem:s24] =	stream.linear.scatter [tilespmem:s3], [sflag:$0x3], $0x1000, $0x38;
	[tilespmem:$0x1E000] =	vst v63  }
0x9e: {  	_ =	swait.ge [sflag:s5], $0x1000  }
0x9f: {  	s26 =	sld [smem:$0x7F6]  }
0xa0: {  	[sflag:s5] =	ssyncset.done $0x0  }
0xa1: {  	[sflag:s5] =	ssyncadd.s32 $0xFFFFF000  }
0xa2: {  	[spmem:s26] =	stream.linear.scatter [tilespmem:s3], [sflag:$0x3], $0x1000, $0x38;
	[tilespmem:$0x1E000] =	vst v63  }
0xa3: {  	_ =	swait.ge [sflag:s5], $0x1000  }
0xa4: {  	s28 =	sld [smem:$0x7F7]  }
0xa5: {  	[sflag:s5] =	ssyncset.done $0x0  }
0xa6: {  	[sflag:s5] =	ssyncadd.s32 $0xFFFFF000  }
0xa7: {  	[spmem:s28] =	stream.linear.scatter [tilespmem:s3], [sflag:$0x3], $0x1000, $0x38;
	[tilespmem:$0x1E000] =	vst v63  }
0xa8: {  	_ =	swait.ge [sflag:s5], $0x1000  }
0xa9: {  	s29 =	sld [smem:$0x7F8]  }
0xaa: {  	[sflag:s5] =	ssyncset.done $0x0  }
0xab: {  	[sflag:s5] =	ssyncadd.s32 $0xFFFFF000  }
0xac: {  	[spmem:s29] =	stream.linear.scatter [tilespmem:s3], [sflag:$0x3], $0x1000, $0x38;
	[tilespmem:$0x1E000] =	vst v63  }
0xad: {  	_ =	swait.ge [sflag:s5], $0x1000  }
0xae: {  	s30 =	sld [smem:$0x7F9]  }
0xaf: {  	[sflag:s5] =	ssyncset.done $0x0  }
0xb0: {  	[sflag:s5] =	ssyncadd.s32 $0xFFFFF000  }
0xb1: {  	[spmem:s30] =	stream.linear.scatter [tilespmem:s3], [sflag:$0x3], $0x1000, $0x38;
	[tilespmem:$0x1E000] =	vst v63  }
0xb2: {  	_ =	swait.ge [sflag:s5], $0x1000  }
0xb3: {  	s31 =	sld [smem:$0x7FA]  }
0xb4: {  	[sflag:s5] =	ssyncset.done $0x0  }
0xb5: {  	[sflag:s5] =	ssyncadd.s32 $0xFFFFF000  }
0xb6: {  	[spmem:s31] =	stream.linear.scatter [tilespmem:s3], [sflag:$0x3], $0x1000, $0x38;
	[tilespmem:$0x1E000] =	vst v63  }
0xb7: {  	_ =	swait.ge [sflag:s5], $0x1000  }
0xb8: {  	[sflag:s5] =	ssyncset.done $0x0  }
0xb9: {  	s9 =	simm.s32 @!p0 $0x5100;
	[sflag:s5] =	ssyncadd.s32 $0xFFFFF000  }
0xba: {  	[spmem:s25] =	stream.linear.scatter @!p0 [tilespmem:s9], [sflag:$0x3], $0x400, $0x38;
	[tilespmem:$0x1E000] =	vst v63  }
0xbb: {  	s9 =	simm.s32 @!p0 $0x3  }
0xbc: {  	_ =	swait.ge @!p0 [sflag:s9], $0x400  }
0xbd: {  	[sflag:s9] =	ssyncset.done @!p0 $0x0  }
0xbe: {  	[sflag:s9] =	ssyncadd.s32 @!p0 $0xFFFFFC00  }
0xbf: {  	s24 =	simm.s32 $0x0;
	s25 =	simm.s32 $0x0;
	[bflag:$0x0] =	sbarrier.arrive $0xFFFF  }
.LBB2_6:
0xc0: {  	s9 =	smul.u32 $0x28, s25;
	_ =	sdelay $0x1  }
0xc1: {  	s9 =	sadd.s32 s11, s9  }
0xc2: {  	s9 =	sshrl.u32 s9, $0x3  }
0xc3: {  	s23 =	sadd.s32 s8, s9  }
0xc4: {  	[tilespmem:s24], [sflag:$0x3] =	stream.linear.gather [hbm4b:s23+s24], $0x28, $0x38;
	[tilespmem:$0x1E000] =	vst v63  }
0xc5: {  	_ =	swait.ge [sflag:s5], $0x28  }
0xc6: {  	[sflag:s5] =	ssyncset.done $0x0  }
0xc7: {  	s9 =	sadd.s32 s2, s9;
	[sflag:s5] =	ssyncadd.s32 $0xFFFFFFD8  }
0xc8: {  	[tilespmem:s0], [sflag:$0x3] =	stream.linear.gather [hbm4b:s9+s24], $0x28, $0x38;
	[tilespmem:$0x1E000] =	vst v63  }
0xc9: {  	_ =	swait.ge [sflag:s5], $0x28  }
0xca: {  	[sflag:s5] =	ssyncset.done $0x0  }
0xcb: {  	[sflag:s5] =	ssyncadd.s32 $0xFFFFFFD8  }
0xcc: {  	v12 =	vld [tilespmem:$0x0];
	_ =	sdelay $0x4  }
0xcd: {  	v13 =	vshll.u32 v12, $0x1  }
0xce: {  	v12 =	vand.u32 $0x7, v12;
	v13 =	vand.u32 $0xFFFFFFF0, v13  }
0xcf: {  	v12 =	vor.u32 v12, v13  }
0xd0: {  	v13 =	vperm.xlane v12, v7;
	_ =	sdelay $0x1  }
0xd1: {  	v12 =	vperm.xlane v12, v9;
	v13 =	vadd.s32 v8, v13;
	_ =	sdelay $0x1  }
0xd2: {  	v12 =	vadd.s32 v8, v12;
	_ =	sdelay $0x2  }
0xd3: {  	[tilespmem:s10], [sflag:$0x1] =	stream.indirect_vreg.gather [hbm4b:s7+s24], $0x80, v13, vm0, $0xb8;
	[tilespmem:$0x1E000] =	vst v63  }
0xd4: {  	_ = 	snop  }
0xd5: {  	[tilespmem:s12], [sflag:$0x1] =	stream.indirect_vreg.gather [hbm4b:s7+s24], $0x80, v12, vm0, $0xb8;
	[tilespmem:$0x1E000] =	vst v63  }
0xd6: {  	v12 =	vld [tilespmem:$0x10];
	_ =	sdelay $0x4  }
0xd7: {  	v13 =	vshll.u32 v12, $0x1  }
0xd8: {  	v12 =	vand.u32 $0x7, v12;
	v13 =	vand.u32 $0xFFFFFFF0, v13  }
0xd9: {  	v12 =	vor.u32 v12, v13  }
0xda: {  	v13 =	vperm.xlane v12, v7;
	_ =	sdelay $0x1  }
0xdb: {  	v12 =	vperm.xlane v12, v9;
	v13 =	vadd.s32 v8, v13;
	_ =	sdelay $0x1  }
0xdc: {  	v12 =	vadd.s32 v8, v12;
	_ =	sdelay $0x2  }
0xdd: {  	[tilespmem:s13], [sflag:$0x1] =	stream.indirect_vreg.gather [hbm4b:s7+s24], $0x80, v13, vm0, $0xb8;
	[tilespmem:$0x1E000] =	vst v63  }
0xde: {  	_ = 	snop  }
0xdf: {  	[tilespmem:s14], [sflag:$0x1] =	stream.indirect_vreg.gather [hbm4b:s7+s24], $0x80, v12, vm0, $0xb8;
	[tilespmem:$0x1E000] =	vst v63  }
0xe0: {  	v12 =	vld.msk [tilespmem:$0x20], $0xff;
	_ =	sdelay $0x4  }
0xe1: {  	v13 =	vshll.u32 v12, $0x1  }
0xe2: {  	v12 =	vand.u32 $0x7, v12;
	v13 =	vand.u32 $0xFFFFFFF0, v13  }
0xe3: {  	v12 =	vor.u32 v12, v13  }
0xe4: {  	v12 =	vperm.xlane v12, v7;
	_ =	sdelay $0x1  }
0xe5: {  	v12 =	vadd.s32 v8, v12;
	_ =	sdelay $0x4  }
0xe6: {  	[tilespmem:s15], [sflag:$0x1] =	stream.indirect_vreg.gather [hbm4b:s7+s24], $0x80, v12, vm0, $0xb8;
	[tilespmem:$0x1E000] =	vst v63  }
0xe7: {  	_ = 	snop  }
0xe8: {  	[tilespmem:s17], [sflag:$0x2] =	stream.indirect.gather [hbm4b:s1+s16], $0x80, s0, s16, $0xb8;
	[tilespmem:$0x1E000] =	vst v63  }
0xe9: {  	_ =	swait.ge [sflag:s18], $0x2800  }
0xea: {  	[sflag:s18] =	ssyncset.done $0x0  }
0xeb: {  	[sflag:s18] =	ssyncadd.s32 $0xFFFFD800  }
0xec: {  	_ =	swait.ge [sflag:s19], $0x1400  }
0xed: {  	[sflag:s19] =	ssyncset.done $0x0  }
0xee: {  	s9 =	simm.s32 $0x2940;
	[sflag:s19] =	ssyncadd.s32 $0xFFFFEC00  }
0xef: {  	s6 =	sand.u32 $0x3800, s24;
	s26 =	sand.u32 $0x380, s24;
	v12 =	vld [tilespmem:s9+$0xFFFFFFD0]  }
0xf0: {  	s23 =	sor.u32 s26, s6;
	v13 =	vld [tilespmem:s9+$0xFFFFFFC0]  }
0xf1: {  	v14 =	vld [tilespmem:s23+$0x110]  }
0xf2: {  	v15 =	vld [tilespmem:s23+$0x100]  }
0xf3: {  	v16 =	vld [tilespmem:s9+$0xFFFFFFE0]  }
0xf4: {  	v17 =	vld [tilespmem:s23+$0x120]  }
0xf5: {  	v18 =	vld [tilespmem:s9+$0xFFFFFFF0]  }
0xf6: {  	v19 =	vld [tilespmem:s23+$0x130]  }
0xf7: {  	v12 =	vmul.f32 v12, v14;
	v14 =	vld [tilespmem:s9+$0x0];
	v13 =	vmul.f32 v13, v15  }
0xf8: {  	v15 =	vld [tilespmem:s23+$0x140]  }
0xf9: {  	v60 =	vld [tilespmem:s9+$0x10];
	v16 =	vmul.f32 v16, v17;
	v12 =	vadd.f32 v12, v13  }
0xfa: {  	v13 =	vld [tilespmem:s23+$0x150]  }
0xfb: {  	v61 =	vld [tilespmem:s9+$0x20];
	v18 =	vmul.f32 v18, v19;
	v12 =	vadd.f32 v16, v12  }
0xfc: {  	v62 =	vld [tilespmem:s23+$0x160]  }
0xfd: {  	v63 =	vld [tilespmem:s23+$0x170];
	v14 =	vmul.f32 v14, v15;
	v12 =	vadd.f32 v18, v12  }
0xfe: {  	v15 =	vld [tilespmem:s9+$0x30]  }
0xff: {  	v13 =	vmul.f32 v60, v13;
	v12 =	vadd.f32 v14, v12;
	_ =	sdelay $0x1  }
0x100: {  	v14 =	vmul.f32 v61, v62;
	v12 =	vadd.f32 v13, v12;
	_ =	sdelay $0x1  }
0x101: {  	v13 =	vmul.f32 v15, v63;
	v12 =	vadd.f32 v14, v12;
	_ =	sdelay $0x1  }
0x102: {  	v12 =	vadd.f32 v13, v12;
	_ =	sdelay $0x1  }
0x103: {  	(xrf2) =	vadd.scan.msk.f32 $0xffff, v12;
	_ =	sdelay $0x9  }
0x104: {  	v12, _, _ =	vpop (xrf2)  }
0x105: {  	v12 =	vmul.f32 $1.442695020e+00, v12;
	_ =	sdelay $0x1  }
0x106: {  	v12 =	vbroadcast v12, $0xF;
	_ =	sdelay $0x1  }
0x107: {  	(erf) = vpow2.f32 v12;
	_ =	sdelay $0x4  }
0x108: {  	v13 =	vld [tilespmem:s23+$0x500];
	_ =	sdelay $0x3  }
0x109: {  	v12 =	vpop (erf)  }
0x10a: {  	v13 =	vmul.f32 v12, v13  }
0x10b: {  	s26 =	simm.s32 $0x3D40  }
0x10c: {  	[tilespmem:s26+$0xFFFFFFC0] =	vst v13  }
0x10d: {  	v13 =	vld [tilespmem:s23+$0x510];
	_ =	sdelay $0x4  }
0x10e: {  	v13 =	vmul.f32 v12, v13;
	_ =	sdelay $0x1  }
0x10f: {  	[tilespmem:s26+$0xFFFFFFD0] =	vst v13  }
0x110: {  	v13 =	vld [tilespmem:s23+$0x520];
	_ =	sdelay $0x4  }
0x111: {  	v13 =	vmul.f32 v12, v13;
	_ =	sdelay $0x1  }
0x112: {  	[tilespmem:s26+$0xFFFFFFE0] =	vst v13  }
0x113: {  	v13 =	vld [tilespmem:s23+$0x530];
	_ =	sdelay $0x4  }
0x114: {  	v13 =	vmul.f32 v13, v12;
	_ =	sdelay $0x1  }
0x115: {  	[tilespmem:s26+$0xFFFFFFF0] =	vst v13  }
0x116: {  	v13 =	vld [tilespmem:s23+$0x540];
	_ =	sdelay $0x4  }
0x117: {  	v13 =	vmul.f32 v13, v12;
	_ =	sdelay $0x1  }
0x118: {  	[tilespmem:s26+$0x0] =	vst v13  }
0x119: {  	v13 =	vld [tilespmem:s23+$0x550];
	_ =	sdelay $0x4  }
0x11a: {  	v13 =	vmul.f32 v13, v12;
	_ =	sdelay $0x1  }
0x11b: {  	[tilespmem:s26+$0x10] =	vst v13  }
0x11c: {  	v13 =	vld [tilespmem:s23+$0x560];
	_ =	sdelay $0x4  }
0x11d: {  	v13 =	vmul.f32 v13, v12;
	_ =	sdelay $0x1  }
0x11e: {  	[tilespmem:s26+$0x20] =	vst v13  }
0x11f: {  	v13 =	vld [tilespmem:s23+$0x570];
	_ =	sdelay $0x3  }
0x120: {  	s28 =	simm.s32 $0x6100;
	s29 =	simm.s32 $0x100  }
0x121: {  	s30 =	simm.s32 $0x29C0;
	s31 =	simm.s32 $0x6100;
	s9 =	simm.s32 $0x0;
	v13 =	vmul.f32 v13, v12  }
.LBB2_7:
0x122: {  	s28 =	sadd.s32 $0x80, s28  }
0x123: {  	[tilespmem:s26+$0x30] =	vst v13;
	s9 =	sadd.s32 $0x80, s9;
	s26 =	sadd.s32 $0x80, s26;
	s23 =	smov.u32 s29  }
0x124: {  	p1 =	sne.s32 s29, $0x2700;
	s29 =	sadd.s32 $0x100, s29;
	[tilespmem:s31+$0x0] =	vst v12;
	s31 =	smov.u32 s28  }
0x125: {  	v12 =	vld [tilespmem:s30+$0xFFFFFFE0]  }
0x126: {  	s23 =	sand.u32 $0x3800, s23;
	s6 =	sand.u32 $0x380, s9;
	v13 =	vld [tilespmem:s30+$0xFFFFFFD0]  }
0x127: {  	s23 =	sor.u32 s6, s23;
	v14 =	vld [tilespmem:s30+$0xFFFFFFC0]  }
0x128: {  	v15 =	vld [tilespmem:s23+$0x110]  }
0x129: {  	v16 =	vld [tilespmem:s23+$0x100]  }
0x12a: {  	v17 =	vld [tilespmem:s23+$0x120]  }
0x12b: {  	v18 =	vld [tilespmem:s30+$0xFFFFFFF0]  }
0x12c: {  	v19 =	vld [tilespmem:s23+$0x130]  }
0x12d: {  	v13 =	vmul.f32 v13, v15;
	v15 =	vld [tilespmem:s30+$0x0]  }
0x12e: {  	v14 =	vmul.f32 v14, v16;
	v16 =	vld [tilespmem:s23+$0x140]  }
0x12f: {  	v12 =	vmul.f32 v12, v17;
	v17 =	vld [tilespmem:s30+$0x10]  }
0x130: {  	v13 =	vadd.f32 v13, v14;
	v14 =	vld [tilespmem:s23+$0x150]  }
0x131: {  	v18 =	vmul.f32 v18, v19;
	v19 =	vld [tilespmem:s30+$0x20]  }
0x132: {  	v12 =	vadd.f32 v12, v13;
	v13 =	vld [tilespmem:s23+$0x160]  }
0x133: {  	v15 =	vmul.f32 v15, v16;
	v16 =	vld [tilespmem:s30+$0x30]  }
0x134: {  	v12 =	vadd.f32 v18, v12;
	v18 =	vld [tilespmem:s23+$0x170]  }
0x135: {  	v14 =	vmul.f32 v17, v14  }
0x136: {  	v12 =	vadd.f32 v15, v12  }
0x137: {  	v13 =	vmul.f32 v19, v13  }
0x138: {  	v12 =	vadd.f32 v14, v12  }
0x139: {  	v14 =	vmul.f32 v16, v18  }
0x13a: {  	v12 =	vadd.f32 v13, v12;
	_ =	sdelay $0x1  }
0x13b: {  	v12 =	vadd.f32 v14, v12;
	_ =	sdelay $0x1  }
0x13c: {  	(xrf2) =	vadd.scan.msk.f32 $0xffff, v12;
	_ =	sdelay $0x9  }
0x13d: {  	v12, _, _ =	vpop (xrf2)  }
0x13e: {  	v12 =	vmul.f32 $1.442695020e+00, v12;
	_ =	sdelay $0x1  }
0x13f: {  	v12 =	vbroadcast v12, $0xF;
	_ =	sdelay $0x1  }
0x140: {  	(erf) = vpow2.f32 v12;
	_ =	sdelay $0x3  }
0x141: {  	v13 =	vld [tilespmem:s23+$0x500];
	_ =	sdelay $0x4  }
0x142: {  	v12 =	vpop (erf)  }
0x143: {  	v13 =	vmul.f32 v12, v13;
	_ =	sdelay $0x1  }
0x144: {  	[tilespmem:s26+$0xFFFFFFC0] =	vst v13  }
0x145: {  	v13 =	vld [tilespmem:s23+$0x510];
	_ =	sdelay $0x4  }
0x146: {  	v13 =	vmul.f32 v12, v13;
	_ =	sdelay $0x1  }
0x147: {  	[tilespmem:s26+$0xFFFFFFD0] =	vst v13  }
0x148: {  	v13 =	vld [tilespmem:s23+$0x520];
	_ =	sdelay $0x4  }
0x149: {  	v13 =	vmul.f32 v12, v13;
	_ =	sdelay $0x1  }
0x14a: {  	[tilespmem:s26+$0xFFFFFFE0] =	vst v13  }
0x14b: {  	v13 =	vld [tilespmem:s23+$0x530];
	_ =	sdelay $0x4  }
0x14c: {  	v13 =	vmul.f32 v13, v12;
	_ =	sdelay $0x1  }
0x14d: {  	[tilespmem:s26+$0xFFFFFFF0] =	vst v13  }
0x14e: {  	v13 =	vld [tilespmem:s23+$0x540];
	_ =	sdelay $0x4  }
0x14f: {  	v13 =	vmul.f32 v13, v12;
	_ =	sdelay $0x1  }
0x150: {  	[tilespmem:s26+$0x0] =	vst v13  }
0x151: {  	v13 =	vld [tilespmem:s23+$0x550];
	_ =	sdelay $0x4  }
0x152: {  	v13 =	vmul.f32 v13, v12;
	_ =	sdelay $0x1  }
0x153: {  	[tilespmem:s26+$0x10] =	vst v13  }
0x154: {  	v13 =	vld [tilespmem:s23+$0x560];
	_ =	sdelay $0x4  }
0x155: {  	v13 =	vmul.f32 v13, v12;
	_ =	sdelay $0x1  }
0x156: {  	[tilespmem:s26+$0x20] =	vst v13  }
0x157: {  	v13 =	vld [tilespmem:s23+$0x570];
	_ =	sdelay $0x1  }
.Ltmp2:
0x158: {  	(pc) =	sbr.rel @p1 .LBB2_7-.Ltmp2, $3  }
0x159: {  	_ =	sdelay $0x1  }
0x15a: {  	v13 =	vmul.f32 v13, v12  }
0x15b: {  	s30 =	sadd.s32 $0x80, s30  }
0x15c: {  	[tilespmem:s26+$0x30] =	vst v13  }
0x15d: {  	[tilespmem:s31+$0x0] =	vst v12  }
0x15e: {  	v12 =	vld [tilespmem:$0x80];
	_ =	sdelay $0x4  }
0x15f: {  	v57 =	vshra.s32 v12, $0x1F  }
0x160: {  	v13 =	vshrl.u32 v57, $0x19  }
0x161: {  	v13 =	vadd.s32 v13, v12  }
0x162: {  	v13 =	vshra.s32 v13, $0x7  }
0x163: {  	v14 =	vshll.u32 v13, $0x7  }
0x164: {  	vm1 =	vlt.s32 v12, $0x1;
	vm2 =	vne.s32 v12, v14  }
0x165: {  	vm1 =	vmand vm1, vm2  }
0x166: {  	v58 =	vsel vm1, $0xFFFFFFFF, v10  }
0x167: {  	v13 =	vadd.s32 v58, v13  }
0x168: {  	v12 =	vand.u32 $0x7F, v12;
	v13 =	vshll.u32 v13, $0x7  }
0x169: {  	v59 =	vld.idx.msk [tilespmem:v6+s20+$0x0], $0xffff;
	v12 =	vor.u32 v12, v13;
	_ =	sdelay $0x4  }
0x16a: {  	[tilespmem:v12+s21+$0x0] =	vst.idx.add.f32.msk $0xffff, v59  }
0x16b: {  	v12 =	vld [tilespmem:$0x90];
	_ =	sdelay $0x4  }
0x16c: {  	v60 =	vshra.s32 v12, $0x1F  }
0x16d: {  	v13 =	vshrl.u32 v60, $0x19  }
0x16e: {  	v13 =	vadd.s32 v13, v12  }
0x16f: {  	v61 =	vand.u32 $0xFFFFFF80, v13  }
0x170: {  	vm1 =	vlt.s32 v12, $0x1;
	vm2 =	vne.s32 v12, v61  }
0x171: {  	vm1 =	vmand vm1, vm2  }
0x172: {  	v13 =	vshrl.u32 v13, $0x7;
	v62 =	vsel vm1, $0xFFFFFFFF, v10  }
0x173: {  	v13 =	vadd.s32 v62, v13  }
0x174: {  	v12 =	vand.u32 $0x7F, v12;
	v13 =	vshll.u32 v13, $0x7  }
0x175: {  	v63 =	vld.idx.msk [tilespmem:v11+s20+$0x0], $0xffff;
	v12 =	vor.u32 v12, v13;
	_ =	sdelay $0x2  }
0x176: {  	s25 =	sadd.s32 $0x1, s25  }
0x177: {  	p1 =	sne.s32 s25, $0xFA  }
.Ltmp3:
0x178: {  	[tilespmem:v12+s21+$0x0] =	vst.idx.add.f32.msk $0xffff, v63;
	(pc) =	sbr.rel @p1 .LBB2_6-.Ltmp3, $4  }
0x179: {  	[spmem:s4] =	stream.indirect.scatter.add.f32 [tilespmem:s22], [sflag:$0x3], $0x80, s0, s16, $0xb8;
	[tilespmem:$0x1E000] =	vst v63  }
0x17a: {  	_ =	swait.ge [sflag:s5], $0x1400  }
0x17b: {  	[sflag:s5] =	ssyncset.done $0x0  }
0x17c: {  	[sflag:s5] =	ssyncadd.s32 $0xFFFFEC00  }
0x17d: {  	s6 =	rddreg [dreg:$0x4];
	s9 =	simm.s32 $0x50;
	s23 =	simm.s32 $0x9D00  }
0x17e: {  	[spmem:s6] =	stream.indirect.scatter.add.f32 [tilespmem:s21], [sflag:$0x3], $0x80, s23, s9, $0xb8;
	[tilespmem:$0x1E000] =	vst v63  }
0x17f: {  	_ =	swait.ge [sflag:s5], $0x2800  }
0x180: {  	[sflag:s5] =	ssyncset.done $0x0  }
0x181: {  	[sflag:s5] =	ssyncadd.s32 $0xFFFFD800  }
0x182: {  	[bflag:$0x0] =	sbarrier.arrive $0xFFFF  }
0x183: {  	s24 =	rddreg [dreg:$0x6]  }
0x184: {  	[tilespmem:s3], [sflag:$0x3] =	stream.linear.gather [spmem:s24], $0x1000, $0x38;
	[tilespmem:$0x1E000] =	vst v63  }
0x185: {  	_ =	swait.ge [sflag:s5], $0x1000  }
0x186: {  	[sflag:s5] =	ssyncset.done $0x0  }
0x187: {  	s6 =	simm.s32 $0x0;
	s23 =	rddreg [dreg:$0x8];
	[sflag:s5] =	ssyncadd.s32 $0xFFFFF000  }
0x188: {  	[hbm4b:s23+s6] =	stream.linear.scatter [tilespmem:s3], [sflag:$0x3], $0x1000, $0x38;
	[tilespmem:$0x1E000] =	vst v63  }
0x189: {  	_ =	swait.ge [sflag:s5], $0x1000  }
0x18a: {  	[sflag:s5] =	ssyncset.done $0x0  }
0x18b: {  	s26 =	rddreg [dreg:$0x1e];
	[sflag:s5] =	ssyncadd.s32 $0xFFFFF000  }
0x18c: {  	[tilespmem:s3], [sflag:$0x3] =	stream.linear.gather [spmem:s26], $0x1000, $0x38;
	[tilespmem:$0x1E000] =	vst v63  }
0x18d: {  	_ =	swait.ge [sflag:s5], $0x1000  }
0x18e: {  	[sflag:s5] =	ssyncset.done $0x0  }
0x18f: {  	s25 =	rddreg [dreg:$0x9];
	[sflag:s5] =	ssyncadd.s32 $0xFFFFF000  }
0x190: {  	[hbm4b:s25+s6] =	stream.linear.scatter [tilespmem:s3], [sflag:$0x3], $0x1000, $0x38;
	[tilespmem:$0x1E000] =	vst v63  }
0x191: {  	_ =	swait.ge [sflag:s5], $0x1000  }
0x192: {  	[sflag:s5] =	ssyncset.done $0x0  }
0x193: {  	s28 =	rddreg [dreg:$0x1f];
	[sflag:s5] =	ssyncadd.s32 $0xFFFFF000  }
0x194: {  	[tilespmem:s3], [sflag:$0x3] =	stream.linear.gather [spmem:s28], $0x1000, $0x38;
	[tilespmem:$0x1E000] =	vst v63  }
0x195: {  	_ =	swait.ge [sflag:s5], $0x1000  }
0x196: {  	[sflag:s5] =	ssyncset.done $0x0  }
0x197: {  	s23 =	rddreg [dreg:$0xa];
	[sflag:s5] =	ssyncadd.s32 $0xFFFFF000  }
0x198: {  	[hbm4b:s23+s6] =	stream.linear.scatter [tilespmem:s3], [sflag:$0x3], $0x1000, $0x38;
	[tilespmem:$0x1E000] =	vst v63  }
0x199: {  	_ =	swait.ge [sflag:s5], $0x1000  }
0x19a: {  	s29 =	sld [smem:$0x7FB]  }
0x19b: {  	[sflag:s5] =	ssyncset.done $0x0  }
0x19c: {  	[sflag:s5] =	ssyncadd.s32 $0xFFFFF000  }
0x19d: {  	[tilespmem:s3], [sflag:$0x3] =	stream.linear.gather [spmem:s29], $0x1000, $0x38;
	[tilespmem:$0x1E000] =	vst v63  }
0x19e: {  	_ =	swait.ge [sflag:s5], $0x1000  }
0x19f: {  	[sflag:s5] =	ssyncset.done $0x0  }
0x1a0: {  	s25 =	rddreg [dreg:$0xb];
	[sflag:s5] =	ssyncadd.s32 $0xFFFFF000  }
0x1a1: {  	[hbm4b:s25+s6] =	stream.linear.scatter [tilespmem:s3], [sflag:$0x3], $0x1000, $0x38;
	[tilespmem:$0x1E000] =	vst v63  }
0x1a2: {  	_ =	swait.ge [sflag:s5], $0x1000  }
0x1a3: {  	s30 =	sld [smem:$0x7FC]  }
0x1a4: {  	[sflag:s5] =	ssyncset.done $0x0  }
0x1a5: {  	[sflag:s5] =	ssyncadd.s32 $0xFFFFF000  }
0x1a6: {  	[tilespmem:s3], [sflag:$0x3] =	stream.linear.gather [spmem:s30], $0x1000, $0x38;
	[tilespmem:$0x1E000] =	vst v63  }
0x1a7: {  	_ =	swait.ge [sflag:s5], $0x1000  }
0x1a8: {  	[sflag:s5] =	ssyncset.done $0x0  }
0x1a9: {  	s23 =	rddreg [dreg:$0xc];
	[sflag:s5] =	ssyncadd.s32 $0xFFFFF000  }
0x1aa: {  	[hbm4b:s23+s6] =	stream.linear.scatter [tilespmem:s3], [sflag:$0x3], $0x1000, $0x38;
	[tilespmem:$0x1E000] =	vst v63  }
0x1ab: {  	_ =	swait.ge [sflag:s5], $0x1000  }
0x1ac: {  	s31 =	sld [smem:$0x7FD]  }
0x1ad: {  	[sflag:s5] =	ssyncset.done $0x0  }
0x1ae: {  	[sflag:s5] =	ssyncadd.s32 $0xFFFFF000  }
0x1af: {  	[tilespmem:s3], [sflag:$0x3] =	stream.linear.gather [spmem:s31], $0x1000, $0x38;
	[tilespmem:$0x1E000] =	vst v63  }
0x1b0: {  	_ =	swait.ge [sflag:s5], $0x1000  }
0x1b1: {  	[sflag:s5] =	ssyncset.done $0x0  }
0x1b2: {  	s25 =	rddreg [dreg:$0xd];
	[sflag:s5] =	ssyncadd.s32 $0xFFFFF000  }
0x1b3: {  	[hbm4b:s25+s6] =	stream.linear.scatter [tilespmem:s3], [sflag:$0x3], $0x1000, $0x38;
	[tilespmem:$0x1E000] =	vst v63  }
0x1b4: {  	_ =	swait.ge [sflag:s5], $0x1000  }
0x1b5: {  	s23 =	sld [smem:$0x7ED]  }
0x1b6: {  	[sflag:s5] =	ssyncset.done $0x0  }
0x1b7: {  	[sflag:s5] =	ssyncadd.s32 $0xFFFFF000  }
0x1b8: {  	[tilespmem:s3], [sflag:$0x3] =	stream.linear.gather [spmem:s23], $0x1000, $0x38;
	[tilespmem:$0x1E000] =	vst v63  }
0x1b9: {  	_ =	swait.ge [sflag:s5], $0x1000  }
0x1ba: {  	[sflag:s5] =	ssyncset.done $0x0  }
0x1bb: {  	s25 =	rddreg [dreg:$0xe];
	[sflag:s5] =	ssyncadd.s32 $0xFFFFF000  }
0x1bc: {  	[hbm4b:s25+s6] =	stream.linear.scatter [tilespmem:s3], [sflag:$0x3], $0x1000, $0x38;
	[tilespmem:$0x1E000] =	vst v63  }
0x1bd: {  	_ =	swait.ge [sflag:s5], $0x1000  }
0x1be: {  	s23 =	sld [smem:$0x7EE]  }
0x1bf: {  	[sflag:s5] =	ssyncset.done $0x0  }
0x1c0: {  	[sflag:s5] =	ssyncadd.s32 $0xFFFFF000  }
0x1c1: {  	[tilespmem:s3], [sflag:$0x3] =	stream.linear.gather [spmem:s23], $0x1000, $0x38;
	[tilespmem:$0x1E000] =	vst v63  }
0x1c2: {  	_ =	swait.ge [sflag:s5], $0x1000  }
0x1c3: {  	[sflag:s5] =	ssyncset.done $0x0  }
0x1c4: {  	s25 =	rddreg [dreg:$0xf];
	[sflag:s5] =	ssyncadd.s32 $0xFFFFF000  }
0x1c5: {  	[hbm4b:s25+s6] =	stream.linear.scatter [tilespmem:s3], [sflag:$0x3], $0x1000, $0x38;
	[tilespmem:$0x1E000] =	vst v63  }
0x1c6: {  	_ =	swait.ge [sflag:s5], $0x1000  }
0x1c7: {  	s23 =	sld [smem:$0x7EF]  }
0x1c8: {  	[sflag:s5] =	ssyncset.done $0x0  }
0x1c9: {  	[sflag:s5] =	ssyncadd.s32 $0xFFFFF000  }
0x1ca: {  	[tilespmem:s3], [sflag:$0x3] =	stream.linear.gather [spmem:s23], $0x1000, $0x38;
	[tilespmem:$0x1E000] =	vst v63  }
0x1cb: {  	_ =	swait.ge [sflag:s5], $0x1000  }
0x1cc: {  	[sflag:s5] =	ssyncset.done $0x0  }
0x1cd: {  	s25 =	rddreg [dreg:$0x10];
	[sflag:s5] =	ssyncadd.s32 $0xFFFFF000  }
0x1ce: {  	[hbm4b:s25+s6] =	stream.linear.scatter [tilespmem:s3], [sflag:$0x3], $0x1000, $0x38;
	[tilespmem:$0x1E000] =	vst v63  }
0x1cf: {  	_ =	swait.ge [sflag:s5], $0x1000  }
0x1d0: {  	s23 =	sld [smem:$0x7F0]  }
0x1d1: {  	[sflag:s5] =	ssyncset.done $0x0  }
0x1d2: {  	[sflag:s5] =	ssyncadd.s32 $0xFFFFF000  }
0x1d3: {  	[tilespmem:s3], [sflag:$0x3] =	stream.linear.gather [spmem:s23], $0x1000, $0x38;
	[tilespmem:$0x1E000] =	vst v63  }
0x1d4: {  	_ =	swait.ge [sflag:s5], $0x1000  }
0x1d5: {  	[sflag:s5] =	ssyncset.done $0x0  }
0x1d6: {  	s25 =	rddreg [dreg:$0x11];
	[sflag:s5] =	ssyncadd.s32 $0xFFFFF000  }
0x1d7: {  	[hbm4b:s25+s6] =	stream.linear.scatter [tilespmem:s3], [sflag:$0x3], $0x1000, $0x38;
	[tilespmem:$0x1E000] =	vst v63  }
0x1d8: {  	_ =	swait.ge [sflag:s5], $0x1000  }
0x1d9: {  	s23 =	sld [smem:$0x7F1]  }
0x1da: {  	[sflag:s5] =	ssyncset.done $0x0  }
0x1db: {  	[sflag:s5] =	ssyncadd.s32 $0xFFFFF000  }
0x1dc: {  	[tilespmem:s3], [sflag:$0x3] =	stream.linear.gather [spmem:s23], $0x1000, $0x38;
	[tilespmem:$0x1E000] =	vst v63  }
0x1dd: {  	_ =	swait.ge [sflag:s5], $0x1000  }
0x1de: {  	[sflag:s5] =	ssyncset.done $0x0  }
0x1df: {  	s25 =	rddreg [dreg:$0x12];
	[sflag:s5] =	ssyncadd.s32 $0xFFFFF000  }
0x1e0: {  	[hbm4b:s25+s6] =	stream.linear.scatter [tilespmem:s3], [sflag:$0x3], $0x1000, $0x38;
	[tilespmem:$0x1E000] =	vst v63  }
0x1e1: {  	_ =	swait.ge [sflag:s5], $0x1000  }
0x1e2: {  	s23 =	sld [smem:$0x7F2]  }
0x1e3: {  	[sflag:s5] =	ssyncset.done $0x0  }
0x1e4: {  	[sflag:s5] =	ssyncadd.s32 $0xFFFFF000  }
0x1e5: {  	[tilespmem:s3], [sflag:$0x3] =	stream.linear.gather [spmem:s23], $0x1000, $0x38;
	[tilespmem:$0x1E000] =	vst v63  }
0x1e6: {  	_ =	swait.ge [sflag:s5], $0x1000  }
0x1e7: {  	[sflag:s5] =	ssyncset.done $0x0  }
0x1e8: {  	s25 =	rddreg [dreg:$0x13];
	[sflag:s5] =	ssyncadd.s32 $0xFFFFF000  }
0x1e9: {  	[hbm4b:s25+s6] =	stream.linear.scatter [tilespmem:s3], [sflag:$0x3], $0x1000, $0x38;
	[tilespmem:$0x1E000] =	vst v63  }
0x1ea: {  	_ =	swait.ge [sflag:s5], $0x1000  }
0x1eb: {  	s23 =	sld [smem:$0x7F3]  }
0x1ec: {  	[sflag:s5] =	ssyncset.done $0x0  }
0x1ed: {  	[sflag:s5] =	ssyncadd.s32 $0xFFFFF000  }
0x1ee: {  	[tilespmem:s3], [sflag:$0x3] =	stream.linear.gather [spmem:s23], $0x1000, $0x38;
	[tilespmem:$0x1E000] =	vst v63  }
0x1ef: {  	_ =	swait.ge [sflag:s5], $0x1000  }
0x1f0: {  	[sflag:s5] =	ssyncset.done $0x0  }
0x1f1: {  	s25 =	rddreg [dreg:$0x14];
	[sflag:s5] =	ssyncadd.s32 $0xFFFFF000  }
0x1f2: {  	[hbm4b:s25+s6] =	stream.linear.scatter [tilespmem:s3], [sflag:$0x3], $0x1000, $0x38;
	[tilespmem:$0x1E000] =	vst v63  }
0x1f3: {  	_ =	swait.ge [sflag:s5], $0x1000  }
0x1f4: {  	s23 =	sld [smem:$0x7F4]  }
0x1f5: {  	[sflag:s5] =	ssyncset.done $0x0  }
0x1f6: {  	[sflag:s5] =	ssyncadd.s32 $0xFFFFF000  }
0x1f7: {  	[tilespmem:s3], [sflag:$0x3] =	stream.linear.gather [spmem:s23], $0x1000, $0x38;
	[tilespmem:$0x1E000] =	vst v63  }
0x1f8: {  	_ =	swait.ge [sflag:s5], $0x1000  }
0x1f9: {  	[sflag:s5] =	ssyncset.done $0x0  }
0x1fa: {  	s25 =	rddreg [dreg:$0x15];
	[sflag:s5] =	ssyncadd.s32 $0xFFFFF000  }
0x1fb: {  	[hbm4b:s25+s6] =	stream.linear.scatter [tilespmem:s3], [sflag:$0x3], $0x1000, $0x38;
	[tilespmem:$0x1E000] =	vst v63  }
0x1fc: {  	_ =	swait.ge [sflag:s5], $0x1000  }
0x1fd: {  	s23 =	sld [smem:$0x7F5]  }
0x1fe: {  	[sflag:s5] =	ssyncset.done $0x0  }
0x1ff: {  	[sflag:s5] =	ssyncadd.s32 $0xFFFFF000  }
0x200: {  	[tilespmem:s3], [sflag:$0x3] =	stream.linear.gather [spmem:s23], $0x1000, $0x38;
	[tilespmem:$0x1E000] =	vst v63  }
0x201: {  	_ =	swait.ge [sflag:s5], $0x1000  }
0x202: {  	[sflag:s5] =	ssyncset.done $0x0  }
0x203: {  	s25 =	rddreg [dreg:$0x16];
	[sflag:s5] =	ssyncadd.s32 $0xFFFFF000  }
0x204: {  	[hbm4b:s25+s6] =	stream.linear.scatter [tilespmem:s3], [sflag:$0x3], $0x1000, $0x38;
	[tilespmem:$0x1E000] =	vst v63  }
0x205: {  	_ =	swait.ge [sflag:s5], $0x1000  }
0x206: {  	s23 =	sld [smem:$0x7F6]  }
0x207: {  	[sflag:s5] =	ssyncset.done $0x0  }
0x208: {  	[sflag:s5] =	ssyncadd.s32 $0xFFFFF000  }
0x209: {  	[tilespmem:s3], [sflag:$0x3] =	stream.linear.gather [spmem:s23], $0x1000, $0x38;
	[tilespmem:$0x1E000] =	vst v63  }
0x20a: {  	_ =	swait.ge [sflag:s5], $0x1000  }
0x20b: {  	[sflag:s5] =	ssyncset.done $0x0  }
0x20c: {  	s25 =	rddreg [dreg:$0x17];
	[sflag:s5] =	ssyncadd.s32 $0xFFFFF000  }
0x20d: {  	[hbm4b:s25+s6] =	stream.linear.scatter [tilespmem:s3], [sflag:$0x3], $0x1000, $0x38;
	[tilespmem:$0x1E000] =	vst v63  }
0x20e: {  	_ =	swait.ge [sflag:s5], $0x1000  }
0x20f: {  	s23 =	sld [smem:$0x7F7]  }
0x210: {  	[sflag:s5] =	ssyncset.done $0x0  }
0x211: {  	[sflag:s5] =	ssyncadd.s32 $0xFFFFF000  }
0x212: {  	[tilespmem:s3], [sflag:$0x3] =	stream.linear.gather [spmem:s23], $0x1000, $0x38;
	[tilespmem:$0x1E000] =	vst v63  }
0x213: {  	_ =	swait.ge [sflag:s5], $0x1000  }
0x214: {  	[sflag:s5] =	ssyncset.done $0x0  }
0x215: {  	s25 =	rddreg [dreg:$0x18];
	[sflag:s5] =	ssyncadd.s32 $0xFFFFF000  }
0x216: {  	[hbm4b:s25+s6] =	stream.linear.scatter [tilespmem:s3], [sflag:$0x3], $0x1000, $0x38;
	[tilespmem:$0x1E000] =	vst v63  }
0x217: {  	_ =	swait.ge [sflag:s5], $0x1000  }
0x218: {  	s23 =	sld [smem:$0x7F8]  }
0x219: {  	[sflag:s5] =	ssyncset.done $0x0  }
0x21a: {  	[sflag:s5] =	ssyncadd.s32 $0xFFFFF000  }
0x21b: {  	[tilespmem:s3], [sflag:$0x3] =	stream.linear.gather [spmem:s23], $0x1000, $0x38;
	[tilespmem:$0x1E000] =	vst v63  }
0x21c: {  	_ =	swait.ge [sflag:s5], $0x1000  }
0x21d: {  	[sflag:s5] =	ssyncset.done $0x0  }
0x21e: {  	s25 =	rddreg [dreg:$0x19];
	[sflag:s5] =	ssyncadd.s32 $0xFFFFF000  }
0x21f: {  	[hbm4b:s25+s6] =	stream.linear.scatter [tilespmem:s3], [sflag:$0x3], $0x1000, $0x38;
	[tilespmem:$0x1E000] =	vst v63  }
0x220: {  	_ =	swait.ge [sflag:s5], $0x1000  }
0x221: {  	s23 =	sld [smem:$0x7F9]  }
0x222: {  	[sflag:s5] =	ssyncset.done $0x0  }
0x223: {  	[sflag:s5] =	ssyncadd.s32 $0xFFFFF000  }
0x224: {  	[tilespmem:s3], [sflag:$0x3] =	stream.linear.gather [spmem:s23], $0x1000, $0x38;
	[tilespmem:$0x1E000] =	vst v63  }
0x225: {  	_ =	swait.ge [sflag:s5], $0x1000  }
0x226: {  	[sflag:s5] =	ssyncset.done $0x0  }
0x227: {  	s25 =	rddreg [dreg:$0x1a];
	[sflag:s5] =	ssyncadd.s32 $0xFFFFF000  }
0x228: {  	[hbm4b:s25+s6] =	stream.linear.scatter [tilespmem:s3], [sflag:$0x3], $0x1000, $0x38;
	[tilespmem:$0x1E000] =	vst v63  }
0x229: {  	_ =	swait.ge [sflag:s5], $0x1000  }
0x22a: {  	s23 =	sld [smem:$0x7FA]  }
0x22b: {  	[sflag:s5] =	ssyncset.done $0x0  }
0x22c: {  	[sflag:s5] =	ssyncadd.s32 $0xFFFFF000  }
0x22d: {  	[tilespmem:s3], [sflag:$0x3] =	stream.linear.gather [spmem:s23], $0x1000, $0x38;
	[tilespmem:$0x1E000] =	vst v63  }
0x22e: {  	_ =	swait.ge [sflag:s5], $0x1000  }
0x22f: {  	[sflag:s5] =	ssyncset.done $0x0  }
0x230: {  	s25 =	rddreg [dreg:$0x1b];
	[sflag:s5] =	ssyncadd.s32 $0xFFFFF000  }
0x231: {  	[hbm4b:s25+s6] =	stream.linear.scatter [tilespmem:s3], [sflag:$0x3], $0x1000, $0x38;
	[tilespmem:$0x1E000] =	vst v63  }
0x232: {  	s6 =	stileid.u32  }
0x233: {  	_ =	swait.ge [sflag:s5], $0x1000;
	s6 =	sshll.u32 @!p0 s6, $0x6  }
0x234: {  	[sflag:s5] =	ssyncset.done $0x0;
	s6 =	sor.u32 @!p0 $0x1C03, s6;
	s25 =	rddreg [dreg:$0x7]  }
0x235: {  	s23 =	rddreg [dreg:$0x1c];
	[sflag:s5] =	ssyncadd.s32 $0xFFFFF000;
	s9 =	sshrl.u32 @!p0 s25, $0x3  }
0x236: {  	[hbm:s23], [sflag:s6] =	dma.local @!p0 [spmem:s9], $0x80  }
0x237: {  	s6 =	simm.s32 @!p0 $0x3  }
0x238: {  	_ =	swait.ge @!p0 [sflag:s6], $0x80  }
0x239: {  	s9 =	sld [smem:$0x7EC];
	_ =	sdelay $0x2  }
0x23a: {  	s23 =	sadd.s32 $0x1, s9;
	s9 =	rddreg [dreg:$0x1d]  }
0x23b: {  	p1 =	sne.s32 s23, s9  }
.Ltmp4:
0x23c: {  	_ = 	snop;
	(pc) =	sbr.rel @p1 .LBB2_1-.Ltmp4, $3  }
0x23d: {  	_ =	sdelay $0x1  }
0x23e: {  	[sflag:s6] =	ssyncset.done @!p0 $0x0  }
0x23f: {  	[sflag:s6] =	ssyncadd.s32 @!p0 $0xFFFFFF80  }
0x240: {  	_ =	sfence.sel $0x180000  }
0x241: {  	[bflag:$0x0] =	sbarrier.arrive $0xFFFF  }
0x242: {  	_ =	strace $0x90000047  }
0x243: {  	s0 =	stileid.u32;
	[bflag:$0x2] =	sbarrier.arrive $0xFFFF  }
0x244: {  	p0 =	sne.s32 s0, $0x0;
	s0 =	rddreg [dreg:$0x5]  }
0x245: {  	s0 =	sadd.s32 @!p0 $0x100000, s0  }
0x246: {  	[sflag:s0] =	ssyncadd.tile.s32 @!p0 $0x1;
	_ =	shalt  }
.Lfunc_end2:
_tile_overlayer_lowered:
.L_overlay_start_2:
0x247: {  	(tag) =	ssettag $0x2  }
0x248: {  	s0 =	rddreg [dreg:$0x0];
	s2 =	stileid.u32  }
0x249: {  	s1 =	rddreg [dreg:$0x1];
	p0 =	sne.s32 s2, $0x0  }
0x24a: {  	s3 =	rddreg [dreg:$0x2];
	[bflag:$0x3] =	sbarrier.arrive $0xFFFF;
	s2 =	simm.s32 @!p0 $0x1C03  }
0x24b: {  	[timem:s3], [sflag:s2] =	dma.local @!p0 [hbm:s0], s1  }
0x24c: {  	s0 =	simm.s32 @!p0 $0x3  }
0x24d: {  	_ =	swait.ge @!p0 [sflag:s0], s1  }
0x24e: {  	s1 =	ssub.s32 @!p0 $0x0, s1;
	[sflag:s0] =	ssyncset.done @!p0 $0x0  }
0x24f: {  	[sflag:s0] =	ssyncadd.s32 @!p0 s1  }
0x250: {  	[bflag:$0x3] =	sbarrier.arrive $0xFFFF  }
0x251: {  	_ =	shalt  }

</sc_bundles>
